<compile_context>
chip_gen: v7x
topology: tpu7x:2x2x1
jax: 0.10.2.dev20260603
libtpu: 0.0.44.dev20260713+nightly
codegen_flags: <defaults>
</compile_context>

<pallas_src>
import functools

import jax
import jax.numpy as jnp
from jax import lax
from jax.experimental import pallas as pl
from jax.experimental.pallas import tpu as pltpu
from jax.experimental.pallas import tpu_sc as plsc

N = 10000
E = 320000
D = 128
H = 64
NEQ = 16
EMB = 8
DIN = D + EMB

NC = 2
NS = 16
TILES = NC * NS
T = E // TILES
C = 80
K = T // C
N_PAD = 10240
RPS = N_PAD // NS
ZR = 128

BN = 1000
NB = N // BN



def _sc_agg_body(W, h_hbm, src_hbm, dst_hbm, out_hbm,
                 srcall, dstall, rows0, rows1, acc, gs0, gs1):
    c = lax.axis_index("c")
    s = lax.axis_index("s")

    tile = c * NS + s
    pltpu.sync_copy(src_hbm.at[pl.ds(tile * K, K)], srcall)
    pltpu.sync_copy(dst_hbm.at[pl.ds(tile * K, K)], dstall)

    zero16 = jnp.zeros((16,), jnp.float32)
    offs = list(range(0, W - 15, 16))
    if offs[-1] + 16 < W:
        offs.append(W - 16)

    def zrow(i, carry):
        for o in offs:
            rows0[i, pl.ds(o, 16)] = zero16
        return carry

    lax.fori_loop(0, C, zrow, None)
    for r in range(RPS // C):
        pltpu.sync_copy(rows0, acc.at[pl.ds(s * RPS + r * C, C)])
    plsc.subcore_barrier()

    pltpu.async_copy(h_hbm.at[srcall.at[0]], rows0, gs0)

    def group(g, carry):
        t0 = 2 * g
        pltpu.async_copy(h_hbm.at[srcall.at[t0 + 1]], rows1, gs1)
        pltpu.make_async_copy(h_hbm.at[srcall.at[t0]], rows0, gs0).wait()
        pltpu.sync_copy(rows0, acc.at[dstall.at[t0]], add=True)
        pltpu.async_copy(h_hbm.at[srcall.at[t0 + 2]], rows0, gs0)
        pltpu.make_async_copy(h_hbm.at[srcall.at[t0 + 1]], rows1, gs1).wait()
        pltpu.sync_copy(rows1, acc.at[dstall.at[t0 + 1]], add=True)
        return carry

    lax.fori_loop(0, (K - 1) // 2, group, None)
    pltpu.make_async_copy(h_hbm.at[srcall.at[K - 1]], rows0, gs0).wait()
    pltpu.sync_copy(rows0, acc.at[dstall.at[K - 1]], add=True)
    plsc.subcore_barrier()

    pltpu.sync_copy(acc.at[pl.ds(s * RPS, RPS)],
                    out_hbm.at[pl.ds(c * N_PAD + s * RPS, RPS)])


@functools.cache
def _make_sc_agg(W):
    return pl.kernel(
        functools.partial(_sc_agg_body, W),
        out_type=jax.ShapeDtypeStruct((2 * N_PAD, W), jnp.float32),
        mesh=plsc.VectorSubcoreMesh(core_axis_name="c", subcore_axis_name="s",
                                    num_cores=NC, num_subcores=NS),
        scratch_types=[
            pltpu.VMEM((K, C), jnp.int32),
            pltpu.VMEM((K, C), jnp.int32),
            pltpu.VMEM((C, W), jnp.float32),
            pltpu.VMEM((C, W), jnp.float32),
            pltpu.VMEM_SHARED((N_PAD, W), jnp.float32),
            pltpu.SemaphoreType.DMA,
            pltpu.SemaphoreType.DMA,
        ],
        compiler_params=pltpu.CompilerParams(use_tc_tiling_on_sc=False),
    )


def _sc_agg(h, src, dst):
    return _make_sc_agg(h.shape[1])(h, src.reshape(TILES * K, C),
                                    dst.reshape(TILES * K, C))



def _h0_body(x_ref, eq_ref, tab_ref, o_ref):
    labels = eq_ref[0, 0, :]
    emb = jnp.zeros((BN, EMB), jnp.float32)
    for k in range(NEQ):
        mk = (labels == k).astype(jnp.float32)[:, None]
        emb = emb + mk * tab_ref[k:k + 1, :]
    o_ref[...] = jnp.concatenate([x_ref[...], emb], axis=1)


def _h0(x, eq_labels, eq_table):
    eq3 = eq_labels.reshape(NB, 1, BN)
    return pl.pallas_call(
        _h0_body,
        grid=(NB,),
        in_specs=[
            pl.BlockSpec((BN, D), lambda b: (b, 0)),
            pl.BlockSpec((1, 1, BN), lambda b: (b, 0, 0)),
            pl.BlockSpec((NEQ, EMB), lambda b: (0, 0)),
        ],
        out_specs=pl.BlockSpec((BN, DIN), lambda b: (b, 0)),
        out_shape=jax.ShapeDtypeStruct((N, DIN), jnp.float32),
    )(x, eq3, eq_table)


def _layer_body(readout, eps_ref, h_ref, parts_ref, wa_ref, ba_ref, wb_ref,
                bb_ref, g_ref, be_ref, wf_ref, bf_ref, o_ref,
                z_scr, s_scr, ssq_scr):
    ph = pl.program_id(0)
    b = pl.program_id(1)

    @pl.when(ph == 0)
    def _mlp():
        agg = parts_ref[0] + parts_ref[1]
        z = (1.0 + eps_ref[0]) * h_ref[...] + agg
        a = jnp.maximum(
            jnp.dot(z, wa_ref[...], preferred_element_type=jnp.float32)
            + ba_ref[...], 0.0)
        z2 = jnp.maximum(
            jnp.dot(a, wb_ref[...], preferred_element_type=jnp.float32)
            + bb_ref[...], 0.0)
        z_scr[pl.ds(b * BN, BN), :] = z2

    @pl.when((ph == 1) & (b == 0))
    def _stats():
        def ksum(read):
            def body(i, carry):
                s8, c8 = carry
                y = read(i) - c8
                t = s8 + y
                return (t, (t - s8) - y)

            s8, _ = lax.fori_loop(
                0, N // 8, body,
                (jnp.zeros((8, H), jnp.float32),
                 jnp.zeros((8, H), jnp.float32)))
            s = s8[0:1]
            c = jnp.zeros((1, H), jnp.float32)
            for k in range(1, 8):
                y = s8[k:k + 1] - c
                t = s + y
                c = (t - s) - y
                s = t
            return s

        s = ksum(lambda i: z_scr[pl.ds(i * 8, 8), :])
        s_scr[...] = s
        mu = s / N

        def dsq(i):
            d = z_scr[pl.ds(i * 8, 8), :] - mu
            return d * d

        ssq_scr[...] = ksum(dsq)

    @pl.when(ph == 2)
    def _norm():
        mu = s_scr[...] / N
        var = ssq_scr[...] / N
        zn = ((z_scr[pl.ds(b * BN, BN), :] - mu) / jnp.sqrt(var + 1e-5)
              * g_ref[...] + be_ref[...])
        hh = jnp.maximum(zn, 0.0)
        if readout:
            o_ref[...] = (jnp.dot(hh, wf_ref[...],
                                  preferred_element_type=jnp.float32)
                          + bf_ref[...])
        else:
            o_ref[...] = hh


def _layer(eps, h, parts, Wa, ba, Wb, bb, g, be, Wf, bf):
    Wd = h.shape[1]
    readout = Wf is not None
    dout = 1 if readout else H
    if not readout:
        Wf = jnp.zeros((1, 1), jnp.float32)
        bf = jnp.zeros((1,), jnp.float32)
    wf_shape = Wf.shape
    return pl.pallas_call(
        functools.partial(_layer_body, readout),
        grid=(3, NB),
        in_specs=[
            pl.BlockSpec(memory_space=pltpu.SMEM),
            pl.BlockSpec((BN, Wd), lambda ph, b: (jnp.where(ph == 0, b, 0), 0)),
            pl.BlockSpec((2, BN, Wd),
                         lambda ph, b: (0, jnp.where(ph == 0, b, 0), 0)),
            pl.BlockSpec((Wd, H), lambda ph, b: (0, 0)),
            pl.BlockSpec((1, H), lambda ph, b: (0, 0)),
            pl.BlockSpec((H, H), lambda ph, b: (0, 0)),
            pl.BlockSpec((1, H), lambda ph, b: (0, 0)),
            pl.BlockSpec((1, H), lambda ph, b: (0, 0)),
            pl.BlockSpec((1, H), lambda ph, b: (0, 0)),
            pl.BlockSpec(wf_shape, lambda ph, b: (0, 0)),
            pl.BlockSpec((1, 1), lambda ph, b: (0, 0)),
        ],
        out_specs=pl.BlockSpec((BN, dout),
                               lambda ph, b: (jnp.where(ph == 2, b, 0), 0)),
        out_shape=jax.ShapeDtypeStruct((N, dout), jnp.float32),
        scratch_shapes=[
            pltpu.VMEM((N, H), jnp.float32),
            pltpu.VMEM((1, H), jnp.float32),
            pltpu.VMEM((1, H), jnp.float32),
        ],
    )(jnp.reshape(eps, (1,)), h, parts.reshape(2, N_PAD, Wd), Wa,
      ba.reshape(1, H), Wb, bb.reshape(1, H), g.reshape(1, H),
      be.reshape(1, H), Wf, bf.reshape(1, 1))


def kernel(x, edge_index, eq_labels, batch, eq_table, eps0, W0a, b0a, W0b,
           b0b, g0, beta0, eps1, W1a, b1a, W1b, b1b, g1, beta1, eps2, W2a,
           b2a, W2b, b2b, g2, beta2, Wf, bf):
    src, dst = edge_index[0], edge_index[1]

    h = _h0(x, eq_labels, eq_table)

    layers = [
        (eps0, W0a, b0a, W0b, b0b, g0, beta0),
        (eps1, W1a, b1a, W1b, b1b, g1, beta1),
        (eps2, W2a, b2a, W2b, b2b, g2, beta2),
    ]

    for i, (eps, Wa, ba, Wb, bb, g, be) in enumerate(layers):
        parts = _sc_agg(h, src, dst)
        if i < 2:
            h = _layer(eps, h, parts, Wa, ba, Wb, bb, g, be, None, None)
        else:
            out = _layer(eps, h, parts, Wa, ba, Wb, bb, g, be, Wf, bf)

    return out.reshape(N)

# --- scband reference (transcript-rebuilt; emitter-appended) ---
"""Pipeline reference for scband-nmrgnn-9208409882677 (READ-ONLY COPY).

The authoritative reference and input builder live on the scoring server;
editing this copy changes nothing except your own understanding.
"""

import jax, jax.numpy as jnp
import numpy as np

N = 10000
E = 320000
D = 128
H = 64
NEQ = 16
EMB = 8


def _glorot(key, shape):
    fan_in, fan_out = shape[0], shape[1]
    lim = np.sqrt(6.0 / (fan_in + fan_out))
    return jax.random.uniform(key, shape, dtype=jnp.float32, minval=-lim, maxval=lim)


def setup_inputs(seed: int = 0) -> dict:
    key = jax.random.key(seed)
    ks = jax.random.split(key, 40)
    inp = {}
    inp['x'] = jax.random.normal(ks[0], (N, D), dtype=jnp.float32)
    inp['edge_index'] = jax.random.randint(ks[1], (2, E), 0, N, dtype=jnp.int32)
    inp['eq_labels'] = jax.random.randint(ks[2], (N,), 0, NEQ, dtype=jnp.int32)
    inp['batch'] = jnp.zeros((N,), dtype=jnp.int32)
    inp['eq_table'] = jax.random.normal(ks[3], (NEQ, EMB), dtype=jnp.float32)
    in_dim = D + EMB
    dims = [in_dim, H, H]
    for i in range(3):
        kk = jax.random.split(ks[4 + i], 4)
        inp['eps%d' % i] = jnp.float32(0.0)
        inp['W%da' % i] = _glorot(kk[0], (dims[i], H))
        inp['b%da' % i] = jnp.zeros((H,), dtype=jnp.float32)
        inp['W%db' % i] = _glorot(kk[1], (H, H))
        inp['b%db' % i] = jnp.zeros((H,), dtype=jnp.float32)
        inp['g%d' % i] = jnp.ones((H,), dtype=jnp.float32)
        inp['beta%d' % i] = jnp.zeros((H,), dtype=jnp.float32)
    inp['Wf'] = _glorot(ks[10], (H, 1))
    inp['bf'] = jnp.zeros((1,), dtype=jnp.float32)
    return inp


def reference(x, edge_index, eq_labels, batch, eq_table, eps0, W0a, b0a, W0b, b0b, g0, beta0, eps1, W1a, b1a, W1b, b1b, g1, beta1, eps2, W2a, b2a, W2b, b2b, g2, beta2, Wf, bf):
    h = jnp.concatenate([x, jnp.take(eq_table, eq_labels, axis=0)], axis=-1)
    src = edge_index[0]
    dst = edge_index[1]
    layers = [
        (eps0, W0a, b0a, W0b, b0b, g0, beta0),
        (eps1, W1a, b1a, W1b, b1b, g1, beta1),
        (eps2, W2a, b2a, W2b, b2b, g2, beta2),
    ]
    for eps, Wa, ba, Wb, bb, g, be in layers:
        # GINConv: (1+eps)*x_i + sum_{j in N(i)} x_j, then MLP
        msgs = jnp.take(h, src, axis=0)
        agg = jax.ops.segment_sum(msgs, dst, num_segments=N)
        z = (1.0 + eps) * h + agg
        z = jax.nn.relu(z @ Wa + ba)
        z = jax.nn.relu(z @ Wb + bb)
        # BatchNorm1d (training-mode batch statistics)
        mu = jnp.mean(z, axis=0)
        var = jnp.var(z, axis=0)
        z = (z - mu) / jnp.sqrt(var + 1e-5) * g + be
        h = jax.nn.relu(z)
    out = (h @ Wf + bf).squeeze(-1)
    return out

if __name__ == "__main__":
    import jax
    _d = setup_inputs()
    print(jax.jit(kernel)(*tuple(_d.values())))

</pallas_src>

<mosaic_0001>
#map = affine_map<(d0, d1) -> (0, 0)>
module attributes {stable_mosaic.version = 14 : i64} {
  func.func @_sc_agg_body(%arg0: i32, %arg1: i32, %arg2: memref<10000x64xf32, #tpu.memory_space<hbm>>, %arg3: memref<4000x80xi32, #tpu.memory_space<hbm>>, %arg4: memref<4000x80xi32, #tpu.memory_space<hbm>>, %arg5: memref<20480x64xf32, #tpu.memory_space<hbm>>, %arg6: memref<125x80xi32, #tpu.memory_space<vmem>>, %arg7: memref<125x80xi32, #tpu.memory_space<vmem>>, %arg8: memref<80x64xf32, #tpu.memory_space<vmem>>, %arg9: memref<80x64xf32, #tpu.memory_space<vmem>>, %arg10: memref<10240x64xf32, #tpu.memory_space<vmem_shared>>, %arg11: memref<!tpu.dma_semaphore, #tpu.memory_space<semaphore_mem>>, %arg12: memref<!tpu.dma_semaphore, #tpu.memory_space<semaphore_mem>>) attributes {dimension_semantics = [#tpu.dimension_semantics<core_parallel>, #tpu.dimension_semantics<subcore_parallel>], iteration_bounds = array<i64: 2, 16>, scalar_prefetch = 0 : i64, scratch_operands = 7 : i64, tpu.core_type = #tpu.core_type<sc_vector_subcore>, window_params = [{transform_indices = #map}, {transform_indices = #map}, {transform_indices = #map}, {transform_indices = #map}]} {
    %mul3A = arith.constant 16 : i32
    %mul3A_0 = arith.muli %arg0, %mul3A : i32
    %add3A = arith.addi %mul3A_0, %arg1 : i32
    %mul3A_1 = arith.constant 125 : i32
    %mul3A_2 = arith.muli %add3A, %mul3A_1 : i32
    "tpu.region"() ({
      %run_scoped3A_67 = tpu.sem_alloc : memref<!tpu.dma_semaphore, #tpu.memory_space<semaphore_mem>>
      %dma_start3A_68 = arith.constant 0 : i32
      %dma_start3A_69 = tpu.memref_slice %arg3[%mul3A_2, %dma_start3A_68] : memref<4000x80xi32, #tpu.memory_space<hbm>> -> memref<125x80xi32, #tpu.memory_space<hbm>>
      %dma_start3A_70 = arith.constant 0 : i32
      %dma_start3A_71 = tpu.memref_slice %arg3[%mul3A_2, %dma_start3A_70] : memref<4000x80xi32, #tpu.memory_space<hbm>> -> memref<125x80xi32, #tpu.memory_space<hbm>>
      tpu.enqueue_dma source(%dma_start3A_71 : memref<125x80xi32, #tpu.memory_space<hbm>>) target(%arg6 : memref<125x80xi32, #tpu.memory_space<vmem>>) target_semaphore(%run_scoped3A_67 : memref<!tpu.dma_semaphore, #tpu.memory_space<semaphore_mem>>)
      %dma_wait3A_72 = arith.constant 0 : i32
      %dma_wait3A_73 = tpu.memref_slice %arg3[%mul3A_2, %dma_wait3A_72] : memref<4000x80xi32, #tpu.memory_space<hbm>> -> memref<125x80xi32, #tpu.memory_space<hbm>>
      %dma_wait3A_74 = arith.constant 0 : i32
      %dma_wait3A_75 = tpu.memref_slice %arg3[%mul3A_2, %dma_wait3A_74] : memref<4000x80xi32, #tpu.memory_space<hbm>> -> memref<125x80xi32, #tpu.memory_space<hbm>>
      tpu.wait_dma2 semaphore(%run_scoped3A_67 : memref<!tpu.dma_semaphore, #tpu.memory_space<semaphore_mem>>) src(%dma_wait3A_75 : memref<125x80xi32, #tpu.memory_space<hbm>>) dst(%arg6 : memref<125x80xi32, #tpu.memory_space<vmem>>)
      tpu.yield
    }) : () -> ()
    %mul3A_3 = arith.constant 125 : i32
    %mul3A_4 = arith.muli %add3A, %mul3A_3 : i32
    "tpu.region"() ({
      %run_scoped3A_67 = tpu.sem_alloc : memref<!tpu.dma_semaphore, #tpu.memory_space<semaphore_mem>>
      %dma_start3A_68 = arith.constant 0 : i32
      %dma_start3A_69 = tpu.memref_slice %arg4[%mul3A_4, %dma_start3A_68] : memref<4000x80xi32, #tpu.memory_space<hbm>> -> memref<125x80xi32, #tpu.memory_space<hbm>>
      %dma_start3A_70 = arith.constant 0 : i32
      %dma_start3A_71 = tpu.memref_slice %arg4[%mul3A_4, %dma_start3A_70] : memref<4000x80xi32, #tpu.memory_space<hbm>> -> memref<125x80xi32, #tpu.memory_space<hbm>>
      tpu.enqueue_dma source(%dma_start3A_71 : memref<125x80xi32, #tpu.memory_space<hbm>>) target(%arg7 : memref<125x80xi32, #tpu.memory_space<vmem>>) target_semaphore(%run_scoped3A_67 : memref<!tpu.dma_semaphore, #tpu.memory_space<semaphore_mem>>)
      %dma_wait3A_72 = arith.constant 0 : i32
      %dma_wait3A_73 = tpu.memref_slice %arg4[%mul3A_4, %dma_wait3A_72] : memref<4000x80xi32, #tpu.memory_space<hbm>> -> memref<125x80xi32, #tpu.memory_space<hbm>>
      %dma_wait3A_74 = arith.constant 0 : i32
      %dma_wait3A_75 = tpu.memref_slice %arg4[%mul3A_4, %dma_wait3A_74] : memref<4000x80xi32, #tpu.memory_space<hbm>> -> memref<125x80xi32, #tpu.memory_space<hbm>>
      tpu.wait_dma2 semaphore(%run_scoped3A_67 : memref<!tpu.dma_semaphore, #tpu.memory_space<semaphore_mem>>) src(%dma_wait3A_75 : memref<125x80xi32, #tpu.memory_space<hbm>>) dst(%arg7 : memref<125x80xi32, #tpu.memory_space<vmem>>)
      tpu.yield
    }) : () -> ()
    %broadcast_in_dim3A = arith.constant 0.000000e+00 : f32
    %broadcast_in_dim3A_5 = vector.broadcast %broadcast_in_dim3A : f32 to vector<16xf32>
    %scan3A = arith.constant 0 : i32
    %scan3A_6 = arith.constant 80 : i32
    %scan3A_7 = arith.addi %scan3A, %scan3A_6 : i32
    %scan3A_8 = arith.constant 1 : i32
    scf.for %scan3A_67 = %scan3A to %scan3A_7 step %scan3A_8  : i32 {
      %swap3A = arith.index_cast %scan3A_67 : i32 to index
      %swap3A_68 = arith.constant 0 : index
      %swap3A_69 = tpu.vector_load %arg8[%swap3A, %swap3A_68] {strides = array<i32>} : memref<80x64xf32, #tpu.memory_space<vmem>>, vector<1x16xf32>,
      %swap3A_70 = vector.shape_cast %swap3A_69 : vector<1x16xf32> to vector<16xf32>
      %swap3A_71 = vector.shape_cast %broadcast_in_dim3A_5 : vector<16xf32> to vector<1x16xf32>
      tpu.vector_store %arg8[%swap3A, %swap3A_68], %swap3A_71 {strides = array<i32>} : memref<80x64xf32, #tpu.memory_space<vmem>>, vector<1x16xf32>,
      %swap3A_72 = arith.index_cast %scan3A_67 : i32 to index
      %swap3A_73 = arith.constant 16 : index
      %swap3A_74 = tpu.vector_load %arg8[%swap3A_72, %swap3A_73] {strides = array<i32>} : memref<80x64xf32, #tpu.memory_space<vmem>>, vector<1x16xf32>,
      %swap3A_75 = vector.shape_cast %swap3A_74 : vector<1x16xf32> to vector<16xf32>
      %swap3A_76 = vector.shape_cast %broadcast_in_dim3A_5 : vector<16xf32> to vector<1x16xf32>
      tpu.vector_store %arg8[%swap3A_72, %swap3A_73], %swap3A_76 {strides = array<i32>} : memref<80x64xf32, #tpu.memory_space<vmem>>, vector<1x16xf32>,
      %swap3A_77 = arith.index_cast %scan3A_67 : i32 to index
      %swap3A_78 = arith.constant 32 : index
      %swap3A_79 = tpu.vector_load %arg8[%swap3A_77, %swap3A_78] {strides = array<i32>} : memref<80x64xf32, #tpu.memory_space<vmem>>, vector<1x16xf32>,
      %swap3A_80 = vector.shape_cast %swap3A_79 : vector<1x16xf32> to vector<16xf32>
      %swap3A_81 = vector.shape_cast %broadcast_in_dim3A_5 : vector<16xf32> to vector<1x16xf32>
      tpu.vector_store %arg8[%swap3A_77, %swap3A_78], %swap3A_81 {strides = array<i32>} : memref<80x64xf32, #tpu.memory_space<vmem>>, vector<1x16xf32>,
      %swap3A_82 = arith.index_cast %scan3A_67 : i32 to index
      %swap3A_83 = arith.constant 48 : index
      %swap3A_84 = tpu.vector_load %arg8[%swap3A_82, %swap3A_83] {strides = array<i32>} : memref<80x64xf32, #tpu.memory_space<vmem>>, vector<1x16xf32>,
      %swap3A_85 = vector.shape_cast %swap3A_84 : vector<1x16xf32> to vector<16xf32>
      %swap3A_86 = vector.shape_cast %broadcast_in_dim3A_5 : vector<16xf32> to vector<1x16xf32>
      tpu.vector_store %arg8[%swap3A_82, %swap3A_83], %swap3A_86 {strides = array<i32>} : memref<80x64xf32, #tpu.memory_space<vmem>>, vector<1x16xf32>,
    }
    %scan3A_9 = arith.constant 80 : i32
    %mul3A_10 = arith.constant 640 : i32
    %mul3A_11 = arith.muli %arg1, %mul3A_10 : i32
    %add3A_12 = arith.constant 0 : i32
    %add3A_13 = arith.addi %mul3A_11, %add3A_12 : i32
    "tpu.region"() ({
      %run_scoped3A_67 = tpu.sem_alloc : memref<!tpu.dma_semaphore, #tpu.memory_space<semaphore_mem>>
      %dma_start3A_68 = arith.constant 0 : i32
      %dma_start3A_69 = tpu.memref_slice %arg10[%add3A_13, %dma_start3A_68] : memref<10240x64xf32, #tpu.memory_space<vmem_shared>> -> memref<80x64xf32, #tpu.memory_space<vmem_shared>>
      %dma_start3A_70 = arith.constant 0 : i32
      %dma_start3A_71 = tpu.memref_slice %arg10[%add3A_13, %dma_start3A_70] : memref<10240x64xf32, #tpu.memory_space<vmem_shared>> -> memref<80x64xf32, #tpu.memory_space<vmem_shared>>
      tpu.enqueue_dma source(%arg8 : memref<80x64xf32, #tpu.memory_space<vmem>>) target(%dma_start3A_71 : memref<80x64xf32, #tpu.memory_space<vmem_shared>>) target_semaphore(%run_scoped3A_67 : memref<!tpu.dma_semaphore, #tpu.memory_space<semaphore_mem>>)
      %dma_wait3A_72 = arith.constant 0 : i32
      %dma_wait3A_73 = tpu.memref_slice %arg10[%add3A_13, %dma_wait3A_72] : memref<10240x64xf32, #tpu.memory_space<vmem_shared>> -> memref<80x64xf32, #tpu.memory_space<vmem_shared>>
      %dma_wait3A_74 = arith.constant 0 : i32
      %dma_wait3A_75 = tpu.memref_slice %arg10[%add3A_13, %dma_wait3A_74] : memref<10240x64xf32, #tpu.memory_space<vmem_shared>> -> memref<80x64xf32, #tpu.memory_space<vmem_shared>>
      tpu.wait_dma2 semaphore(%run_scoped3A_67 : memref<!tpu.dma_semaphore, #tpu.memory_space<semaphore_mem>>) src(%arg8 : memref<80x64xf32, #tpu.memory_space<vmem>>) dst(%dma_wait3A_75 : memref<80x64xf32, #tpu.memory_space<vmem_shared>>)
      tpu.yield
    }) : () -> ()
    %mul3A_14 = arith.constant 640 : i32
    %mul3A_15 = arith.muli %arg1, %mul3A_14 : i32
    %add3A_16 = arith.constant 80 : i32
    %add3A_17 = arith.addi %mul3A_15, %add3A_16 : i32
    "tpu.region"() ({
      %run_scoped3A_67 = tpu.sem_alloc : memref<!tpu.dma_semaphore, #tpu.memory_space<semaphore_mem>>
      %dma_start3A_68 = arith.constant 0 : i32
      %dma_start3A_69 = tpu.memref_slice %arg10[%add3A_17, %dma_start3A_68] : memref<10240x64xf32, #tpu.memory_space<vmem_shared>> -> memref<80x64xf32, #tpu.memory_space<vmem_shared>>
      %dma_start3A_70 = arith.constant 0 : i32
      %dma_start3A_71 = tpu.memref_slice %arg10[%add3A_17, %dma_start3A_70] : memref<10240x64xf32, #tpu.memory_space<vmem_shared>> -> memref<80x64xf32, #tpu.memory_space<vmem_shared>>
      tpu.enqueue_dma source(%arg8 : memref<80x64xf32, #tpu.memory_space<vmem>>) target(%dma_start3A_71 : memref<80x64xf32, #tpu.memory_space<vmem_shared>>) target_semaphore(%run_scoped3A_67 : memref<!tpu.dma_semaphore, #tpu.memory_space<semaphore_mem>>)
      %dma_wait3A_72 = arith.constant 0 : i32
      %dma_wait3A_73 = tpu.memref_slice %arg10[%add3A_17, %dma_wait3A_72] : memref<10240x64xf32, #tpu.memory_space<vmem_shared>> -> memref<80x64xf32, #tpu.memory_space<vmem_shared>>
      %dma_wait3A_74 = arith.constant 0 : i32
      %dma_wait3A_75 = tpu.memref_slice %arg10[%add3A_17, %dma_wait3A_74] : memref<10240x64xf32, #tpu.memory_space<vmem_shared>> -> memref<80x64xf32, #tpu.memory_space<vmem_shared>>
      tpu.wait_dma2 semaphore(%run_scoped3A_67 : memref<!tpu.dma_semaphore, #tpu.memory_space<semaphore_mem>>) src(%arg8 : memref<80x64xf32, #tpu.memory_space<vmem>>) dst(%dma_wait3A_75 : memref<80x64xf32, #tpu.memory_space<vmem_shared>>)
      tpu.yield
    }) : () -> ()
    %mul3A_18 = arith.constant 640 : i32
    %mul3A_19 = arith.muli %arg1, %mul3A_18 : i32
    %add3A_20 = arith.constant 160 : i32
    %add3A_21 = arith.addi %mul3A_19, %add3A_20 : i32
    "tpu.region"() ({
      %run_scoped3A_67 = tpu.sem_alloc : memref<!tpu.dma_semaphore, #tpu.memory_space<semaphore_mem>>
      %dma_start3A_68 = arith.constant 0 : i32
      %dma_start3A_69 = tpu.memref_slice %arg10[%add3A_21, %dma_start3A_68] : memref<10240x64xf32, #tpu.memory_space<vmem_shared>> -> memref<80x64xf32, #tpu.memory_space<vmem_shared>>
      %dma_start3A_70 = arith.constant 0 : i32
      %dma_start3A_71 = tpu.memref_slice %arg10[%add3A_21, %dma_start3A_70] : memref<10240x64xf32, #tpu.memory_space<vmem_shared>> -> memref<80x64xf32, #tpu.memory_space<vmem_shared>>
      tpu.enqueue_dma source(%arg8 : memref<80x64xf32, #tpu.memory_space<vmem>>) target(%dma_start3A_71 : memref<80x64xf32, #tpu.memory_space<vmem_shared>>) target_semaphore(%run_scoped3A_67 : memref<!tpu.dma_semaphore, #tpu.memory_space<semaphore_mem>>)
      %dma_wait3A_72 = arith.constant 0 : i32
      %dma_wait3A_73 = tpu.memref_slice %arg10[%add3A_21, %dma_wait3A_72] : memref<10240x64xf32, #tpu.memory_space<vmem_shared>> -> memref<80x64xf32, #tpu.memory_space<vmem_shared>>
      %dma_wait3A_74 = arith.constant 0 : i32
      %dma_wait3A_75 = tpu.memref_slice %arg10[%add3A_21, %dma_wait3A_74] : memref<10240x64xf32, #tpu.memory_space<vmem_shared>> -> memref<80x64xf32, #tpu.memory_space<vmem_shared>>
      tpu.wait_dma2 semaphore(%run_scoped3A_67 : memref<!tpu.dma_semaphore, #tpu.memory_space<semaphore_mem>>) src(%arg8 : memref<80x64xf32, #tpu.memory_space<vmem>>) dst(%dma_wait3A_75 : memref<80x64xf32, #tpu.memory_space<vmem_shared>>)
      tpu.yield
    }) : () -> ()
    %mul3A_22 = arith.constant 640 : i32
    %mul3A_23 = arith.muli %arg1, %mul3A_22 : i32
    %add3A_24 = arith.constant 240 : i32
    %add3A_25 = arith.addi %mul3A_23, %add3A_24 : i32
    "tpu.region"() ({
      %run_scoped3A_67 = tpu.sem_alloc : memref<!tpu.dma_semaphore, #tpu.memory_space<semaphore_mem>>
      %dma_start3A_68 = arith.constant 0 : i32
      %dma_start3A_69 = tpu.memref_slice %arg10[%add3A_25, %dma_start3A_68] : memref<10240x64xf32, #tpu.memory_space<vmem_shared>> -> memref<80x64xf32, #tpu.memory_space<vmem_shared>>
      %dma_start3A_70 = arith.constant 0 : i32
      %dma_start3A_71 = tpu.memref_slice %arg10[%add3A_25, %dma_start3A_70] : memref<10240x64xf32, #tpu.memory_space<vmem_shared>> -> memref<80x64xf32, #tpu.memory_space<vmem_shared>>
      tpu.enqueue_dma source(%arg8 : memref<80x64xf32, #tpu.memory_space<vmem>>) target(%dma_start3A_71 : memref<80x64xf32, #tpu.memory_space<vmem_shared>>) target_semaphore(%run_scoped3A_67 : memref<!tpu.dma_semaphore, #tpu.memory_space<semaphore_mem>>)
      %dma_wait3A_72 = arith.constant 0 : i32
      %dma_wait3A_73 = tpu.memref_slice %arg10[%add3A_25, %dma_wait3A_72] : memref<10240x64xf32, #tpu.memory_space<vmem_shared>> -> memref<80x64xf32, #tpu.memory_space<vmem_shared>>
      %dma_wait3A_74 = arith.constant 0 : i32
      %dma_wait3A_75 = tpu.memref_slice %arg10[%add3A_25, %dma_wait3A_74] : memref<10240x64xf32, #tpu.memory_space<vmem_shared>> -> memref<80x64xf32, #tpu.memory_space<vmem_shared>>
      tpu.wait_dma2 semaphore(%run_scoped3A_67 : memref<!tpu.dma_semaphore, #tpu.memory_space<semaphore_mem>>) src(%arg8 : memref<80x64xf32, #tpu.memory_space<vmem>>) dst(%dma_wait3A_75 : memref<80x64xf32, #tpu.memory_space<vmem_shared>>)
      tpu.yield
    }) : () -> ()
    %mul3A_26 = arith.constant 640 : i32
    %mul3A_27 = arith.muli %arg1, %mul3A_26 : i32
    %add3A_28 = arith.constant 320 : i32
    %add3A_29 = arith.addi %mul3A_27, %add3A_28 : i32
    "tpu.region"() ({
      %run_scoped3A_67 = tpu.sem_alloc : memref<!tpu.dma_semaphore, #tpu.memory_space<semaphore_mem>>
      %dma_start3A_68 = arith.constant 0 : i32
      %dma_start3A_69 = tpu.memref_slice %arg10[%add3A_29, %dma_start3A_68] : memref<10240x64xf32, #tpu.memory_space<vmem_shared>> -> memref<80x64xf32, #tpu.memory_space<vmem_shared>>
      %dma_start3A_70 = arith.constant 0 : i32
      %dma_start3A_71 = tpu.memref_slice %arg10[%add3A_29, %dma_start3A_70] : memref<10240x64xf32, #tpu.memory_space<vmem_shared>> -> memref<80x64xf32, #tpu.memory_space<vmem_shared>>
      tpu.enqueue_dma source(%arg8 : memref<80x64xf32, #tpu.memory_space<vmem>>) target(%dma_start3A_71 : memref<80x64xf32, #tpu.memory_space<vmem_shared>>) target_semaphore(%run_scoped3A_67 : memref<!tpu.dma_semaphore, #tpu.memory_space<semaphore_mem>>)
      %dma_wait3A_72 = arith.constant 0 : i32
      %dma_wait3A_73 = tpu.memref_slice %arg10[%add3A_29, %dma_wait3A_72] : memref<10240x64xf32, #tpu.memory_space<vmem_shared>> -> memref<80x64xf32, #tpu.memory_space<vmem_shared>>
      %dma_wait3A_74 = arith.constant 0 : i32
      %dma_wait3A_75 = tpu.memref_slice %arg10[%add3A_29, %dma_wait3A_74] : memref<10240x64xf32, #tpu.memory_space<vmem_shared>> -> memref<80x64xf32, #tpu.memory_space<vmem_shared>>
      tpu.wait_dma2 semaphore(%run_scoped3A_67 : memref<!tpu.dma_semaphore, #tpu.memory_space<semaphore_mem>>) src(%arg8 : memref<80x64xf32, #tpu.memory_space<vmem>>) dst(%dma_wait3A_75 : memref<80x64xf32, #tpu.memory_space<vmem_shared>>)
      tpu.yield
    }) : () -> ()
    %mul3A_30 = arith.constant 640 : i32
    %mul3A_31 = arith.muli %arg1, %mul3A_30 : i32
    %add3A_32 = arith.constant 400 : i32
    %add3A_33 = arith.addi %mul3A_31, %add3A_32 : i32
    "tpu.region"() ({
      %run_scoped3A_67 = tpu.sem_alloc : memref<!tpu.dma_semaphore, #tpu.memory_space<semaphore_mem>>
      %dma_start3A_68 = arith.constant 0 : i32
      %dma_start3A_69 = tpu.memref_slice %arg10[%add3A_33, %dma_start3A_68] : memref<10240x64xf32, #tpu.memory_space<vmem_shared>> -> memref<80x64xf32, #tpu.memory_space<vmem_shared>>
      %dma_start3A_70 = arith.constant 0 : i32
      %dma_start3A_71 = tpu.memref_slice %arg10[%add3A_33, %dma_start3A_70] : memref<10240x64xf32, #tpu.memory_space<vmem_shared>> -> memref<80x64xf32, #tpu.memory_space<vmem_shared>>
      tpu.enqueue_dma source(%arg8 : memref<80x64xf32, #tpu.memory_space<vmem>>) target(%dma_start3A_71 : memref<80x64xf32, #tpu.memory_space<vmem_shared>>) target_semaphore(%run_scoped3A_67 : memref<!tpu.dma_semaphore, #tpu.memory_space<semaphore_mem>>)
      %dma_wait3A_72 = arith.constant 0 : i32
      %dma_wait3A_73 = tpu.memref_slice %arg10[%add3A_33, %dma_wait3A_72] : memref<10240x64xf32, #tpu.memory_space<vmem_shared>> -> memref<80x64xf32, #tpu.memory_space<vmem_shared>>
      %dma_wait3A_74 = arith.constant 0 : i32
      %dma_wait3A_75 = tpu.memref_slice %arg10[%add3A_33, %dma_wait3A_74] : memref<10240x64xf32, #tpu.memory_space<vmem_shared>> -> memref<80x64xf32, #tpu.memory_space<vmem_shared>>
      tpu.wait_dma2 semaphore(%run_scoped3A_67 : memref<!tpu.dma_semaphore, #tpu.memory_space<semaphore_mem>>) src(%arg8 : memref<80x64xf32, #tpu.memory_space<vmem>>) dst(%dma_wait3A_75 : memref<80x64xf32, #tpu.memory_space<vmem_shared>>)
      tpu.yield
    }) : () -> ()
    %mul3A_34 = arith.constant 640 : i32
    %mul3A_35 = arith.muli %arg1, %mul3A_34 : i32
    %add3A_36 = arith.constant 480 : i32
    %add3A_37 = arith.addi %mul3A_35, %add3A_36 : i32
    "tpu.region"() ({
      %run_scoped3A_67 = tpu.sem_alloc : memref<!tpu.dma_semaphore, #tpu.memory_space<semaphore_mem>>
      %dma_start3A_68 = arith.constant 0 : i32
      %dma_start3A_69 = tpu.memref_slice %arg10[%add3A_37, %dma_start3A_68] : memref<10240x64xf32, #tpu.memory_space<vmem_shared>> -> memref<80x64xf32, #tpu.memory_space<vmem_shared>>
      %dma_start3A_70 = arith.constant 0 : i32
      %dma_start3A_71 = tpu.memref_slice %arg10[%add3A_37, %dma_start3A_70] : memref<10240x64xf32, #tpu.memory_space<vmem_shared>> -> memref<80x64xf32, #tpu.memory_space<vmem_shared>>
      tpu.enqueue_dma source(%arg8 : memref<80x64xf32, #tpu.memory_space<vmem>>) target(%dma_start3A_71 : memref<80x64xf32, #tpu.memory_space<vmem_shared>>) target_semaphore(%run_scoped3A_67 : memref<!tpu.dma_semaphore, #tpu.memory_space<semaphore_mem>>)
      %dma_wait3A_72 = arith.constant 0 : i32
      %dma_wait3A_73 = tpu.memref_slice %arg10[%add3A_37, %dma_wait3A_72] : memref<10240x64xf32, #tpu.memory_space<vmem_shared>> -> memref<80x64xf32, #tpu.memory_space<vmem_shared>>
      %dma_wait3A_74 = arith.constant 0 : i32
      %dma_wait3A_75 = tpu.memref_slice %arg10[%add3A_37, %dma_wait3A_74] : memref<10240x64xf32, #tpu.memory_space<vmem_shared>> -> memref<80x64xf32, #tpu.memory_space<vmem_shared>>
      tpu.wait_dma2 semaphore(%run_scoped3A_67 : memref<!tpu.dma_semaphore, #tpu.memory_space<semaphore_mem>>) src(%arg8 : memref<80x64xf32, #tpu.memory_space<vmem>>) dst(%dma_wait3A_75 : memref<80x64xf32, #tpu.memory_space<vmem_shared>>)
      tpu.yield
    }) : () -> ()
    %mul3A_38 = arith.constant 640 : i32
    %mul3A_39 = arith.muli %arg1, %mul3A_38 : i32
    %add3A_40 = arith.constant 560 : i32
    %add3A_41 = arith.addi %mul3A_39, %add3A_40 : i32
    "tpu.region"() ({
      %run_scoped3A_67 = tpu.sem_alloc : memref<!tpu.dma_semaphore, #tpu.memory_space<semaphore_mem>>
      %dma_start3A_68 = arith.constant 0 : i32
      %dma_start3A_69 = tpu.memref_slice %arg10[%add3A_41, %dma_start3A_68] : memref<10240x64xf32, #tpu.memory_space<vmem_shared>> -> memref<80x64xf32, #tpu.memory_space<vmem_shared>>
      %dma_start3A_70 = arith.constant 0 : i32
      %dma_start3A_71 = tpu.memref_slice %arg10[%add3A_41, %dma_start3A_70] : memref<10240x64xf32, #tpu.memory_space<vmem_shared>> -> memref<80x64xf32, #tpu.memory_space<vmem_shared>>
      tpu.enqueue_dma source(%arg8 : memref<80x64xf32, #tpu.memory_space<vmem>>) target(%dma_start3A_71 : memref<80x64xf32, #tpu.memory_space<vmem_shared>>) target_semaphore(%run_scoped3A_67 : memref<!tpu.dma_semaphore, #tpu.memory_space<semaphore_mem>>)
      %dma_wait3A_72 = arith.constant 0 : i32
      %dma_wait3A_73 = tpu.memref_slice %arg10[%add3A_41, %dma_wait3A_72] : memref<10240x64xf32, #tpu.memory_space<vmem_shared>> -> memref<80x64xf32, #tpu.memory_space<vmem_shared>>
      %dma_wait3A_74 = arith.constant 0 : i32
      %dma_wait3A_75 = tpu.memref_slice %arg10[%add3A_41, %dma_wait3A_74] : memref<10240x64xf32, #tpu.memory_space<vmem_shared>> -> memref<80x64xf32, #tpu.memory_space<vmem_shared>>
      tpu.wait_dma2 semaphore(%run_scoped3A_67 : memref<!tpu.dma_semaphore, #tpu.memory_space<semaphore_mem>>) src(%arg8 : memref<80x64xf32, #tpu.memory_space<vmem>>) dst(%dma_wait3A_75 : memref<80x64xf32, #tpu.memory_space<vmem_shared>>)
      tpu.yield
    }) : () -> ()
    %barrier3A = arith.constant 0 : index
    tpu.barrier barrier_id(%barrier3A)
    %dma_start3A = arith.constant 0 : i32
    %dma_start3A_42 = arith.constant 0 : i32
    %dma_start3A_43 = tpu.memref_slice %arg6[%dma_start3A, %dma_start3A_42] : memref<125x80xi32, #tpu.memory_space<vmem>> -> memref<1x80xi32, #tpu.memory_space<vmem>>
    %dma_start3A_44 = tpu.memref_squeeze %dma_start3A_43 : memref<1x80xi32, #tpu.memory_space<vmem>> -> memref<80xi32, #tpu.memory_space<vmem>>
    %dma_start3A_45 = arith.constant 0 : i32
    %dma_start3A_46 = arith.constant 0 : i32
    %dma_start3A_47 = tpu.memref_slice %arg2[%dma_start3A_45, %dma_start3A_46] : memref<10000x64xf32, #tpu.memory_space<hbm>> -> memref<10000x64xf32, #tpu.memory_space<hbm>>
    tpu.enqueue_indirect_dma source(%dma_start3A_47 : memref<10000x64xf32, #tpu.memory_space<hbm>>) target(%arg8 : memref<80x64xf32, #tpu.memory_space<vmem>>) offsets(%dma_start3A_44 : memref<80xi32, #tpu.memory_space<vmem>>) semaphore(%arg11 : memref<!tpu.dma_semaphore, #tpu.memory_space<semaphore_mem>>)
    %scan3A_48 = arith.constant 0 : i32
    %scan3A_49 = arith.constant 62 : i32
    %scan3A_50 = arith.addi %scan3A_48, %scan3A_49 : i32
    %scan3A_51 = arith.constant 1 : i32
    scf.for %scan3A_67 = %scan3A_48 to %scan3A_50 step %scan3A_51  : i32 {
      %mul3A_68 = arith.constant 2 : i32
      %mul3A_69 = arith.muli %mul3A_68, %scan3A_67 : i32
      %add3A_70 = arith.constant 1 : i32
      %add3A_71 = arith.addi %mul3A_69, %add3A_70 : i32
      %dma_start3A_72 = arith.constant 0 : i32
      %dma_start3A_73 = tpu.memref_slice %arg6[%add3A_71, %dma_start3A_72] : memref<125x80xi32, #tpu.memory_space<vmem>> -> memref<1x80xi32, #tpu.memory_space<vmem>>
      %dma_start3A_74 = tpu.memref_squeeze %dma_start3A_73 : memref<1x80xi32, #tpu.memory_space<vmem>> -> memref<80xi32, #tpu.memory_space<vmem>>
      %dma_start3A_75 = arith.constant 0 : i32
      %dma_start3A_76 = arith.constant 0 : i32
      %dma_start3A_77 = tpu.memref_slice %arg2[%dma_start3A_75, %dma_start3A_76] : memref<10000x64xf32, #tpu.memory_space<hbm>> -> memref<10000x64xf32, #tpu.memory_space<hbm>>
      tpu.enqueue_indirect_dma source(%dma_start3A_77 : memref<10000x64xf32, #tpu.memory_space<hbm>>) target(%arg9 : memref<80x64xf32, #tpu.memory_space<vmem>>) offsets(%dma_start3A_74 : memref<80xi32, #tpu.memory_space<vmem>>) semaphore(%arg12 : memref<!tpu.dma_semaphore, #tpu.memory_space<semaphore_mem>>)
      %dma_wait3A_78 = arith.constant 0 : i32
      %dma_wait3A_79 = tpu.memref_slice %arg6[%mul3A_69, %dma_wait3A_78] : memref<125x80xi32, #tpu.memory_space<vmem>> -> memref<1x80xi32, #tpu.memory_space<vmem>>
      %dma_wait3A_80 = tpu.memref_squeeze %dma_wait3A_79 : memref<1x80xi32, #tpu.memory_space<vmem>> -> memref<80xi32, #tpu.memory_space<vmem>>
      %dma_wait3A_81 = arith.constant 0 : i32
      %dma_wait3A_82 = arith.constant 0 : i32
      %dma_wait3A_83 = tpu.memref_slice %arg2[%dma_wait3A_81, %dma_wait3A_82] : memref<10000x64xf32, #tpu.memory_space<hbm>> -> memref<10000x64xf32, #tpu.memory_space<hbm>>
      tpu.wait_indirect_dma semaphore(%arg11 : memref<!tpu.dma_semaphore, #tpu.memory_space<semaphore_mem>>) src(%dma_wait3A_83 : memref<10000x64xf32, #tpu.memory_space<hbm>>) dst(%arg8 : memref<80x64xf32, #tpu.memory_space<vmem>>)
      "tpu.region"() ({
        %run_scoped3A_102 = tpu.sem_alloc : memref<!tpu.dma_semaphore, #tpu.memory_space<semaphore_mem>>
        %dma_start3A_103 = arith.constant 0 : i32
        %dma_start3A_104 = tpu.memref_slice %arg7[%mul3A_69, %dma_start3A_103] : memref<125x80xi32, #tpu.memory_space<vmem>> -> memref<1x80xi32, #tpu.memory_space<vmem>>
        %dma_start3A_105 = tpu.memref_squeeze %dma_start3A_104 : memref<1x80xi32, #tpu.memory_space<vmem>> -> memref<80xi32, #tpu.memory_space<vmem>>
        %dma_start3A_106 = arith.constant 0 : i32
        %dma_start3A_107 = arith.constant 0 : i32
        %dma_start3A_108 = tpu.memref_slice %arg10[%dma_start3A_106, %dma_start3A_107] : memref<10240x64xf32, #tpu.memory_space<vmem_shared>> -> memref<10240x64xf32, #tpu.memory_space<vmem_shared>>
        tpu.enqueue_indirect_dma source(%arg8 : memref<80x64xf32, #tpu.memory_space<vmem>>) target(%dma_start3A_108 : memref<10240x64xf32, #tpu.memory_space<vmem_shared>>) offsets(%dma_start3A_105 : memref<80xi32, #tpu.memory_space<vmem>>) semaphore(%run_scoped3A_102 : memref<!tpu.dma_semaphore, #tpu.memory_space<semaphore_mem>>) {add = true}
        %dma_wait3A_109 = arith.constant 0 : i32
        %dma_wait3A_110 = tpu.memref_slice %arg7[%mul3A_69, %dma_wait3A_109] : memref<125x80xi32, #tpu.memory_space<vmem>> -> memref<1x80xi32, #tpu.memory_space<vmem>>
        %dma_wait3A_111 = tpu.memref_squeeze %dma_wait3A_110 : memref<1x80xi32, #tpu.memory_space<vmem>> -> memref<80xi32, #tpu.memory_space<vmem>>
        %dma_wait3A_112 = arith.constant 0 : i32
        %dma_wait3A_113 = arith.constant 0 : i32
        %dma_wait3A_114 = tpu.memref_slice %arg10[%dma_wait3A_112, %dma_wait3A_113] : memref<10240x64xf32, #tpu.memory_space<vmem_shared>> -> memref<10240x64xf32, #tpu.memory_space<vmem_shared>>
        tpu.wait_indirect_dma semaphore(%run_scoped3A_102 : memref<!tpu.dma_semaphore, #tpu.memory_space<semaphore_mem>>) src(%arg8 : memref<80x64xf32, #tpu.memory_space<vmem>>) dst(%dma_wait3A_114 : memref<10240x64xf32, #tpu.memory_space<vmem_shared>>)
        tpu.yield
      }) : () -> ()
      %add3A_84 = arith.constant 2 : i32
      %add3A_85 = arith.addi %mul3A_69, %add3A_84 : i32
      %dma_start3A_86 = arith.constant 0 : i32
      %dma_start3A_87 = tpu.memref_slice %arg6[%add3A_85, %dma_start3A_86] : memref<125x80xi32, #tpu.memory_space<vmem>> -> memref<1x80xi32, #tpu.memory_space<vmem>>
      %dma_start3A_88 = tpu.memref_squeeze %dma_start3A_87 : memref<1x80xi32, #tpu.memory_space<vmem>> -> memref<80xi32, #tpu.memory_space<vmem>>
      %dma_start3A_89 = arith.constant 0 : i32
      %dma_start3A_90 = arith.constant 0 : i32
      %dma_start3A_91 = tpu.memref_slice %arg2[%dma_start3A_89, %dma_start3A_90] : memref<10000x64xf32, #tpu.memory_space<hbm>> -> memref<10000x64xf32, #tpu.memory_space<hbm>>
      tpu.enqueue_indirect_dma source(%dma_start3A_91 : memref<10000x64xf32, #tpu.memory_space<hbm>>) target(%arg8 : memref<80x64xf32, #tpu.memory_space<vmem>>) offsets(%dma_start3A_88 : memref<80xi32, #tpu.memory_space<vmem>>) semaphore(%arg11 : memref<!tpu.dma_semaphore, #tpu.memory_space<semaphore_mem>>)
      %add3A_92 = arith.constant 1 : i32
      %add3A_93 = arith.addi %mul3A_69, %add3A_92 : i32
      %dma_wait3A_94 = arith.constant 0 : i32
      %dma_wait3A_95 = tpu.memref_slice %arg6[%add3A_93, %dma_wait3A_94] : memref<125x80xi32, #tpu.memory_space<vmem>> -> memref<1x80xi32, #tpu.memory_space<vmem>>
      %dma_wait3A_96 = tpu.memref_squeeze %dma_wait3A_95 : memref<1x80xi32, #tpu.memory_space<vmem>> -> memref<80xi32, #tpu.memory_space<vmem>>
      %dma_wait3A_97 = arith.constant 0 : i32
      %dma_wait3A_98 = arith.constant 0 : i32
      %dma_wait3A_99 = tpu.memref_slice %arg2[%dma_wait3A_97, %dma_wait3A_98] : memref<10000x64xf32, #tpu.memory_space<hbm>> -> memref<10000x64xf32, #tpu.memory_space<hbm>>
      tpu.wait_indirect_dma semaphore(%arg12 : memref<!tpu.dma_semaphore, #tpu.memory_space<semaphore_mem>>) src(%dma_wait3A_99 : memref<10000x64xf32, #tpu.memory_space<hbm>>) dst(%arg9 : memref<80x64xf32, #tpu.memory_space<vmem>>)
      %add3A_100 = arith.constant 1 : i32
      %add3A_101 = arith.addi %mul3A_69, %add3A_100 : i32
      "tpu.region"() ({
        %run_scoped3A_102 = tpu.sem_alloc : memref<!tpu.dma_semaphore, #tpu.memory_space<semaphore_mem>>
        %dma_start3A_103 = arith.constant 0 : i32
        %dma_start3A_104 = tpu.memref_slice %arg7[%add3A_101, %dma_start3A_103] : memref<125x80xi32, #tpu.memory_space<vmem>> -> memref<1x80xi32, #tpu.memory_space<vmem>>
        %dma_start3A_105 = tpu.memref_squeeze %dma_start3A_104 : memref<1x80xi32, #tpu.memory_space<vmem>> -> memref<80xi32, #tpu.memory_space<vmem>>
        %dma_start3A_106 = arith.constant 0 : i32
        %dma_start3A_107 = arith.constant 0 : i32
        %dma_start3A_108 = tpu.memref_slice %arg10[%dma_start3A_106, %dma_start3A_107] : memref<10240x64xf32, #tpu.memory_space<vmem_shared>> -> memref<10240x64xf32, #tpu.memory_space<vmem_shared>>
        tpu.enqueue_indirect_dma source(%arg9 : memref<80x64xf32, #tpu.memory_space<vmem>>) target(%dma_start3A_108 : memref<10240x64xf32, #tpu.memory_space<vmem_shared>>) offsets(%dma_start3A_105 : memref<80xi32, #tpu.memory_space<vmem>>) semaphore(%run_scoped3A_102 : memref<!tpu.dma_semaphore, #tpu.memory_space<semaphore_mem>>) {add = true}
        %dma_wait3A_109 = arith.constant 0 : i32
        %dma_wait3A_110 = tpu.memref_slice %arg7[%add3A_101, %dma_wait3A_109] : memref<125x80xi32, #tpu.memory_space<vmem>> -> memref<1x80xi32, #tpu.memory_space<vmem>>
        %dma_wait3A_111 = tpu.memref_squeeze %dma_wait3A_110 : memref<1x80xi32, #tpu.memory_space<vmem>> -> memref<80xi32, #tpu.memory_space<vmem>>
        %dma_wait3A_112 = arith.constant 0 : i32
        %dma_wait3A_113 = arith.constant 0 : i32
        %dma_wait3A_114 = tpu.memref_slice %arg10[%dma_wait3A_112, %dma_wait3A_113] : memref<10240x64xf32, #tpu.memory_space<vmem_shared>> -> memref<10240x64xf32, #tpu.memory_space<vmem_shared>>
        tpu.wait_indirect_dma semaphore(%run_scoped3A_102 : memref<!tpu.dma_semaphore, #tpu.memory_space<semaphore_mem>>) src(%arg9 : memref<80x64xf32, #tpu.memory_space<vmem>>) dst(%dma_wait3A_114 : memref<10240x64xf32, #tpu.memory_space<vmem_shared>>)
        tpu.yield
      }) : () -> ()
    }
    %scan3A_52 = arith.constant 62 : i32
    %dma_wait3A = arith.constant 124 : i32
    %dma_wait3A_53 = arith.constant 0 : i32
    %dma_wait3A_54 = tpu.memref_slice %arg6[%dma_wait3A, %dma_wait3A_53] : memref<125x80xi32, #tpu.memory_space<vmem>> -> memref<1x80xi32, #tpu.memory_space<vmem>>
    %dma_wait3A_55 = tpu.memref_squeeze %dma_wait3A_54 : memref<1x80xi32, #tpu.memory_space<vmem>> -> memref<80xi32, #tpu.memory_space<vmem>>
    %dma_wait3A_56 = arith.constant 0 : i32
    %dma_wait3A_57 = arith.constant 0 : i32
    %dma_wait3A_58 = tpu.memref_slice %arg2[%dma_wait3A_56, %dma_wait3A_57] : memref<10000x64xf32, #tpu.memory_space<hbm>> -> memref<10000x64xf32, #tpu.memory_space<hbm>>
    tpu.wait_indirect_dma semaphore(%arg11 : memref<!tpu.dma_semaphore, #tpu.memory_space<semaphore_mem>>) src(%dma_wait3A_58 : memref<10000x64xf32, #tpu.memory_space<hbm>>) dst(%arg8 : memref<80x64xf32, #tpu.memory_space<vmem>>)
    %run_scoped3A = arith.constant 124 : i32
    "tpu.region"() ({
      %run_scoped3A_67 = tpu.sem_alloc : memref<!tpu.dma_semaphore, #tpu.memory_space<semaphore_mem>>
      %dma_start3A_68 = arith.constant 0 : i32
      %dma_start3A_69 = tpu.memref_slice %arg7[%run_scoped3A, %dma_start3A_68] : memref<125x80xi32, #tpu.memory_space<vmem>> -> memref<1x80xi32, #tpu.memory_space<vmem>>
      %dma_start3A_70 = tpu.memref_squeeze %dma_start3A_69 : memref<1x80xi32, #tpu.memory_space<vmem>> -> memref<80xi32, #tpu.memory_space<vmem>>
      %dma_start3A_71 = arith.constant 0 : i32
      %dma_start3A_72 = arith.constant 0 : i32
      %dma_start3A_73 = tpu.memref_slice %arg10[%dma_start3A_71, %dma_start3A_72] : memref<10240x64xf32, #tpu.memory_space<vmem_shared>> -> memref<10240x64xf32, #tpu.memory_space<vmem_shared>>
      tpu.enqueue_indirect_dma source(%arg8 : memref<80x64xf32, #tpu.memory_space<vmem>>) target(%dma_start3A_73 : memref<10240x64xf32, #tpu.memory_space<vmem_shared>>) offsets(%dma_start3A_70 : memref<80xi32, #tpu.memory_space<vmem>>) semaphore(%run_scoped3A_67 : memref<!tpu.dma_semaphore, #tpu.memory_space<semaphore_mem>>) {add = true}
      %dma_wait3A_74 = arith.constant 0 : i32
      %dma_wait3A_75 = tpu.memref_slice %arg7[%run_scoped3A, %dma_wait3A_74] : memref<125x80xi32, #tpu.memory_space<vmem>> -> memref<1x80xi32, #tpu.memory_space<vmem>>
      %dma_wait3A_76 = tpu.memref_squeeze %dma_wait3A_75 : memref<1x80xi32, #tpu.memory_space<vmem>> -> memref<80xi32, #tpu.memory_space<vmem>>
      %dma_wait3A_77 = arith.constant 0 : i32
      %dma_wait3A_78 = arith.constant 0 : i32
      %dma_wait3A_79 = tpu.memref_slice %arg10[%dma_wait3A_77, %dma_wait3A_78] : memref<10240x64xf32, #tpu.memory_space<vmem_shared>> -> memref<10240x64xf32, #tpu.memory_space<vmem_shared>>
      tpu.wait_indirect_dma semaphore(%run_scoped3A_67 : memref<!tpu.dma_semaphore, #tpu.memory_space<semaphore_mem>>) src(%arg8 : memref<80x64xf32, #tpu.memory_space<vmem>>) dst(%dma_wait3A_79 : memref<10240x64xf32, #tpu.memory_space<vmem_shared>>)
      tpu.yield
    }) : () -> ()
    %barrier3A_59 = arith.constant 0 : index
    tpu.barrier barrier_id(%barrier3A_59)
    %mul3A_60 = arith.constant 640 : i32
    %mul3A_61 = arith.muli %arg1, %mul3A_60 : i32
    %mul3A_62 = arith.constant 10240 : i32
    %mul3A_63 = arith.muli %arg0, %mul3A_62 : i32
    %mul3A_64 = arith.constant 640 : i32
    %mul3A_65 = arith.muli %arg1, %mul3A_64 : i32
    %add3A_66 = arith.addi %mul3A_63, %mul3A_65 : i32
    "tpu.region"() ({
      %run_scoped3A_67 = tpu.sem_alloc : memref<!tpu.dma_semaphore, #tpu.memory_space<semaphore_mem>>
      %dma_start3A_68 = arith.constant 0 : i32
      %dma_start3A_69 = tpu.memref_slice %arg5[%add3A_66, %dma_start3A_68] : memref<20480x64xf32, #tpu.memory_space<hbm>> -> memref<640x64xf32, #tpu.memory_space<hbm>>
      %dma_start3A_70 = arith.constant 0 : i32
      %dma_start3A_71 = tpu.memref_slice %arg10[%mul3A_61, %dma_start3A_70] : memref<10240x64xf32, #tpu.memory_space<vmem_shared>> -> memref<640x64xf32, #tpu.memory_space<vmem_shared>>
      tpu.enqueue_dma source(%dma_start3A_71 : memref<640x64xf32, #tpu.memory_space<vmem_shared>>) target(%dma_start3A_69 : memref<640x64xf32, #tpu.memory_space<hbm>>) target_semaphore(%run_scoped3A_67 : memref<!tpu.dma_semaphore, #tpu.memory_space<semaphore_mem>>)
      %dma_wait3A_72 = arith.constant 0 : i32
      %dma_wait3A_73 = tpu.memref_slice %arg5[%add3A_66, %dma_wait3A_72] : memref<20480x64xf32, #tpu.memory_space<hbm>> -> memref<640x64xf32, #tpu.memory_space<hbm>>
      %dma_wait3A_74 = arith.constant 0 : i32
      %dma_wait3A_75 = tpu.memref_slice %arg10[%mul3A_61, %dma_wait3A_74] : memref<10240x64xf32, #tpu.memory_space<vmem_shared>> -> memref<640x64xf32, #tpu.memory_space<vmem_shared>>
      tpu.wait_dma2 semaphore(%run_scoped3A_67 : memref<!tpu.dma_semaphore, #tpu.memory_space<semaphore_mem>>) src(%dma_wait3A_75 : memref<640x64xf32, #tpu.memory_space<vmem_shared>>) dst(%dma_wait3A_73 : memref<640x64xf32, #tpu.memory_space<hbm>>)
      tpu.yield
    }) : () -> ()
    return
  }
}

#map = affine_map<(d0, d1) -> (0, 0)>
module attributes {stable_mosaic.version = 14 : i64} {
  func.func @_sc_agg_body(%arg0: i32, %arg1: i32, %arg2: memref<10000x64xf32, #tpu.memory_space<hbm>>, %arg3: memref<4000x80xi32, #tpu.memory_space<hbm>>, %arg4: memref<4000x80xi32, #tpu.memory_space<hbm>>, %arg5: memref<20480x64xf32, #tpu.memory_space<hbm>>, %arg6: memref<125x80xi32, #tpu.memory_space<vmem>>, %arg7: memref<125x80xi32, #tpu.memory_space<vmem>>, %arg8: memref<80x64xf32, #tpu.memory_space<vmem>>, %arg9: memref<80x64xf32, #tpu.memory_space<vmem>>, %arg10: memref<10240x64xf32, #tpu.memory_space<vmem_shared>>, %arg11: memref<!tpu.dma_semaphore, #tpu.memory_space<semaphore_mem>>, %arg12: memref<!tpu.dma_semaphore, #tpu.memory_space<semaphore_mem>>) attributes {dimension_semantics = [#tpu.dimension_semantics<core_parallel>, #tpu.dimension_semantics<subcore_parallel>], iteration_bounds = array<i64: 2, 16>, scalar_prefetch = 0 : i64, scratch_operands = 7 : i64, tpu.core_type = #tpu.core_type<sc_vector_subcore>, window_params = [{transform_indices = #map}, {transform_indices = #map}, {transform_indices = #map}, {transform_indices = #map}]} {
    %mul3A = arith.constant 16 : i32
    %mul3A_0 = arith.muli %arg0, %mul3A : i32
    %add3A = arith.addi %mul3A_0, %arg1 : i32
    %mul3A_1 = arith.constant 125 : i32
    %mul3A_2 = arith.muli %add3A, %mul3A_1 : i32
    "tpu.region"() ({
      %run_scoped3A_67 = tpu.sem_alloc : memref<!tpu.dma_semaphore, #tpu.memory_space<semaphore_mem>>
      %dma_start3A_68 = arith.constant 0 : i32
      %dma_start3A_69 = tpu.memref_slice %arg3[%mul3A_2, %dma_start3A_68] : memref<4000x80xi32, #tpu.memory_space<hbm>> -> memref<125x80xi32, #tpu.memory_space<hbm>>
      %dma_start3A_70 = arith.constant 0 : i32
      %dma_start3A_71 = tpu.memref_slice %arg3[%mul3A_2, %dma_start3A_70] : memref<4000x80xi32, #tpu.memory_space<hbm>> -> memref<125x80xi32, #tpu.memory_space<hbm>>
      tpu.enqueue_dma source(%dma_start3A_71 : memref<125x80xi32, #tpu.memory_space<hbm>>) target(%arg6 : memref<125x80xi32, #tpu.memory_space<vmem>>) target_semaphore(%run_scoped3A_67 : memref<!tpu.dma_semaphore, #tpu.memory_space<semaphore_mem>>)
      %dma_wait3A_72 = arith.constant 0 : i32
      %dma_wait3A_73 = tpu.memref_slice %arg3[%mul3A_2, %dma_wait3A_72] : memref<4000x80xi32, #tpu.memory_space<hbm>> -> memref<125x80xi32, #tpu.memory_space<hbm>>
      %dma_wait3A_74 = arith.constant 0 : i32
      %dma_wait3A_75 = tpu.memref_slice %arg3[%mul3A_2, %dma_wait3A_74] : memref<4000x80xi32, #tpu.memory_space<hbm>> -> memref<125x80xi32, #tpu.memory_space<hbm>>
      tpu.wait_dma2 semaphore(%run_scoped3A_67 : memref<!tpu.dma_semaphore, #tpu.memory_space<semaphore_mem>>) src(%dma_wait3A_75 : memref<125x80xi32, #tpu.memory_space<hbm>>) dst(%arg6 : memref<125x80xi32, #tpu.memory_space<vmem>>)
      tpu.yield
    }) : () -> ()
    %mul3A_3 = arith.constant 125 : i32
    %mul3A_4 = arith.muli %add3A, %mul3A_3 : i32
    "tpu.region"() ({
      %run_scoped3A_67 = tpu.sem_alloc : memref<!tpu.dma_semaphore, #tpu.memory_space<semaphore_mem>>
      %dma_start3A_68 = arith.constant 0 : i32
      %dma_start3A_69 = tpu.memref_slice %arg4[%mul3A_4, %dma_start3A_68] : memref<4000x80xi32, #tpu.memory_space<hbm>> -> memref<125x80xi32, #tpu.memory_space<hbm>>
      %dma_start3A_70 = arith.constant 0 : i32
      %dma_start3A_71 = tpu.memref_slice %arg4[%mul3A_4, %dma_start3A_70] : memref<4000x80xi32, #tpu.memory_space<hbm>> -> memref<125x80xi32, #tpu.memory_space<hbm>>
      tpu.enqueue_dma source(%dma_start3A_71 : memref<125x80xi32, #tpu.memory_space<hbm>>) target(%arg7 : memref<125x80xi32, #tpu.memory_space<vmem>>) target_semaphore(%run_scoped3A_67 : memref<!tpu.dma_semaphore, #tpu.memory_space<semaphore_mem>>)
      %dma_wait3A_72 = arith.constant 0 : i32
      %dma_wait3A_73 = tpu.memref_slice %arg4[%mul3A_4, %dma_wait3A_72] : memref<4000x80xi32, #tpu.memory_space<hbm>> -> memref<125x80xi32, #tpu.memory_space<hbm>>
      %dma_wait3A_74 = arith.constant 0 : i32
      %dma_wait3A_75 = tpu.memref_slice %arg4[%mul3A_4, %dma_wait3A_74] : memref<4000x80xi32, #tpu.memory_space<hbm>> -> memref<125x80xi32, #tpu.memory_space<hbm>>
      tpu.wait_dma2 semaphore(%run_scoped3A_67 : memref<!tpu.dma_semaphore, #tpu.memory_space<semaphore_mem>>) src(%dma_wait3A_75 : memref<125x80xi32, #tpu.memory_space<hbm>>) dst(%arg7 : memref<125x80xi32, #tpu.memory_space<vmem>>)
      tpu.yield
    }) : () -> ()
    %broadcast_in_dim3A = arith.constant 0.000000e+00 : f32
    %broadcast_in_dim3A_5 = vector.broadcast %broadcast_in_dim3A : f32 to vector<16xf32>
    %scan3A = arith.constant 0 : i32
    %scan3A_6 = arith.constant 80 : i32
    %scan3A_7 = arith.addi %scan3A, %scan3A_6 : i32
    %scan3A_8 = arith.constant 1 : i32
    scf.for %scan3A_67 = %scan3A to %scan3A_7 step %scan3A_8  : i32 {
      %swap3A = arith.index_cast %scan3A_67 : i32 to index
      %swap3A_68 = arith.constant 0 : index
      %swap3A_69 = tpu.vector_load %arg8[%swap3A, %swap3A_68] {strides = array<i32>} : memref<80x64xf32, #tpu.memory_space<vmem>>, vector<1x16xf32>,
      %swap3A_70 = vector.shape_cast %swap3A_69 : vector<1x16xf32> to vector<16xf32>
      %swap3A_71 = vector.shape_cast %broadcast_in_dim3A_5 : vector<16xf32> to vector<1x16xf32>
      tpu.vector_store %arg8[%swap3A, %swap3A_68], %swap3A_71 {strides = array<i32>} : memref<80x64xf32, #tpu.memory_space<vmem>>, vector<1x16xf32>,
      %swap3A_72 = arith.index_cast %scan3A_67 : i32 to index
      %swap3A_73 = arith.constant 16 : index
      %swap3A_74 = tpu.vector_load %arg8[%swap3A_72, %swap3A_73] {strides = array<i32>} : memref<80x64xf32, #tpu.memory_space<vmem>>, vector<1x16xf32>,
      %swap3A_75 = vector.shape_cast %swap3A_74 : vector<1x16xf32> to vector<16xf32>
      %swap3A_76 = vector.shape_cast %broadcast_in_dim3A_5 : vector<16xf32> to vector<1x16xf32>
      tpu.vector_store %arg8[%swap3A_72, %swap3A_73], %swap3A_76 {strides = array<i32>} : memref<80x64xf32, #tpu.memory_space<vmem>>, vector<1x16xf32>,
      %swap3A_77 = arith.index_cast %scan3A_67 : i32 to index
      %swap3A_78 = arith.constant 32 : index
      %swap3A_79 = tpu.vector_load %arg8[%swap3A_77, %swap3A_78] {strides = array<i32>} : memref<80x64xf32, #tpu.memory_space<vmem>>, vector<1x16xf32>,
      %swap3A_80 = vector.shape_cast %swap3A_79 : vector<1x16xf32> to vector<16xf32>
      %swap3A_81 = vector.shape_cast %broadcast_in_dim3A_5 : vector<16xf32> to vector<1x16xf32>
      tpu.vector_store %arg8[%swap3A_77, %swap3A_78], %swap3A_81 {strides = array<i32>} : memref<80x64xf32, #tpu.memory_space<vmem>>, vector<1x16xf32>,
      %swap3A_82 = arith.index_cast %scan3A_67 : i32 to index
      %swap3A_83 = arith.constant 48 : index
      %swap3A_84 = tpu.vector_load %arg8[%swap3A_82, %swap3A_83] {strides = array<i32>} : memref<80x64xf32, #tpu.memory_space<vmem>>, vector<1x16xf32>,
      %swap3A_85 = vector.shape_cast %swap3A_84 : vector<1x16xf32> to vector<16xf32>
      %swap3A_86 = vector.shape_cast %broadcast_in_dim3A_5 : vector<16xf32> to vector<1x16xf32>
      tpu.vector_store %arg8[%swap3A_82, %swap3A_83], %swap3A_86 {strides = array<i32>} : memref<80x64xf32, #tpu.memory_space<vmem>>, vector<1x16xf32>,
    }
    %scan3A_9 = arith.constant 80 : i32
    %mul3A_10 = arith.constant 640 : i32
    %mul3A_11 = arith.muli %arg1, %mul3A_10 : i32
    %add3A_12 = arith.constant 0 : i32
    %add3A_13 = arith.addi %mul3A_11, %add3A_12 : i32
    "tpu.region"() ({
      %run_scoped3A_67 = tpu.sem_alloc : memref<!tpu.dma_semaphore, #tpu.memory_space<semaphore_mem>>
      %dma_start3A_68 = arith.constant 0 : i32
      %dma_start3A_69 = tpu.memref_slice %arg10[%add3A_13, %dma_start3A_68] : memref<10240x64xf32, #tpu.memory_space<vmem_shared>> -> memref<80x64xf32, #tpu.memory_space<vmem_shared>>
      %dma_start3A_70 = arith.constant 0 : i32
      %dma_start3A_71 = tpu.memref_slice %arg10[%add3A_13, %dma_start3A_70] : memref<10240x64xf32, #tpu.memory_space<vmem_shared>> -> memref<80x64xf32, #tpu.memory_space<vmem_shared>>
      tpu.enqueue_dma source(%arg8 : memref<80x64xf32, #tpu.memory_space<vmem>>) target(%dma_start3A_71 : memref<80x64xf32, #tpu.memory_space<vmem_shared>>) target_semaphore(%run_scoped3A_67 : memref<!tpu.dma_semaphore, #tpu.memory_space<semaphore_mem>>)
      %dma_wait3A_72 = arith.constant 0 : i32
      %dma_wait3A_73 = tpu.memref_slice %arg10[%add3A_13, %dma_wait3A_72] : memref<10240x64xf32, #tpu.memory_space<vmem_shared>> -> memref<80x64xf32, #tpu.memory_space<vmem_shared>>
      %dma_wait3A_74 = arith.constant 0 : i32
      %dma_wait3A_75 = tpu.memref_slice %arg10[%add3A_13, %dma_wait3A_74] : memref<10240x64xf32, #tpu.memory_space<vmem_shared>> -> memref<80x64xf32, #tpu.memory_space<vmem_shared>>
      tpu.wait_dma2 semaphore(%run_scoped3A_67 : memref<!tpu.dma_semaphore, #tpu.memory_space<semaphore_mem>>) src(%arg8 : memref<80x64xf32, #tpu.memory_space<vmem>>) dst(%dma_wait3A_75 : memref<80x64xf32, #tpu.memory_space<vmem_shared>>)
      tpu.yield
    }) : () -> ()
    %mul3A_14 = arith.constant 640 : i32
    %mul3A_15 = arith.muli %arg1, %mul3A_14 : i32
    %add3A_16 = arith.constant 80 : i32
    %add3A_17 = arith.addi %mul3A_15, %add3A_16 : i32
    "tpu.region"() ({
      %run_scoped3A_67 = tpu.sem_alloc : memref<!tpu.dma_semaphore, #tpu.memory_space<semaphore_mem>>
      %dma_start3A_68 = arith.constant 0 : i32
      %dma_start3A_69 = tpu.memref_slice %arg10[%add3A_17, %dma_start3A_68] : memref<10240x64xf32, #tpu.memory_space<vmem_shared>> -> memref<80x64xf32, #tpu.memory_space<vmem_shared>>
      %dma_start3A_70 = arith.constant 0 : i32
      %dma_start3A_71 = tpu.memref_slice %arg10[%add3A_17, %dma_start3A_70] : memref<10240x64xf32, #tpu.memory_space<vmem_shared>> -> memref<80x64xf32, #tpu.memory_space<vmem_shared>>
      tpu.enqueue_dma source(%arg8 : memref<80x64xf32, #tpu.memory_space<vmem>>) target(%dma_start3A_71 : memref<80x64xf32, #tpu.memory_space<vmem_shared>>) target_semaphore(%run_scoped3A_67 : memref<!tpu.dma_semaphore, #tpu.memory_space<semaphore_mem>>)
      %dma_wait3A_72 = arith.constant 0 : i32
      %dma_wait3A_73 = tpu.memref_slice %arg10[%add3A_17, %dma_wait3A_72] : memref<10240x64xf32, #tpu.memory_space<vmem_shared>> -> memref<80x64xf32, #tpu.memory_space<vmem_shared>>
      %dma_wait3A_74 = arith.constant 0 : i32
      %dma_wait3A_75 = tpu.memref_slice %arg10[%add3A_17, %dma_wait3A_74] : memref<10240x64xf32, #tpu.memory_space<vmem_shared>> -> memref<80x64xf32, #tpu.memory_space<vmem_shared>>
      tpu.wait_dma2 semaphore(%run_scoped3A_67 : memref<!tpu.dma_semaphore, #tpu.memory_space<semaphore_mem>>) src(%arg8 : memref<80x64xf32, #tpu.memory_space<vmem>>) dst(%dma_wait3A_75 : memref<80x64xf32, #tpu.memory_space<vmem_shared>>)
      tpu.yield
    }) : () -> ()
    %mul3A_18 = arith.constant 640 : i32
    %mul3A_19 = arith.muli %arg1, %mul3A_18 : i32
    %add3A_20 = arith.constant 160 : i32
    %add3A_21 = arith.addi %mul3A_19, %add3A_20 : i32
    "tpu.region"() ({
      %run_scoped3A_67 = tpu.sem_alloc : memref<!tpu.dma_semaphore, #tpu.memory_space<semaphore_mem>>
      %dma_start3A_68 = arith.constant 0 : i32
      %dma_start3A_69 = tpu.memref_slice %arg10[%add3A_21, %dma_start3A_68] : memref<10240x64xf32, #tpu.memory_space<vmem_shared>> -> memref<80x64xf32, #tpu.memory_space<vmem_shared>>
      %dma_start3A_70 = arith.constant 0 : i32
      %dma_start3A_71 = tpu.memref_slice %arg10[%add3A_21, %dma_start3A_70] : memref<10240x64xf32, #tpu.memory_space<vmem_shared>> -> memref<80x64xf32, #tpu.memory_space<vmem_shared>>
      tpu.enqueue_dma source(%arg8 : memref<80x64xf32, #tpu.memory_space<vmem>>) target(%dma_start3A_71 : memref<80x64xf32, #tpu.memory_space<vmem_shared>>) target_semaphore(%run_scoped3A_67 : memref<!tpu.dma_semaphore, #tpu.memory_space<semaphore_mem>>)
      %dma_wait3A_72 = arith.constant 0 : i32
      %dma_wait3A_73 = tpu.memref_slice %arg10[%add3A_21, %dma_wait3A_72] : memref<10240x64xf32, #tpu.memory_space<vmem_shared>> -> memref<80x64xf32, #tpu.memory_space<vmem_shared>>
      %dma_wait3A_74 = arith.constant 0 : i32
      %dma_wait3A_75 = tpu.memref_slice %arg10[%add3A_21, %dma_wait3A_74] : memref<10240x64xf32, #tpu.memory_space<vmem_shared>> -> memref<80x64xf32, #tpu.memory_space<vmem_shared>>
      tpu.wait_dma2 semaphore(%run_scoped3A_67 : memref<!tpu.dma_semaphore, #tpu.memory_space<semaphore_mem>>) src(%arg8 : memref<80x64xf32, #tpu.memory_space<vmem>>) dst(%dma_wait3A_75 : memref<80x64xf32, #tpu.memory_space<vmem_shared>>)
      tpu.yield
    }) : () -> ()
    %mul3A_22 = arith.constant 640 : i32
    %mul3A_23 = arith.muli %arg1, %mul3A_22 : i32
    %add3A_24 = arith.constant 240 : i32
    %add3A_25 = arith.addi %mul3A_23, %add3A_24 : i32
    "tpu.region"() ({
      %run_scoped3A_67 = tpu.sem_alloc : memref<!tpu.dma_semaphore, #tpu.memory_space<semaphore_mem>>
      %dma_start3A_68 = arith.constant 0 : i32
      %dma_start3A_69 = tpu.memref_slice %arg10[%add3A_25, %dma_start3A_68] : memref<10240x64xf32, #tpu.memory_space<vmem_shared>> -> memref<80x64xf32, #tpu.memory_space<vmem_shared>>
      %dma_start3A_70 = arith.constant 0 : i32
      %dma_start3A_71 = tpu.memref_slice %arg10[%add3A_25, %dma_start3A_70] : memref<10240x64xf32, #tpu.memory_space<vmem_shared>> -> memref<80x64xf32, #tpu.memory_space<vmem_shared>>
      tpu.enqueue_dma source(%arg8 : memref<80x64xf32, #tpu.memory_space<vmem>>) target(%dma_start3A_71 : memref<80x64xf32, #tpu.memory_space<vmem_shared>>) target_semaphore(%run_scoped3A_67 : memref<!tpu.dma_semaphore, #tpu.memory_space<semaphore_mem>>)
      %dma_wait3A_72 = arith.constant 0 : i32
      %dma_wait3A_73 = tpu.memref_slice %arg10[%add3A_25, %dma_wait3A_72] : memref<10240x64xf32, #tpu.memory_space<vmem_shared>> -> memref<80x64xf32, #tpu.memory_space<vmem_shared>>
      %dma_wait3A_74 = arith.constant 0 : i32
      %dma_wait3A_75 = tpu.memref_slice %arg10[%add3A_25, %dma_wait3A_74] : memref<10240x64xf32, #tpu.memory_space<vmem_shared>> -> memref<80x64xf32, #tpu.memory_space<vmem_shared>>
      tpu.wait_dma2 semaphore(%run_scoped3A_67 : memref<!tpu.dma_semaphore, #tpu.memory_space<semaphore_mem>>) src(%arg8 : memref<80x64xf32, #tpu.memory_space<vmem>>) dst(%dma_wait3A_75 : memref<80x64xf32, #tpu.memory_space<vmem_shared>>)
      tpu.yield
    }) : () -> ()
    %mul3A_26 = arith.constant 640 : i32
    %mul3A_27 = arith.muli %arg1, %mul3A_26 : i32
    %add3A_28 = arith.constant 320 : i32
    %add3A_29 = arith.addi %mul3A_27, %add3A_28 : i32
    "tpu.region"() ({
      %run_scoped3A_67 = tpu.sem_alloc : memref<!tpu.dma_semaphore, #tpu.memory_space<semaphore_mem>>
      %dma_start3A_68 = arith.constant 0 : i32
      %dma_start3A_69 = tpu.memref_slice %arg10[%add3A_29, %dma_start3A_68] : memref<10240x64xf32, #tpu.memory_space<vmem_shared>> -> memref<80x64xf32, #tpu.memory_space<vmem_shared>>
      %dma_start3A_70 = arith.constant 0 : i32
      %dma_start3A_71 = tpu.memref_slice %arg10[%add3A_29, %dma_start3A_70] : memref<10240x64xf32, #tpu.memory_space<vmem_shared>> -> memref<80x64xf32, #tpu.memory_space<vmem_shared>>
      tpu.enqueue_dma source(%arg8 : memref<80x64xf32, #tpu.memory_space<vmem>>) target(%dma_start3A_71 : memref<80x64xf32, #tpu.memory_space<vmem_shared>>) target_semaphore(%run_scoped3A_67 : memref<!tpu.dma_semaphore, #tpu.memory_space<semaphore_mem>>)
      %dma_wait3A_72 = arith.constant 0 : i32
      %dma_wait3A_73 = tpu.memref_slice %arg10[%add3A_29, %dma_wait3A_72] : memref<10240x64xf32, #tpu.memory_space<vmem_shared>> -> memref<80x64xf32, #tpu.memory_space<vmem_shared>>
      %dma_wait3A_74 = arith.constant 0 : i32
      %dma_wait3A_75 = tpu.memref_slice %arg10[%add3A_29, %dma_wait3A_74] : memref<10240x64xf32, #tpu.memory_space<vmem_shared>> -> memref<80x64xf32, #tpu.memory_space<vmem_shared>>
      tpu.wait_dma2 semaphore(%run_scoped3A_67 : memref<!tpu.dma_semaphore, #tpu.memory_space<semaphore_mem>>) src(%arg8 : memref<80x64xf32, #tpu.memory_space<vmem>>) dst(%dma_wait3A_75 : memref<80x64xf32, #tpu.memory_space<vmem_shared>>)
      tpu.yield
    }) : () -> ()
    %mul3A_30 = arith.constant 640 : i32
    %mul3A_31 = arith.muli %arg1, %mul3A_30 : i32
    %add3A_32 = arith.constant 400 : i32
    %add3A_33 = arith.addi %mul3A_31, %add3A_32 : i32
    "tpu.region"() ({
      %run_scoped3A_67 = tpu.sem_alloc : memref<!tpu.dma_semaphore, #tpu.memory_space<semaphore_mem>>
      %dma_start3A_68 = arith.constant 0 : i32
      %dma_start3A_69 = tpu.memref_slice %arg10[%add3A_33, %dma_start3A_68] : memref<10240x64xf32, #tpu.memory_space<vmem_shared>> -> memref<80x64xf32, #tpu.memory_space<vmem_shared>>
      %dma_start3A_70 = arith.constant 0 : i32
      %dma_start3A_71 = tpu.memref_slice %arg10[%add3A_33, %dma_start3A_70] : memref<10240x64xf32, #tpu.memory_space<vmem_shared>> -> memref<80x64xf32, #tpu.memory_space<vmem_shared>>
      tpu.enqueue_dma source(%arg8 : memref<80x64xf32, #tpu.memory_space<vmem>>) target(%dma_start3A_71 : memref<80x64xf32, #tpu.memory_space<vmem_shared>>) target_semaphore(%run_scoped3A_67 : memref<!tpu.dma_semaphore, #tpu.memory_space<semaphore_mem>>)
      %dma_wait3A_72 = arith.constant 0 : i32
      %dma_wait3A_73 = tpu.memref_slice %arg10[%add3A_33, %dma_wait3A_72] : memref<10240x64xf32, #tpu.memory_space<vmem_shared>> -> memref<80x64xf32, #tpu.memory_space<vmem_shared>>
      %dma_wait3A_74 = arith.constant 0 : i32
      %dma_wait3A_75 = tpu.memref_slice %arg10[%add3A_33, %dma_wait3A_74] : memref<10240x64xf32, #tpu.memory_space<vmem_shared>> -> memref<80x64xf32, #tpu.memory_space<vmem_shared>>
      tpu.wait_dma2 semaphore(%run_scoped3A_67 : memref<!tpu.dma_semaphore, #tpu.memory_space<semaphore_mem>>) src(%arg8 : memref<80x64xf32, #tpu.memory_space<vmem>>) dst(%dma_wait3A_75 : memref<80x64xf32, #tpu.memory_space<vmem_shared>>)
      tpu.yield
    }) : () -> ()
    %mul3A_34 = arith.constant 640 : i32
    %mul3A_35 = arith.muli %arg1, %mul3A_34 : i32
    %add3A_36 = arith.constant 480 : i32
    %add3A_37 = arith.addi %mul3A_35, %add3A_36 : i32
    "tpu.region"() ({
      %run_scoped3A_67 = tpu.sem_alloc : memref<!tpu.dma_semaphore, #tpu.memory_space<semaphore_mem>>
      %dma_start3A_68 = arith.constant 0 : i32
      %dma_start3A_69 = tpu.memref_slice %arg10[%add3A_37, %dma_start3A_68] : memref<10240x64xf32, #tpu.memory_space<vmem_shared>> -> memref<80x64xf32, #tpu.memory_space<vmem_shared>>
      %dma_start3A_70 = arith.constant 0 : i32
      %dma_start3A_71 = tpu.memref_slice %arg10[%add3A_37, %dma_start3A_70] : memref<10240x64xf32, #tpu.memory_space<vmem_shared>> -> memref<80x64xf32, #tpu.memory_space<vmem_shared>>
      tpu.enqueue_dma source(%arg8 : memref<80x64xf32, #tpu.memory_space<vmem>>) target(%dma_start3A_71 : memref<80x64xf32, #tpu.memory_space<vmem_shared>>) target_semaphore(%run_scoped3A_67 : memref<!tpu.dma_semaphore, #tpu.memory_space<semaphore_mem>>)
      %dma_wait3A_72 = arith.constant 0 : i32
      %dma_wait3A_73 = tpu.memref_slice %arg10[%add3A_37, %dma_wait3A_72] : memref<10240x64xf32, #tpu.memory_space<vmem_shared>> -> memref<80x64xf32, #tpu.memory_space<vmem_shared>>
      %dma_wait3A_74 = arith.constant 0 : i32
      %dma_wait3A_75 = tpu.memref_slice %arg10[%add3A_37, %dma_wait3A_74] : memref<10240x64xf32, #tpu.memory_space<vmem_shared>> -> memref<80x64xf32, #tpu.memory_space<vmem_shared>>
      tpu.wait_dma2 semaphore(%run_scoped3A_67 : memref<!tpu.dma_semaphore, #tpu.memory_space<semaphore_mem>>) src(%arg8 : memref<80x64xf32, #tpu.memory_space<vmem>>) dst(%dma_wait3A_75 : memref<80x64xf32, #tpu.memory_space<vmem_shared>>)
      tpu.yield
    }) : () -> ()
    %mul3A_38 = arith.constant 640 : i32
    %mul3A_39 = arith.muli %arg1, %mul3A_38 : i32
    %add3A_40 = arith.constant 560 : i32
    %add3A_41 = arith.addi %mul3A_39, %add3A_40 : i32
    "tpu.region"() ({
      %run_scoped3A_67 = tpu.sem_alloc : memref<!tpu.dma_semaphore, #tpu.memory_space<semaphore_mem>>
      %dma_start3A_68 = arith.constant 0 : i32
      %dma_start3A_69 = tpu.memref_slice %arg10[%add3A_41, %dma_start3A_68] : memref<10240x64xf32, #tpu.memory_space<vmem_shared>> -> memref<80x64xf32, #tpu.memory_space<vmem_shared>>
      %dma_start3A_70 = arith.constant 0 : i32
      %dma_start3A_71 = tpu.memref_slice %arg10[%add3A_41, %dma_start3A_70] : memref<10240x64xf32, #tpu.memory_space<vmem_shared>> -> memref<80x64xf32, #tpu.memory_space<vmem_shared>>
      tpu.enqueue_dma source(%arg8 : memref<80x64xf32, #tpu.memory_space<vmem>>) target(%dma_start3A_71 : memref<80x64xf32, #tpu.memory_space<vmem_shared>>) target_semaphore(%run_scoped3A_67 : memref<!tpu.dma_semaphore, #tpu.memory_space<semaphore_mem>>)
      %dma_wait3A_72 = arith.constant 0 : i32
      %dma_wait3A_73 = tpu.memref_slice %arg10[%add3A_41, %dma_wait3A_72] : memref<10240x64xf32, #tpu.memory_space<vmem_shared>> -> memref<80x64xf32, #tpu.memory_space<vmem_shared>>
      %dma_wait3A_74 = arith.constant 0 : i32
      %dma_wait3A_75 = tpu.memref_slice %arg10[%add3A_41, %dma_wait3A_74] : memref<10240x64xf32, #tpu.memory_space<vmem_shared>> -> memref<80x64xf32, #tpu.memory_space<vmem_shared>>
      tpu.wait_dma2 semaphore(%run_scoped3A_67 : memref<!tpu.dma_semaphore, #tpu.memory_space<semaphore_mem>>) src(%arg8 : memref<80x64xf32, #tpu.memory_space<vmem>>) dst(%dma_wait3A_75 : memref<80x64xf32, #tpu.memory_space<vmem_shared>>)
      tpu.yield
    }) : () -> ()
    %barrier3A = arith.constant 0 : index
    tpu.barrier barrier_id(%barrier3A)
    %dma_start3A = arith.constant 0 : i32
    %dma_start3A_42 = arith.constant 0 : i32
    %dma_start3A_43 = tpu.memref_slice %arg6[%dma_start3A, %dma_start3A_42] : memref<125x80xi32, #tpu.memory_space<vmem>> -> memref<1x80xi32, #tpu.memory_space<vmem>>
    %dma_start3A_44 = tpu.memref_squeeze %dma_start3A_43 : memref<1x80xi32, #tpu.memory_space<vmem>> -> memref<80xi32, #tpu.memory_space<vmem>>
    %dma_start3A_45 = arith.constant 0 : i32
    %dma_start3A_46 = arith.constant 0 : i32
    %dma_start3A_47 = tpu.memref_slice %arg2[%dma_start3A_45, %dma_start3A_46] : memref<10000x64xf32, #tpu.memory_space<hbm>> -> memref<10000x64xf32, #tpu.memory_space<hbm>>
    tpu.enqueue_indirect_dma source(%dma_start3A_47 : memref<10000x64xf32, #tpu.memory_space<hbm>>) target(%arg8 : memref<80x64xf32, #tpu.memory_space<vmem>>) offsets(%dma_start3A_44 : memref<80xi32, #tpu.memory_space<vmem>>) semaphore(%arg11 : memref<!tpu.dma_semaphore, #tpu.memory_space<semaphore_mem>>)
    %scan3A_48 = arith.constant 0 : i32
    %scan3A_49 = arith.constant 62 : i32
    %scan3A_50 = arith.addi %scan3A_48, %scan3A_49 : i32
    %scan3A_51 = arith.constant 1 : i32
    scf.for %scan3A_67 = %scan3A_48 to %scan3A_50 step %scan3A_51  : i32 {
      %mul3A_68 = arith.constant 2 : i32
      %mul3A_69 = arith.muli %mul3A_68, %scan3A_67 : i32
      %add3A_70 = arith.constant 1 : i32
      %add3A_71 = arith.addi %mul3A_69, %add3A_70 : i32
      %dma_start3A_72 = arith.constant 0 : i32
      %dma_start3A_73 = tpu.memref_slice %arg6[%add3A_71, %dma_start3A_72] : memref<125x80xi32, #tpu.memory_space<vmem>> -> memref<1x80xi32, #tpu.memory_space<vmem>>
      %dma_start3A_74 = tpu.memref_squeeze %dma_start3A_73 : memref<1x80xi32, #tpu.memory_space<vmem>> -> memref<80xi32, #tpu.memory_space<vmem>>
      %dma_start3A_75 = arith.constant 0 : i32
      %dma_start3A_76 = arith.constant 0 : i32
      %dma_start3A_77 = tpu.memref_slice %arg2[%dma_start3A_75, %dma_start3A_76] : memref<10000x64xf32, #tpu.memory_space<hbm>> -> memref<10000x64xf32, #tpu.memory_space<hbm>>
      tpu.enqueue_indirect_dma source(%dma_start3A_77 : memref<10000x64xf32, #tpu.memory_space<hbm>>) target(%arg9 : memref<80x64xf32, #tpu.memory_space<vmem>>) offsets(%dma_start3A_74 : memref<80xi32, #tpu.memory_space<vmem>>) semaphore(%arg12 : memref<!tpu.dma_semaphore, #tpu.memory_space<semaphore_mem>>)
      %dma_wait3A_78 = arith.constant 0 : i32
      %dma_wait3A_79 = tpu.memref_slice %arg6[%mul3A_69, %dma_wait3A_78] : memref<125x80xi32, #tpu.memory_space<vmem>> -> memref<1x80xi32, #tpu.memory_space<vmem>>
      %dma_wait3A_80 = tpu.memref_squeeze %dma_wait3A_79 : memref<1x80xi32, #tpu.memory_space<vmem>> -> memref<80xi32, #tpu.memory_space<vmem>>
      %dma_wait3A_81 = arith.constant 0 : i32
      %dma_wait3A_82 = arith.constant 0 : i32
      %dma_wait3A_83 = tpu.memref_slice %arg2[%dma_wait3A_81, %dma_wait3A_82] : memref<10000x64xf32, #tpu.memory_space<hbm>> -> memref<10000x64xf32, #tpu.memory_space<hbm>>
      tpu.wait_indirect_dma semaphore(%arg11 : memref<!tpu.dma_semaphore, #tpu.memory_space<semaphore_mem>>) src(%dma_wait3A_83 : memref<10000x64xf32, #tpu.memory_space<hbm>>) dst(%arg8 : memref<80x64xf32, #tpu.memory_space<vmem>>)
      "tpu.region"() ({
        %run_scoped3A_102 = tpu.sem_alloc : memref<!tpu.dma_semaphore, #tpu.memory_space<semaphore_mem>>
        %dma_start3A_103 = arith.constant 0 : i32
        %dma_start3A_104 = tpu.memref_slice %arg7[%mul3A_69, %dma_start3A_103] : memref<125x80xi32, #tpu.memory_space<vmem>> -> memref<1x80xi32, #tpu.memory_space<vmem>>
        %dma_start3A_105 = tpu.memref_squeeze %dma_start3A_104 : memref<1x80xi32, #tpu.memory_space<vmem>> -> memref<80xi32, #tpu.memory_space<vmem>>
        %dma_start3A_106 = arith.constant 0 : i32
        %dma_start3A_107 = arith.constant 0 : i32
        %dma_start3A_108 = tpu.memref_slice %arg10[%dma_start3A_106, %dma_start3A_107] : memref<10240x64xf32, #tpu.memory_space<vmem_shared>> -> memref<10240x64xf32, #tpu.memory_space<vmem_shared>>
        tpu.enqueue_indirect_dma source(%arg8 : memref<80x64xf32, #tpu.memory_space<vmem>>) target(%dma_start3A_108 : memref<10240x64xf32, #tpu.memory_space<vmem_shared>>) offsets(%dma_start3A_105 : memref<80xi32, #tpu.memory_space<vmem>>) semaphore(%run_scoped3A_102 : memref<!tpu.dma_semaphore, #tpu.memory_space<semaphore_mem>>) {add = true}
        %dma_wait3A_109 = arith.constant 0 : i32
        %dma_wait3A_110 = tpu.memref_slice %arg7[%mul3A_69, %dma_wait3A_109] : memref<125x80xi32, #tpu.memory_space<vmem>> -> memref<1x80xi32, #tpu.memory_space<vmem>>
        %dma_wait3A_111 = tpu.memref_squeeze %dma_wait3A_110 : memref<1x80xi32, #tpu.memory_space<vmem>> -> memref<80xi32, #tpu.memory_space<vmem>>
        %dma_wait3A_112 = arith.constant 0 : i32
        %dma_wait3A_113 = arith.constant 0 : i32
        %dma_wait3A_114 = tpu.memref_slice %arg10[%dma_wait3A_112, %dma_wait3A_113] : memref<10240x64xf32, #tpu.memory_space<vmem_shared>> -> memref<10240x64xf32, #tpu.memory_space<vmem_shared>>
        tpu.wait_indirect_dma semaphore(%run_scoped3A_102 : memref<!tpu.dma_semaphore, #tpu.memory_space<semaphore_mem>>) src(%arg8 : memref<80x64xf32, #tpu.memory_space<vmem>>) dst(%dma_wait3A_114 : memref<10240x64xf32, #tpu.memory_space<vmem_shared>>)
        tpu.yield
      }) : () -> ()
      %add3A_84 = arith.constant 2 : i32
      %add3A_85 = arith.addi %mul3A_69, %add3A_84 : i32
      %dma_start3A_86 = arith.constant 0 : i32
      %dma_start3A_87 = tpu.memref_slice %arg6[%add3A_85, %dma_start3A_86] : memref<125x80xi32, #tpu.memory_space<vmem>> -> memref<1x80xi32, #tpu.memory_space<vmem>>
      %dma_start3A_88 = tpu.memref_squeeze %dma_start3A_87 : memref<1x80xi32, #tpu.memory_space<vmem>> -> memref<80xi32, #tpu.memory_space<vmem>>
      %dma_start3A_89 = arith.constant 0 : i32
      %dma_start3A_90 = arith.constant 0 : i32
      %dma_start3A_91 = tpu.memref_slice %arg2[%dma_start3A_89, %dma_start3A_90] : memref<10000x64xf32, #tpu.memory_space<hbm>> -> memref<10000x64xf32, #tpu.memory_space<hbm>>
      tpu.enqueue_indirect_dma source(%dma_start3A_91 : memref<10000x64xf32, #tpu.memory_space<hbm>>) target(%arg8 : memref<80x64xf32, #tpu.memory_space<vmem>>) offsets(%dma_start3A_88 : memref<80xi32, #tpu.memory_space<vmem>>) semaphore(%arg11 : memref<!tpu.dma_semaphore, #tpu.memory_space<semaphore_mem>>)
      %add3A_92 = arith.constant 1 : i32
      %add3A_93 = arith.addi %mul3A_69, %add3A_92 : i32
      %dma_wait3A_94 = arith.constant 0 : i32
      %dma_wait3A_95 = tpu.memref_slice %arg6[%add3A_93, %dma_wait3A_94] : memref<125x80xi32, #tpu.memory_space<vmem>> -> memref<1x80xi32, #tpu.memory_space<vmem>>
      %dma_wait3A_96 = tpu.memref_squeeze %dma_wait3A_95 : memref<1x80xi32, #tpu.memory_space<vmem>> -> memref<80xi32, #tpu.memory_space<vmem>>
      %dma_wait3A_97 = arith.constant 0 : i32
      %dma_wait3A_98 = arith.constant 0 : i32
      %dma_wait3A_99 = tpu.memref_slice %arg2[%dma_wait3A_97, %dma_wait3A_98] : memref<10000x64xf32, #tpu.memory_space<hbm>> -> memref<10000x64xf32, #tpu.memory_space<hbm>>
      tpu.wait_indirect_dma semaphore(%arg12 : memref<!tpu.dma_semaphore, #tpu.memory_space<semaphore_mem>>) src(%dma_wait3A_99 : memref<10000x64xf32, #tpu.memory_space<hbm>>) dst(%arg9 : memref<80x64xf32, #tpu.memory_space<vmem>>)
      %add3A_100 = arith.constant 1 : i32
      %add3A_101 = arith.addi %mul3A_69, %add3A_100 : i32
      "tpu.region"() ({
        %run_scoped3A_102 = tpu.sem_alloc : memref<!tpu.dma_semaphore, #tpu.memory_space<semaphore_mem>>
        %dma_start3A_103 = arith.constant 0 : i32
        %dma_start3A_104 = tpu.memref_slice %arg7[%add3A_101, %dma_start3A_103] : memref<125x80xi32, #tpu.memory_space<vmem>> -> memref<1x80xi32, #tpu.memory_space<vmem>>
        %dma_start3A_105 = tpu.memref_squeeze %dma_start3A_104 : memref<1x80xi32, #tpu.memory_space<vmem>> -> memref<80xi32, #tpu.memory_space<vmem>>
        %dma_start3A_106 = arith.constant 0 : i32
        %dma_start3A_107 = arith.constant 0 : i32
        %dma_start3A_108 = tpu.memref_slice %arg10[%dma_start3A_106, %dma_start3A_107] : memref<10240x64xf32, #tpu.memory_space<vmem_shared>> -> memref<10240x64xf32, #tpu.memory_space<vmem_shared>>
        tpu.enqueue_indirect_dma source(%arg9 : memref<80x64xf32, #tpu.memory_space<vmem>>) target(%dma_start3A_108 : memref<10240x64xf32, #tpu.memory_space<vmem_shared>>) offsets(%dma_start3A_105 : memref<80xi32, #tpu.memory_space<vmem>>) semaphore(%run_scoped3A_102 : memref<!tpu.dma_semaphore, #tpu.memory_space<semaphore_mem>>) {add = true}
        %dma_wait3A_109 = arith.constant 0 : i32
        %dma_wait3A_110 = tpu.memref_slice %arg7[%add3A_101, %dma_wait3A_109] : memref<125x80xi32, #tpu.memory_space<vmem>> -> memref<1x80xi32, #tpu.memory_space<vmem>>
        %dma_wait3A_111 = tpu.memref_squeeze %dma_wait3A_110 : memref<1x80xi32, #tpu.memory_space<vmem>> -> memref<80xi32, #tpu.memory_space<vmem>>
        %dma_wait3A_112 = arith.constant 0 : i32
        %dma_wait3A_113 = arith.constant 0 : i32
        %dma_wait3A_114 = tpu.memref_slice %arg10[%dma_wait3A_112, %dma_wait3A_113] : memref<10240x64xf32, #tpu.memory_space<vmem_shared>> -> memref<10240x64xf32, #tpu.memory_space<vmem_shared>>
        tpu.wait_indirect_dma semaphore(%run_scoped3A_102 : memref<!tpu.dma_semaphore, #tpu.memory_space<semaphore_mem>>) src(%arg9 : memref<80x64xf32, #tpu.memory_space<vmem>>) dst(%dma_wait3A_114 : memref<10240x64xf32, #tpu.memory_space<vmem_shared>>)
        tpu.yield
      }) : () -> ()
    }
    %scan3A_52 = arith.constant 62 : i32
    %dma_wait3A = arith.constant 124 : i32
    %dma_wait3A_53 = arith.constant 0 : i32
    %dma_wait3A_54 = tpu.memref_slice %arg6[%dma_wait3A, %dma_wait3A_53] : memref<125x80xi32, #tpu.memory_space<vmem>> -> memref<1x80xi32, #tpu.memory_space<vmem>>
    %dma_wait3A_55 = tpu.memref_squeeze %dma_wait3A_54 : memref<1x80xi32, #tpu.memory_space<vmem>> -> memref<80xi32, #tpu.memory_space<vmem>>
    %dma_wait3A_56 = arith.constant 0 : i32
    %dma_wait3A_57 = arith.constant 0 : i32
    %dma_wait3A_58 = tpu.memref_slice %arg2[%dma_wait3A_56, %dma_wait3A_57] : memref<10000x64xf32, #tpu.memory_space<hbm>> -> memref<10000x64xf32, #tpu.memory_space<hbm>>
    tpu.wait_indirect_dma semaphore(%arg11 : memref<!tpu.dma_semaphore, #tpu.memory_space<semaphore_mem>>) src(%dma_wait3A_58 : memref<10000x64xf32, #tpu.memory_space<hbm>>) dst(%arg8 : memref<80x64xf32, #tpu.memory_space<vmem>>)
    %run_scoped3A = arith.constant 124 : i32
    "tpu.region"() ({
      %run_scoped3A_67 = tpu.sem_alloc : memref<!tpu.dma_semaphore, #tpu.memory_space<semaphore_mem>>
      %dma_start3A_68 = arith.constant 0 : i32
      %dma_start3A_69 = tpu.memref_slice %arg7[%run_scoped3A, %dma_start3A_68] : memref<125x80xi32, #tpu.memory_space<vmem>> -> memref<1x80xi32, #tpu.memory_space<vmem>>
      %dma_start3A_70 = tpu.memref_squeeze %dma_start3A_69 : memref<1x80xi32, #tpu.memory_space<vmem>> -> memref<80xi32, #tpu.memory_space<vmem>>
      %dma_start3A_71 = arith.constant 0 : i32
      %dma_start3A_72 = arith.constant 0 : i32
      %dma_start3A_73 = tpu.memref_slice %arg10[%dma_start3A_71, %dma_start3A_72] : memref<10240x64xf32, #tpu.memory_space<vmem_shared>> -> memref<10240x64xf32, #tpu.memory_space<vmem_shared>>
      tpu.enqueue_indirect_dma source(%arg8 : memref<80x64xf32, #tpu.memory_space<vmem>>) target(%dma_start3A_73 : memref<10240x64xf32, #tpu.memory_space<vmem_shared>>) offsets(%dma_start3A_70 : memref<80xi32, #tpu.memory_space<vmem>>) semaphore(%run_scoped3A_67 : memref<!tpu.dma_semaphore, #tpu.memory_space<semaphore_mem>>) {add = true}
      %dma_wait3A_74 = arith.constant 0 : i32
      %dma_wait3A_75 = tpu.memref_slice %arg7[%run_scoped3A, %dma_wait3A_74] : memref<125x80xi32, #tpu.memory_space<vmem>> -> memref<1x80xi32, #tpu.memory_space<vmem>>
      %dma_wait3A_76 = tpu.memref_squeeze %dma_wait3A_75 : memref<1x80xi32, #tpu.memory_space<vmem>> -> memref<80xi32, #tpu.memory_space<vmem>>
      %dma_wait3A_77 = arith.constant 0 : i32
      %dma_wait3A_78 = arith.constant 0 : i32
      %dma_wait3A_79 = tpu.memref_slice %arg10[%dma_wait3A_77, %dma_wait3A_78] : memref<10240x64xf32, #tpu.memory_space<vmem_shared>> -> memref<10240x64xf32, #tpu.memory_space<vmem_shared>>
      tpu.wait_indirect_dma semaphore(%run_scoped3A_67 : memref<!tpu.dma_semaphore, #tpu.memory_space<semaphore_mem>>) src(%arg8 : memref<80x64xf32, #tpu.memory_space<vmem>>) dst(%dma_wait3A_79 : memref<10240x64xf32, #tpu.memory_space<vmem_shared>>)
      tpu.yield
    }) : () -> ()
    %barrier3A_59 = arith.constant 0 : index
    tpu.barrier barrier_id(%barrier3A_59)
    %mul3A_60 = arith.constant 640 : i32
    %mul3A_61 = arith.muli %arg1, %mul3A_60 : i32
    %mul3A_62 = arith.constant 10240 : i32
    %mul3A_63 = arith.muli %arg0, %mul3A_62 : i32
    %mul3A_64 = arith.constant 640 : i32
    %mul3A_65 = arith.muli %arg1, %mul3A_64 : i32
    %add3A_66 = arith.addi %mul3A_63, %mul3A_65 : i32
    "tpu.region"() ({
      %run_scoped3A_67 = tpu.sem_alloc : memref<!tpu.dma_semaphore, #tpu.memory_space<semaphore_mem>>
      %dma_start3A_68 = arith.constant 0 : i32
      %dma_start3A_69 = tpu.memref_slice %arg5[%add3A_66, %dma_start3A_68] : memref<20480x64xf32, #tpu.memory_space<hbm>> -> memref<640x64xf32, #tpu.memory_space<hbm>>
      %dma_start3A_70 = arith.constant 0 : i32
      %dma_start3A_71 = tpu.memref_slice %arg10[%mul3A_61, %dma_start3A_70] : memref<10240x64xf32, #tpu.memory_space<vmem_shared>> -> memref<640x64xf32, #tpu.memory_space<vmem_shared>>
      tpu.enqueue_dma source(%dma_start3A_71 : memref<640x64xf32, #tpu.memory_space<vmem_shared>>) target(%dma_start3A_69 : memref<640x64xf32, #tpu.memory_space<hbm>>) target_semaphore(%run_scoped3A_67 : memref<!tpu.dma_semaphore, #tpu.memory_space<semaphore_mem>>)
      %dma_wait3A_72 = arith.constant 0 : i32
      %dma_wait3A_73 = tpu.memref_slice %arg5[%add3A_66, %dma_wait3A_72] : memref<20480x64xf32, #tpu.memory_space<hbm>> -> memref<640x64xf32, #tpu.memory_space<hbm>>
      %dma_wait3A_74 = arith.constant 0 : i32
      %dma_wait3A_75 = tpu.memref_slice %arg10[%mul3A_61, %dma_wait3A_74] : memref<10240x64xf32, #tpu.memory_space<vmem_shared>> -> memref<640x64xf32, #tpu.memory_space<vmem_shared>>
      tpu.wait_dma2 semaphore(%run_scoped3A_67 : memref<!tpu.dma_semaphore, #tpu.memory_space<semaphore_mem>>) src(%dma_wait3A_75 : memref<640x64xf32, #tpu.memory_space<vmem_shared>>) dst(%dma_wait3A_73 : memref<640x64xf32, #tpu.memory_space<hbm>>)
      tpu.yield
    }) : () -> ()
    return
  }
}

#map = affine_map<(d0, d1) -> (0, 0)>
module attributes {stable_mosaic.version = 14 : i64} {
  func.func @_sc_agg_body(%arg0: i32, %arg1: i32, %arg2: memref<10000x136xf32, #tpu.memory_space<hbm>>, %arg3: memref<4000x80xi32, #tpu.memory_space<hbm>>, %arg4: memref<4000x80xi32, #tpu.memory_space<hbm>>, %arg5: memref<20480x136xf32, #tpu.memory_space<hbm>>, %arg6: memref<125x80xi32, #tpu.memory_space<vmem>>, %arg7: memref<125x80xi32, #tpu.memory_space<vmem>>, %arg8: memref<80x136xf32, #tpu.memory_space<vmem>>, %arg9: memref<80x136xf32, #tpu.memory_space<vmem>>, %arg10: memref<10240x136xf32, #tpu.memory_space<vmem_shared>>, %arg11: memref<!tpu.dma_semaphore, #tpu.memory_space<semaphore_mem>>, %arg12: memref<!tpu.dma_semaphore, #tpu.memory_space<semaphore_mem>>) attributes {dimension_semantics = [#tpu.dimension_semantics<core_parallel>, #tpu.dimension_semantics<subcore_parallel>], iteration_bounds = array<i64: 2, 16>, scalar_prefetch = 0 : i64, scratch_operands = 7 : i64, tpu.core_type = #tpu.core_type<sc_vector_subcore>, window_params = [{transform_indices = #map}, {transform_indices = #map}, {transform_indices = #map}, {transform_indices = #map}]} {
    %mul3A = arith.constant 16 : i32
    %mul3A_0 = arith.muli %arg0, %mul3A : i32
    %add3A = arith.addi %mul3A_0, %arg1 : i32
    %mul3A_1 = arith.constant 125 : i32
    %mul3A_2 = arith.muli %add3A, %mul3A_1 : i32
    "tpu.region"() ({
      %run_scoped3A_67 = tpu.sem_alloc : memref<!tpu.dma_semaphore, #tpu.memory_space<semaphore_mem>>
      %dma_start3A_68 = arith.constant 0 : i32
      %dma_start3A_69 = tpu.memref_slice %arg3[%mul3A_2, %dma_start3A_68] : memref<4000x80xi32, #tpu.memory_space<hbm>> -> memref<125x80xi32, #tpu.memory_space<hbm>>
      %dma_start3A_70 = arith.constant 0 : i32
      %dma_start3A_71 = tpu.memref_slice %arg3[%mul3A_2, %dma_start3A_70] : memref<4000x80xi32, #tpu.memory_space<hbm>> -> memref<125x80xi32, #tpu.memory_space<hbm>>
      tpu.enqueue_dma source(%dma_start3A_71 : memref<125x80xi32, #tpu.memory_space<hbm>>) target(%arg6 : memref<125x80xi32, #tpu.memory_space<vmem>>) target_semaphore(%run_scoped3A_67 : memref<!tpu.dma_semaphore, #tpu.memory_space<semaphore_mem>>)
      %dma_wait3A_72 = arith.constant 0 : i32
      %dma_wait3A_73 = tpu.memref_slice %arg3[%mul3A_2, %dma_wait3A_72] : memref<4000x80xi32, #tpu.memory_space<hbm>> -> memref<125x80xi32, #tpu.memory_space<hbm>>
      %dma_wait3A_74 = arith.constant 0 : i32
      %dma_wait3A_75 = tpu.memref_slice %arg3[%mul3A_2, %dma_wait3A_74] : memref<4000x80xi32, #tpu.memory_space<hbm>> -> memref<125x80xi32, #tpu.memory_space<hbm>>
      tpu.wait_dma2 semaphore(%run_scoped3A_67 : memref<!tpu.dma_semaphore, #tpu.memory_space<semaphore_mem>>) src(%dma_wait3A_75 : memref<125x80xi32, #tpu.memory_space<hbm>>) dst(%arg6 : memref<125x80xi32, #tpu.memory_space<vmem>>)
      tpu.yield
    }) : () -> ()
    %mul3A_3 = arith.constant 125 : i32
    %mul3A_4 = arith.muli %add3A, %mul3A_3 : i32
    "tpu.region"() ({
      %run_scoped3A_67 = tpu.sem_alloc : memref<!tpu.dma_semaphore, #tpu.memory_space<semaphore_mem>>
      %dma_start3A_68 = arith.constant 0 : i32
      %dma_start3A_69 = tpu.memref_slice %arg4[%mul3A_4, %dma_start3A_68] : memref<4000x80xi32, #tpu.memory_space<hbm>> -> memref<125x80xi32, #tpu.memory_space<hbm>>
      %dma_start3A_70 = arith.constant 0 : i32
      %dma_start3A_71 = tpu.memref_slice %arg4[%mul3A_4, %dma_start3A_70] : memref<4000x80xi32, #tpu.memory_space<hbm>> -> memref<125x80xi32, #tpu.memory_space<hbm>>
      tpu.enqueue_dma source(%dma_start3A_71 : memref<125x80xi32, #tpu.memory_space<hbm>>) target(%arg7 : memref<125x80xi32, #tpu.memory_space<vmem>>) target_semaphore(%run_scoped3A_67 : memref<!tpu.dma_semaphore, #tpu.memory_space<semaphore_mem>>)
      %dma_wait3A_72 = arith.constant 0 : i32
      %dma_wait3A_73 = tpu.memref_slice %arg4[%mul3A_4, %dma_wait3A_72] : memref<4000x80xi32, #tpu.memory_space<hbm>> -> memref<125x80xi32, #tpu.memory_space<hbm>>
      %dma_wait3A_74 = arith.constant 0 : i32
      %dma_wait3A_75 = tpu.memref_slice %arg4[%mul3A_4, %dma_wait3A_74] : memref<4000x80xi32, #tpu.memory_space<hbm>> -> memref<125x80xi32, #tpu.memory_space<hbm>>
      tpu.wait_dma2 semaphore(%run_scoped3A_67 : memref<!tpu.dma_semaphore, #tpu.memory_space<semaphore_mem>>) src(%dma_wait3A_75 : memref<125x80xi32, #tpu.memory_space<hbm>>) dst(%arg7 : memref<125x80xi32, #tpu.memory_space<vmem>>)
      tpu.yield
    }) : () -> ()
    %broadcast_in_dim3A = arith.constant 0.000000e+00 : f32
    %broadcast_in_dim3A_5 = vector.broadcast %broadcast_in_dim3A : f32 to vector<16xf32>
    %scan3A = arith.constant 0 : i32
    %scan3A_6 = arith.constant 80 : i32
    %scan3A_7 = arith.addi %scan3A, %scan3A_6 : i32
    %scan3A_8 = arith.constant 1 : i32
    scf.for %scan3A_67 = %scan3A to %scan3A_7 step %scan3A_8  : i32 {
      %swap3A = arith.index_cast %scan3A_67 : i32 to index
      %swap3A_68 = arith.constant 0 : index
      %swap3A_69 = tpu.vector_load %arg8[%swap3A, %swap3A_68] {strides = array<i32>} : memref<80x136xf32, #tpu.memory_space<vmem>>, vector<1x16xf32>,
      %swap3A_70 = vector.shape_cast %swap3A_69 : vector<1x16xf32> to vector<16xf32>
      %swap3A_71 = vector.shape_cast %broadcast_in_dim3A_5 : vector<16xf32> to vector<1x16xf32>
      tpu.vector_store %arg8[%swap3A, %swap3A_68], %swap3A_71 {strides = array<i32>} : memref<80x136xf32, #tpu.memory_space<vmem>>, vector<1x16xf32>,
      %swap3A_72 = arith.index_cast %scan3A_67 : i32 to index
      %swap3A_73 = arith.constant 16 : index
      %swap3A_74 = tpu.vector_load %arg8[%swap3A_72, %swap3A_73] {strides = array<i32>} : memref<80x136xf32, #tpu.memory_space<vmem>>, vector<1x16xf32>,
      %swap3A_75 = vector.shape_cast %swap3A_74 : vector<1x16xf32> to vector<16xf32>
      %swap3A_76 = vector.shape_cast %broadcast_in_dim3A_5 : vector<16xf32> to vector<1x16xf32>
      tpu.vector_store %arg8[%swap3A_72, %swap3A_73], %swap3A_76 {strides = array<i32>} : memref<80x136xf32, #tpu.memory_space<vmem>>, vector<1x16xf32>,
      %swap3A_77 = arith.index_cast %scan3A_67 : i32 to index
      %swap3A_78 = arith.constant 32 : index
      %swap3A_79 = tpu.vector_load %arg8[%swap3A_77, %swap3A_78] {strides = array<i32>} : memref<80x136xf32, #tpu.memory_space<vmem>>, vector<1x16xf32>,
      %swap3A_80 = vector.shape_cast %swap3A_79 : vector<1x16xf32> to vector<16xf32>
      %swap3A_81 = vector.shape_cast %broadcast_in_dim3A_5 : vector<16xf32> to vector<1x16xf32>
      tpu.vector_store %arg8[%swap3A_77, %swap3A_78], %swap3A_81 {strides = array<i32>} : memref<80x136xf32, #tpu.memory_space<vmem>>, vector<1x16xf32>,
      %swap3A_82 = arith.index_cast %scan3A_67 : i32 to index
      %swap3A_83 = arith.constant 48 : index
      %swap3A_84 = tpu.vector_load %arg8[%swap3A_82, %swap3A_83] {strides = array<i32>} : memref<80x136xf32, #tpu.memory_space<vmem>>, vector<1x16xf32>,
      %swap3A_85 = vector.shape_cast %swap3A_84 : vector<1x16xf32> to vector<16xf32>
      %swap3A_86 = vector.shape_cast %broadcast_in_dim3A_5 : vector<16xf32> to vector<1x16xf32>
      tpu.vector_store %arg8[%swap3A_82, %swap3A_83], %swap3A_86 {strides = array<i32>} : memref<80x136xf32, #tpu.memory_space<vmem>>, vector<1x16xf32>,
      %swap3A_87 = arith.index_cast %scan3A_67 : i32 to index
      %swap3A_88 = arith.constant 64 : index
      %swap3A_89 = tpu.vector_load %arg8[%swap3A_87, %swap3A_88] {strides = array<i32>} : memref<80x136xf32, #tpu.memory_space<vmem>>, vector<1x16xf32>,
      %swap3A_90 = vector.shape_cast %swap3A_89 : vector<1x16xf32> to vector<16xf32>
      %swap3A_91 = vector.shape_cast %broadcast_in_dim3A_5 : vector<16xf32> to vector<1x16xf32>
      tpu.vector_store %arg8[%swap3A_87, %swap3A_88], %swap3A_91 {strides = array<i32>} : memref<80x136xf32, #tpu.memory_space<vmem>>, vector<1x16xf32>,
      %swap3A_92 = arith.index_cast %scan3A_67 : i32 to index
      %swap3A_93 = arith.constant 80 : index
      %swap3A_94 = tpu.vector_load %arg8[%swap3A_92, %swap3A_93] {strides = array<i32>} : memref<80x136xf32, #tpu.memory_space<vmem>>, vector<1x16xf32>,
      %swap3A_95 = vector.shape_cast %swap3A_94 : vector<1x16xf32> to vector<16xf32>
      %swap3A_96 = vector.shape_cast %broadcast_in_dim3A_5 : vector<16xf32> to vector<1x16xf32>
      tpu.vector_store %arg8[%swap3A_92, %swap3A_93], %swap3A_96 {strides = array<i32>} : memref<80x136xf32, #tpu.memory_space<vmem>>, vector<1x16xf32>,
      %swap3A_97 = arith.index_cast %scan3A_67 : i32 to index
      %swap3A_98 = arith.constant 96 : index
      %swap3A_99 = tpu.vector_load %arg8[%swap3A_97, %swap3A_98] {strides = array<i32>} : memref<80x136xf32, #tpu.memory_space<vmem>>, vector<1x16xf32>,
      %swap3A_100 = vector.shape_cast %swap3A_99 : vector<1x16xf32> to vector<16xf32>
      %swap3A_101 = vector.shape_cast %broadcast_in_dim3A_5 : vector<16xf32> to vector<1x16xf32>
      tpu.vector_store %arg8[%swap3A_97, %swap3A_98], %swap3A_101 {strides = array<i32>} : memref<80x136xf32, #tpu.memory_space<vmem>>, vector<1x16xf32>,
      %swap3A_102 = arith.index_cast %scan3A_67 : i32 to index
      %swap3A_103 = arith.constant 112 : index
      %swap3A_104 = tpu.vector_load %arg8[%swap3A_102, %swap3A_103] {strides = array<i32>} : memref<80x136xf32, #tpu.memory_space<vmem>>, vector<1x16xf32>,
      %swap3A_105 = vector.shape_cast %swap3A_104 : vector<1x16xf32> to vector<16xf32>
      %swap3A_106 = vector.shape_cast %broadcast_in_dim3A_5 : vector<16xf32> to vector<1x16xf32>
      tpu.vector_store %arg8[%swap3A_102, %swap3A_103], %swap3A_106 {strides = array<i32>} : memref<80x136xf32, #tpu.memory_space<vmem>>, vector<1x16xf32>,
      %swap3A_107 = arith.index_cast %scan3A_67 : i32 to index
      %swap3A_108 = arith.constant 120 : index
      %swap3A_109 = tpu.vector_load %arg8[%swap3A_107, %swap3A_108] {strides = array<i32>} : memref<80x136xf32, #tpu.memory_space<vmem>>, vector<1x16xf32>,
      %swap3A_110 = vector.shape_cast %swap3A_109 : vector<1x16xf32> to vector<16xf32>
      %swap3A_111 = vector.shape_cast %broadcast_in_dim3A_5 : vector<16xf32> to vector<1x16xf32>
      tpu.vector_store %arg8[%swap3A_107, %swap3A_108], %swap3A_111 {strides = array<i32>} : memref<80x136xf32, #tpu.memory_space<vmem>>, vector<1x16xf32>,
    }
    %scan3A_9 = arith.constant 80 : i32
    %mul3A_10 = arith.constant 640 : i32
    %mul3A_11 = arith.muli %arg1, %mul3A_10 : i32
    %add3A_12 = arith.constant 0 : i32
    %add3A_13 = arith.addi %mul3A_11, %add3A_12 : i32
    "tpu.region"() ({
      %run_scoped3A_67 = tpu.sem_alloc : memref<!tpu.dma_semaphore, #tpu.memory_space<semaphore_mem>>
      %dma_start3A_68 = arith.constant 0 : i32
      %dma_start3A_69 = tpu.memref_slice %arg10[%add3A_13, %dma_start3A_68] : memref<10240x136xf32, #tpu.memory_space<vmem_shared>> -> memref<80x136xf32, #tpu.memory_space<vmem_shared>>
      %dma_start3A_70 = arith.constant 0 : i32
      %dma_start3A_71 = tpu.memref_slice %arg10[%add3A_13, %dma_start3A_70] : memref<10240x136xf32, #tpu.memory_space<vmem_shared>> -> memref<80x136xf32, #tpu.memory_space<vmem_shared>>
      tpu.enqueue_dma source(%arg8 : memref<80x136xf32, #tpu.memory_space<vmem>>) target(%dma_start3A_71 : memref<80x136xf32, #tpu.memory_space<vmem_shared>>) target_semaphore(%run_scoped3A_67 : memref<!tpu.dma_semaphore, #tpu.memory_space<semaphore_mem>>)
      %dma_wait3A_72 = arith.constant 0 : i32
      %dma_wait3A_73 = tpu.memref_slice %arg10[%add3A_13, %dma_wait3A_72] : memref<10240x136xf32, #tpu.memory_space<vmem_shared>> -> memref<80x136xf32, #tpu.memory_space<vmem_shared>>
      %dma_wait3A_74 = arith.constant 0 : i32
      %dma_wait3A_75 = tpu.memref_slice %arg10[%add3A_13, %dma_wait3A_74] : memref<10240x136xf32, #tpu.memory_space<vmem_shared>> -> memref<80x136xf32, #tpu.memory_space<vmem_shared>>
      tpu.wait_dma2 semaphore(%run_scoped3A_67 : memref<!tpu.dma_semaphore, #tpu.memory_space<semaphore_mem>>) src(%arg8 : memref<80x136xf32, #tpu.memory_space<vmem>>) dst(%dma_wait3A_75 : memref<80x136xf32, #tpu.memory_space<vmem_shared>>)
      tpu.yield
    }) : () -> ()
    %mul3A_14 = arith.constant 640 : i32
    %mul3A_15 = arith.muli %arg1, %mul3A_14 : i32
    %add3A_16 = arith.constant 80 : i32
    %add3A_17 = arith.addi %mul3A_15, %add3A_16 : i32
    "tpu.region"() ({
      %run_scoped3A_67 = tpu.sem_alloc : memref<!tpu.dma_semaphore, #tpu.memory_space<semaphore_mem>>
      %dma_start3A_68 = arith.constant 0 : i32
      %dma_start3A_69 = tpu.memref_slice %arg10[%add3A_17, %dma_start3A_68] : memref<10240x136xf32, #tpu.memory_space<vmem_shared>> -> memref<80x136xf32, #tpu.memory_space<vmem_shared>>
      %dma_start3A_70 = arith.constant 0 : i32
      %dma_start3A_71 = tpu.memref_slice %arg10[%add3A_17, %dma_start3A_70] : memref<10240x136xf32, #tpu.memory_space<vmem_shared>> -> memref<80x136xf32, #tpu.memory_space<vmem_shared>>
      tpu.enqueue_dma source(%arg8 : memref<80x136xf32, #tpu.memory_space<vmem>>) target(%dma_start3A_71 : memref<80x136xf32, #tpu.memory_space<vmem_shared>>) target_semaphore(%run_scoped3A_67 : memref<!tpu.dma_semaphore, #tpu.memory_space<semaphore_mem>>)
      %dma_wait3A_72 = arith.constant 0 : i32
      %dma_wait3A_73 = tpu.memref_slice %arg10[%add3A_17, %dma_wait3A_72] : memref<10240x136xf32, #tpu.memory_space<vmem_shared>> -> memref<80x136xf32, #tpu.memory_space<vmem_shared>>
      %dma_wait3A_74 = arith.constant 0 : i32
      %dma_wait3A_75 = tpu.memref_slice %arg10[%add3A_17, %dma_wait3A_74] : memref<10240x136xf32, #tpu.memory_space<vmem_shared>> -> memref<80x136xf32, #tpu.memory_space<vmem_shared>>
      tpu.wait_dma2 semaphore(%run_scoped3A_67 : memref<!tpu.dma_semaphore, #tpu.memory_space<semaphore_mem>>) src(%arg8 : memref<80x136xf32, #tpu.memory_space<vmem>>) dst(%dma_wait3A_75 : memref<80x136xf32, #tpu.memory_space<vmem_shared>>)
      tpu.yield
    }) : () -> ()
    %mul3A_18 = arith.constant 640 : i32
    %mul3A_19 = arith.muli %arg1, %mul3A_18 : i32
    %add3A_20 = arith.constant 160 : i32
    %add3A_21 = arith.addi %mul3A_19, %add3A_20 : i32
    "tpu.region"() ({
      %run_scoped3A_67 = tpu.sem_alloc : memref<!tpu.dma_semaphore, #tpu.memory_space<semaphore_mem>>
      %dma_start3A_68 = arith.constant 0 : i32
      %dma_start3A_69 = tpu.memref_slice %arg10[%add3A_21, %dma_start3A_68] : memref<10240x136xf32, #tpu.memory_space<vmem_shared>> -> memref<80x136xf32, #tpu.memory_space<vmem_shared>>
      %dma_start3A_70 = arith.constant 0 : i32
      %dma_start3A_71 = tpu.memref_slice %arg10[%add3A_21, %dma_start3A_70] : memref<10240x136xf32, #tpu.memory_space<vmem_shared>> -> memref<80x136xf32, #tpu.memory_space<vmem_shared>>
      tpu.enqueue_dma source(%arg8 : memref<80x136xf32, #tpu.memory_space<vmem>>) target(%dma_start3A_71 : memref<80x136xf32, #tpu.memory_space<vmem_shared>>) target_semaphore(%run_scoped3A_67 : memref<!tpu.dma_semaphore, #tpu.memory_space<semaphore_mem>>)
      %dma_wait3A_72 = arith.constant 0 : i32
      %dma_wait3A_73 = tpu.memref_slice %arg10[%add3A_21, %dma_wait3A_72] : memref<10240x136xf32, #tpu.memory_space<vmem_shared>> -> memref<80x136xf32, #tpu.memory_space<vmem_shared>>
      %dma_wait3A_74 = arith.constant 0 : i32
      %dma_wait3A_75 = tpu.memref_slice %arg10[%add3A_21, %dma_wait3A_74] : memref<10240x136xf32, #tpu.memory_space<vmem_shared>> -> memref<80x136xf32, #tpu.memory_space<vmem_shared>>
      tpu.wait_dma2 semaphore(%run_scoped3A_67 : memref<!tpu.dma_semaphore, #tpu.memory_space<semaphore_mem>>) src(%arg8 : memref<80x136xf32, #tpu.memory_space<vmem>>) dst(%dma_wait3A_75 : memref<80x136xf32, #tpu.memory_space<vmem_shared>>)
      tpu.yield
    }) : () -> ()
    %mul3A_22 = arith.constant 640 : i32
    %mul3A_23 = arith.muli %arg1, %mul3A_22 : i32
    %add3A_24 = arith.constant 240 : i32
    %add3A_25 = arith.addi %mul3A_23, %add3A_24 : i32
    "tpu.region"() ({
      %run_scoped3A_67 = tpu.sem_alloc : memref<!tpu.dma_semaphore, #tpu.memory_space<semaphore_mem>>
      %dma_start3A_68 = arith.constant 0 : i32
      %dma_start3A_69 = tpu.memref_slice %arg10[%add3A_25, %dma_start3A_68] : memref<10240x136xf32, #tpu.memory_space<vmem_shared>> -> memref<80x136xf32, #tpu.memory_space<vmem_shared>>
      %dma_start3A_70 = arith.constant 0 : i32
      %dma_start3A_71 = tpu.memref_slice %arg10[%add3A_25, %dma_start3A_70] : memref<10240x136xf32, #tpu.memory_space<vmem_shared>> -> memref<80x136xf32, #tpu.memory_space<vmem_shared>>
      tpu.enqueue_dma source(%arg8 : memref<80x136xf32, #tpu.memory_space<vmem>>) target(%dma_start3A_71 : memref<80x136xf32, #tpu.memory_space<vmem_shared>>) target_semaphore(%run_scoped3A_67 : memref<!tpu.dma_semaphore, #tpu.memory_space<semaphore_mem>>)
      %dma_wait3A_72 = arith.constant 0 : i32
      %dma_wait3A_73 = tpu.memref_slice %arg10[%add3A_25, %dma_wait3A_72] : memref<10240x136xf32, #tpu.memory_space<vmem_shared>> -> memref<80x136xf32, #tpu.memory_space<vmem_shared>>
      %dma_wait3A_74 = arith.constant 0 : i32
      %dma_wait3A_75 = tpu.memref_slice %arg10[%add3A_25, %dma_wait3A_74] : memref<10240x136xf32, #tpu.memory_space<vmem_shared>> -> memref<80x136xf32, #tpu.memory_space<vmem_shared>>
      tpu.wait_dma2 semaphore(%run_scoped3A_67 : memref<!tpu.dma_semaphore, #tpu.memory_space<semaphore_mem>>) src(%arg8 : memref<80x136xf32, #tpu.memory_space<vmem>>) dst(%dma_wait3A_75 : memref<80x136xf32, #tpu.memory_space<vmem_shared>>)
      tpu.yield
    }) : () -> ()
    %mul3A_26 = arith.constant 640 : i32
    %mul3A_27 = arith.muli %arg1, %mul3A_26 : i32
    %add3A_28 = arith.constant 320 : i32
    %add3A_29 = arith.addi %mul3A_27, %add3A_28 : i32
    "tpu.region"() ({
      %run_scoped3A_67 = tpu.sem_alloc : memref<!tpu.dma_semaphore, #tpu.memory_space<semaphore_mem>>
      %dma_start3A_68 = arith.constant 0 : i32
      %dma_start3A_69 = tpu.memref_slice %arg10[%add3A_29, %dma_start3A_68] : memref<10240x136xf32, #tpu.memory_space<vmem_shared>> -> memref<80x136xf32, #tpu.memory_space<vmem_shared>>
      %dma_start3A_70 = arith.constant 0 : i32
      %dma_start3A_71 = tpu.memref_slice %arg10[%add3A_29, %dma_start3A_70] : memref<10240x136xf32, #tpu.memory_space<vmem_shared>> -> memref<80x136xf32, #tpu.memory_space<vmem_shared>>
      tpu.enqueue_dma source(%arg8 : memref<80x136xf32, #tpu.memory_space<vmem>>) target(%dma_start3A_71 : memref<80x136xf32, #tpu.memory_space<vmem_shared>>) target_semaphore(%run_scoped3A_67 : memref<!tpu.dma_semaphore, #tpu.memory_space<semaphore_mem>>)
      %dma_wait3A_72 = arith.constant 0 : i32
      %dma_wait3A_73 = tpu.memref_slice %arg10[%add3A_29, %dma_wait3A_72] : memref<10240x136xf32, #tpu.memory_space<vmem_shared>> -> memref<80x136xf32, #tpu.memory_space<vmem_shared>>
      %dma_wait3A_74 = arith.constant 0 : i32
      %dma_wait3A_75 = tpu.memref_slice %arg10[%add3A_29, %dma_wait3A_74] : memref<10240x136xf32, #tpu.memory_space<vmem_shared>> -> memref<80x136xf32, #tpu.memory_space<vmem_shared>>
      tpu.wait_dma2 semaphore(%run_scoped3A_67 : memref<!tpu.dma_semaphore, #tpu.memory_space<semaphore_mem>>) src(%arg8 : memref<80x136xf32, #tpu.memory_space<vmem>>) dst(%dma_wait3A_75 : memref<80x136xf32, #tpu.memory_space<vmem_shared>>)
      tpu.yield
    }) : () -> ()
    %mul3A_30 = arith.constant 640 : i32
    %mul3A_31 = arith.muli %arg1, %mul3A_30 : i32
    %add3A_32 = arith.constant 400 : i32
    %add3A_33 = arith.addi %mul3A_31, %add3A_32 : i32
    "tpu.region"() ({
      %run_scoped3A_67 = tpu.sem_alloc : memref<!tpu.dma_semaphore, #tpu.memory_space<semaphore_mem>>
      %dma_start3A_68 = arith.constant 0 : i32
      %dma_start3A_69 = tpu.memref_slice %arg10[%add3A_33, %dma_start3A_68] : memref<10240x136xf32, #tpu.memory_space<vmem_shared>> -> memref<80x136xf32, #tpu.memory_space<vmem_shared>>
      %dma_start3A_70 = arith.constant 0 : i32
      %dma_start3A_71 = tpu.memref_slice %arg10[%add3A_33, %dma_start3A_70] : memref<10240x136xf32, #tpu.memory_space<vmem_shared>> -> memref<80x136xf32, #tpu.memory_space<vmem_shared>>
      tpu.enqueue_dma source(%arg8 : memref<80x136xf32, #tpu.memory_space<vmem>>) target(%dma_start3A_71 : memref<80x136xf32, #tpu.memory_space<vmem_shared>>) target_semaphore(%run_scoped3A_67 : memref<!tpu.dma_semaphore, #tpu.memory_space<semaphore_mem>>)
      %dma_wait3A_72 = arith.constant 0 : i32
      %dma_wait3A_73 = tpu.memref_slice %arg10[%add3A_33, %dma_wait3A_72] : memref<10240x136xf32, #tpu.memory_space<vmem_shared>> -> memref<80x136xf32, #tpu.memory_space<vmem_shared>>
      %dma_wait3A_74 = arith.constant 0 : i32
      %dma_wait3A_75 = tpu.memref_slice %arg10[%add3A_33, %dma_wait3A_74] : memref<10240x136xf32, #tpu.memory_space<vmem_shared>> -> memref<80x136xf32, #tpu.memory_space<vmem_shared>>
      tpu.wait_dma2 semaphore(%run_scoped3A_67 : memref<!tpu.dma_semaphore, #tpu.memory_space<semaphore_mem>>) src(%arg8 : memref<80x136xf32, #tpu.memory_space<vmem>>) dst(%dma_wait3A_75 : memref<80x136xf32, #tpu.memory_space<vmem_shared>>)
      tpu.yield
    }) : () -> ()
    %mul3A_34 = arith.constant 640 : i32
    %mul3A_35 = arith.muli %arg1, %mul3A_34 : i32
    %add3A_36 = arith.constant 480 : i32
    %add3A_37 = arith.addi %mul3A_35, %add3A_36 : i32
    "tpu.region"() ({
      %run_scoped3A_67 = tpu.sem_alloc : memref<!tpu.dma_semaphore, #tpu.memory_space<semaphore_mem>>
      %dma_start3A_68 = arith.constant 0 : i32
      %dma_start3A_69 = tpu.memref_slice %arg10[%add3A_37, %dma_start3A_68] : memref<10240x136xf32, #tpu.memory_space<vmem_shared>> -> memref<80x136xf32, #tpu.memory_space<vmem_shared>>
      %dma_start3A_70 = arith.constant 0 : i32
      %dma_start3A_71 = tpu.memref_slice %arg10[%add3A_37, %dma_start3A_70] : memref<10240x136xf32, #tpu.memory_space<vmem_shared>> -> memref<80x136xf32, #tpu.memory_space<vmem_shared>>
      tpu.enqueue_dma source(%arg8 : memref<80x136xf32, #tpu.memory_space<vmem>>) target(%dma_start3A_71 : memref<80x136xf32, #tpu.memory_space<vmem_shared>>) target_semaphore(%run_scoped3A_67 : memref<!tpu.dma_semaphore, #tpu.memory_space<semaphore_mem>>)
      %dma_wait3A_72 = arith.constant 0 : i32
      %dma_wait3A_73 = tpu.memref_slice %arg10[%add3A_37, %dma_wait3A_72] : memref<10240x136xf32, #tpu.memory_space<vmem_shared>> -> memref<80x136xf32, #tpu.memory_space<vmem_shared>>
      %dma_wait3A_74 = arith.constant 0 : i32
      %dma_wait3A_75 = tpu.memref_slice %arg10[%add3A_37, %dma_wait3A_74] : memref<10240x136xf32, #tpu.memory_space<vmem_shared>> -> memref<80x136xf32, #tpu.memory_space<vmem_shared>>
      tpu.wait_dma2 semaphore(%run_scoped3A_67 : memref<!tpu.dma_semaphore, #tpu.memory_space<semaphore_mem>>) src(%arg8 : memref<80x136xf32, #tpu.memory_space<vmem>>) dst(%dma_wait3A_75 : memref<80x136xf32, #tpu.memory_space<vmem_shared>>)
      tpu.yield
    }) : () -> ()
    %mul3A_38 = arith.constant 640 : i32
    %mul3A_39 = arith.muli %arg1, %mul3A_38 : i32
    %add3A_40 = arith.constant 560 : i32
    %add3A_41 = arith.addi %mul3A_39, %add3A_40 : i32
    "tpu.region"() ({
      %run_scoped3A_67 = tpu.sem_alloc : memref<!tpu.dma_semaphore, #tpu.memory_space<semaphore_mem>>
      %dma_start3A_68 = arith.constant 0 : i32
      %dma_start3A_69 = tpu.memref_slice %arg10[%add3A_41, %dma_start3A_68] : memref<10240x136xf32, #tpu.memory_space<vmem_shared>> -> memref<80x136xf32, #tpu.memory_space<vmem_shared>>
      %dma_start3A_70 = arith.constant 0 : i32
      %dma_start3A_71 = tpu.memref_slice %arg10[%add3A_41, %dma_start3A_70] : memref<10240x136xf32, #tpu.memory_space<vmem_shared>> -> memref<80x136xf32, #tpu.memory_space<vmem_shared>>
      tpu.enqueue_dma source(%arg8 : memref<80x136xf32, #tpu.memory_space<vmem>>) target(%dma_start3A_71 : memref<80x136xf32, #tpu.memory_space<vmem_shared>>) target_semaphore(%run_scoped3A_67 : memref<!tpu.dma_semaphore, #tpu.memory_space<semaphore_mem>>)
      %dma_wait3A_72 = arith.constant 0 : i32
      %dma_wait3A_73 = tpu.memref_slice %arg10[%add3A_41, %dma_wait3A_72] : memref<10240x136xf32, #tpu.memory_space<vmem_shared>> -> memref<80x136xf32, #tpu.memory_space<vmem_shared>>
      %dma_wait3A_74 = arith.constant 0 : i32
      %dma_wait3A_75 = tpu.memref_slice %arg10[%add3A_41, %dma_wait3A_74] : memref<10240x136xf32, #tpu.memory_space<vmem_shared>> -> memref<80x136xf32, #tpu.memory_space<vmem_shared>>
      tpu.wait_dma2 semaphore(%run_scoped3A_67 : memref<!tpu.dma_semaphore, #tpu.memory_space<semaphore_mem>>) src(%arg8 : memref<80x136xf32, #tpu.memory_space<vmem>>) dst(%dma_wait3A_75 : memref<80x136xf32, #tpu.memory_space<vmem_shared>>)
      tpu.yield
    }) : () -> ()
    %barrier3A = arith.constant 0 : index
    tpu.barrier barrier_id(%barrier3A)
    %dma_start3A = arith.constant 0 : i32
    %dma_start3A_42 = arith.constant 0 : i32
    %dma_start3A_43 = tpu.memref_slice %arg6[%dma_start3A, %dma_start3A_42] : memref<125x80xi32, #tpu.memory_space<vmem>> -> memref<1x80xi32, #tpu.memory_space<vmem>>
    %dma_start3A_44 = tpu.memref_squeeze %dma_start3A_43 : memref<1x80xi32, #tpu.memory_space<vmem>> -> memref<80xi32, #tpu.memory_space<vmem>>
    %dma_start3A_45 = arith.constant 0 : i32
    %dma_start3A_46 = arith.constant 0 : i32
    %dma_start3A_47 = tpu.memref_slice %arg2[%dma_start3A_45, %dma_start3A_46] : memref<10000x136xf32, #tpu.memory_space<hbm>> -> memref<10000x136xf32, #tpu.memory_space<hbm>>
    tpu.enqueue_indirect_dma source(%dma_start3A_47 : memref<10000x136xf32, #tpu.memory_space<hbm>>) target(%arg8 : memref<80x136xf32, #tpu.memory_space<vmem>>) offsets(%dma_start3A_44 : memref<80xi32, #tpu.memory_space<vmem>>) semaphore(%arg11 : memref<!tpu.dma_semaphore, #tpu.memory_space<semaphore_mem>>)
    %scan3A_48 = arith.constant 0 : i32
    %scan3A_49 = arith.constant 62 : i32
    %scan3A_50 = arith.addi %scan3A_48, %scan3A_49 : i32
    %scan3A_51 = arith.constant 1 : i32
    scf.for %scan3A_67 = %scan3A_48 to %scan3A_50 step %scan3A_51  : i32 {
      %mul3A_68 = arith.constant 2 : i32
      %mul3A_69 = arith.muli %mul3A_68, %scan3A_67 : i32
      %add3A_70 = arith.constant 1 : i32
      %add3A_71 = arith.addi %mul3A_69, %add3A_70 : i32
      %dma_start3A_72 = arith.constant 0 : i32
      %dma_start3A_73 = tpu.memref_slice %arg6[%add3A_71, %dma_start3A_72] : memref<125x80xi32, #tpu.memory_space<vmem>> -> memref<1x80xi32, #tpu.memory_space<vmem>>
      %dma_start3A_74 = tpu.memref_squeeze %dma_start3A_73 : memref<1x80xi32, #tpu.memory_space<vmem>> -> memref<80xi32, #tpu.memory_space<vmem>>
      %dma_start3A_75 = arith.constant 0 : i32
      %dma_start3A_76 = arith.constant 0 : i32
      %dma_start3A_77 = tpu.memref_slice %arg2[%dma_start3A_75, %dma_start3A_76] : memref<10000x136xf32, #tpu.memory_space<hbm>> -> memref<10000x136xf32, #tpu.memory_space<hbm>>
      tpu.enqueue_indirect_dma source(%dma_start3A_77 : memref<10000x136xf32, #tpu.memory_space<hbm>>) target(%arg9 : memref<80x136xf32, #tpu.memory_space<vmem>>) offsets(%dma_start3A_74 : memref<80xi32, #tpu.memory_space<vmem>>) semaphore(%arg12 : memref<!tpu.dma_semaphore, #tpu.memory_space<semaphore_mem>>)
      %dma_wait3A_78 = arith.constant 0 : i32
      %dma_wait3A_79 = tpu.memref_slice %arg6[%mul3A_69, %dma_wait3A_78] : memref<125x80xi32, #tpu.memory_space<vmem>> -> memref<1x80xi32, #tpu.memory_space<vmem>>
      %dma_wait3A_80 = tpu.memref_squeeze %dma_wait3A_79 : memref<1x80xi32, #tpu.memory_space<vmem>> -> memref<80xi32, #tpu.memory_space<vmem>>
      %dma_wait3A_81 = arith.constant 0 : i32
      %dma_wait3A_82 = arith.constant 0 : i32
      %dma_wait3A_83 = tpu.memref_slice %arg2[%dma_wait3A_81, %dma_wait3A_82] : memref<10000x136xf32, #tpu.memory_space<hbm>> -> memref<10000x136xf32, #tpu.memory_space<hbm>>
      tpu.wait_indirect_dma semaphore(%arg11 : memref<!tpu.dma_semaphore, #tpu.memory_space<semaphore_mem>>) src(%dma_wait3A_83 : memref<10000x136xf32, #tpu.memory_space<hbm>>) dst(%arg8 : memref<80x136xf32, #tpu.memory_space<vmem>>)
      "tpu.region"() ({
        %run_scoped3A_102 = tpu.sem_alloc : memref<!tpu.dma_semaphore, #tpu.memory_space<semaphore_mem>>
        %dma_start3A_103 = arith.constant 0 : i32
        %dma_start3A_104 = tpu.memref_slice %arg7[%mul3A_69, %dma_start3A_103] : memref<125x80xi32, #tpu.memory_space<vmem>> -> memref<1x80xi32, #tpu.memory_space<vmem>>
        %dma_start3A_105 = tpu.memref_squeeze %dma_start3A_104 : memref<1x80xi32, #tpu.memory_space<vmem>> -> memref<80xi32, #tpu.memory_space<vmem>>
        %dma_start3A_106 = arith.constant 0 : i32
        %dma_start3A_107 = arith.constant 0 : i32
        %dma_start3A_108 = tpu.memref_slice %arg10[%dma_start3A_106, %dma_start3A_107] : memref<10240x136xf32, #tpu.memory_space<vmem_shared>> -> memref<10240x136xf32, #tpu.memory_space<vmem_shared>>
        tpu.enqueue_indirect_dma source(%arg8 : memref<80x136xf32, #tpu.memory_space<vmem>>) target(%dma_start3A_108 : memref<10240x136xf32, #tpu.memory_space<vmem_shared>>) offsets(%dma_start3A_105 : memref<80xi32, #tpu.memory_space<vmem>>) semaphore(%run_scoped3A_102 : memref<!tpu.dma_semaphore, #tpu.memory_space<semaphore_mem>>) {add = true}
        %dma_wait3A_109 = arith.constant 0 : i32
        %dma_wait3A_110 = tpu.memref_slice %arg7[%mul3A_69, %dma_wait3A_109] : memref<125x80xi32, #tpu.memory_space<vmem>> -> memref<1x80xi32, #tpu.memory_space<vmem>>
        %dma_wait3A_111 = tpu.memref_squeeze %dma_wait3A_110 : memref<1x80xi32, #tpu.memory_space<vmem>> -> memref<80xi32, #tpu.memory_space<vmem>>
        %dma_wait3A_112 = arith.constant 0 : i32
        %dma_wait3A_113 = arith.constant 0 : i32
        %dma_wait3A_114 = tpu.memref_slice %arg10[%dma_wait3A_112, %dma_wait3A_113] : memref<10240x136xf32, #tpu.memory_space<vmem_shared>> -> memref<10240x136xf32, #tpu.memory_space<vmem_shared>>
        tpu.wait_indirect_dma semaphore(%run_scoped3A_102 : memref<!tpu.dma_semaphore, #tpu.memory_space<semaphore_mem>>) src(%arg8 : memref<80x136xf32, #tpu.memory_space<vmem>>) dst(%dma_wait3A_114 : memref<10240x136xf32, #tpu.memory_space<vmem_shared>>)
        tpu.yield
      }) : () -> ()
      %add3A_84 = arith.constant 2 : i32
      %add3A_85 = arith.addi %mul3A_69, %add3A_84 : i32
      %dma_start3A_86 = arith.constant 0 : i32
      %dma_start3A_87 = tpu.memref_slice %arg6[%add3A_85, %dma_start3A_86] : memref<125x80xi32, #tpu.memory_space<vmem>> -> memref<1x80xi32, #tpu.memory_space<vmem>>
      %dma_start3A_88 = tpu.memref_squeeze %dma_start3A_87 : memref<1x80xi32, #tpu.memory_space<vmem>> -> memref<80xi32, #tpu.memory_space<vmem>>
      %dma_start3A_89 = arith.constant 0 : i32
      %dma_start3A_90 = arith.constant 0 : i32
      %dma_start3A_91 = tpu.memref_slice %arg2[%dma_start3A_89, %dma_start3A_90] : memref<10000x136xf32, #tpu.memory_space<hbm>> -> memref<10000x136xf32, #tpu.memory_space<hbm>>
      tpu.enqueue_indirect_dma source(%dma_start3A_91 : memref<10000x136xf32, #tpu.memory_space<hbm>>) target(%arg8 : memref<80x136xf32, #tpu.memory_space<vmem>>) offsets(%dma_start3A_88 : memref<80xi32, #tpu.memory_space<vmem>>) semaphore(%arg11 : memref<!tpu.dma_semaphore, #tpu.memory_space<semaphore_mem>>)
      %add3A_92 = arith.constant 1 : i32
      %add3A_93 = arith.addi %mul3A_69, %add3A_92 : i32
      %dma_wait3A_94 = arith.constant 0 : i32
      %dma_wait3A_95 = tpu.memref_slice %arg6[%add3A_93, %dma_wait3A_94] : memref<125x80xi32, #tpu.memory_space<vmem>> -> memref<1x80xi32, #tpu.memory_space<vmem>>
      %dma_wait3A_96 = tpu.memref_squeeze %dma_wait3A_95 : memref<1x80xi32, #tpu.memory_space<vmem>> -> memref<80xi32, #tpu.memory_space<vmem>>
      %dma_wait3A_97 = arith.constant 0 : i32
      %dma_wait3A_98 = arith.constant 0 : i32
      %dma_wait3A_99 = tpu.memref_slice %arg2[%dma_wait3A_97, %dma_wait3A_98] : memref<10000x136xf32, #tpu.memory_space<hbm>> -> memref<10000x136xf32, #tpu.memory_space<hbm>>
      tpu.wait_indirect_dma semaphore(%arg12 : memref<!tpu.dma_semaphore, #tpu.memory_space<semaphore_mem>>) src(%dma_wait3A_99 : memref<10000x136xf32, #tpu.memory_space<hbm>>) dst(%arg9 : memref<80x136xf32, #tpu.memory_space<vmem>>)
      %add3A_100 = arith.constant 1 : i32
      %add3A_101 = arith.addi %mul3A_69, %add3A_100 : i32
      "tpu.region"() ({
        %run_scoped3A_102 = tpu.sem_alloc : memref<!tpu.dma_semaphore, #tpu.memory_space<semaphore_mem>>
        %dma_start3A_103 = arith.constant 0 : i32
        %dma_start3A_104 = tpu.memref_slice %arg7[%add3A_101, %dma_start3A_103] : memref<125x80xi32, #tpu.memory_space<vmem>> -> memref<1x80xi32, #tpu.memory_space<vmem>>
        %dma_start3A_105 = tpu.memref_squeeze %dma_start3A_104 : memref<1x80xi32, #tpu.memory_space<vmem>> -> memref<80xi32, #tpu.memory_space<vmem>>
        %dma_start3A_106 = arith.constant 0 : i32
        %dma_start3A_107 = arith.constant 0 : i32
        %dma_start3A_108 = tpu.memref_slice %arg10[%dma_start3A_106, %dma_start3A_107] : memref<10240x136xf32, #tpu.memory_space<vmem_shared>> -> memref<10240x136xf32, #tpu.memory_space<vmem_shared>>
        tpu.enqueue_indirect_dma source(%arg9 : memref<80x136xf32, #tpu.memory_space<vmem>>) target(%dma_start3A_108 : memref<10240x136xf32, #tpu.memory_space<vmem_shared>>) offsets(%dma_start3A_105 : memref<80xi32, #tpu.memory_space<vmem>>) semaphore(%run_scoped3A_102 : memref<!tpu.dma_semaphore, #tpu.memory_space<semaphore_mem>>) {add = true}
        %dma_wait3A_109 = arith.constant 0 : i32
        %dma_wait3A_110 = tpu.memref_slice %arg7[%add3A_101, %dma_wait3A_109] : memref<125x80xi32, #tpu.memory_space<vmem>> -> memref<1x80xi32, #tpu.memory_space<vmem>>
        %dma_wait3A_111 = tpu.memref_squeeze %dma_wait3A_110 : memref<1x80xi32, #tpu.memory_space<vmem>> -> memref<80xi32, #tpu.memory_space<vmem>>
        %dma_wait3A_112 = arith.constant 0 : i32
        %dma_wait3A_113 = arith.constant 0 : i32
        %dma_wait3A_114 = tpu.memref_slice %arg10[%dma_wait3A_112, %dma_wait3A_113] : memref<10240x136xf32, #tpu.memory_space<vmem_shared>> -> memref<10240x136xf32, #tpu.memory_space<vmem_shared>>
        tpu.wait_indirect_dma semaphore(%run_scoped3A_102 : memref<!tpu.dma_semaphore, #tpu.memory_space<semaphore_mem>>) src(%arg9 : memref<80x136xf32, #tpu.memory_space<vmem>>) dst(%dma_wait3A_114 : memref<10240x136xf32, #tpu.memory_space<vmem_shared>>)
        tpu.yield
      }) : () -> ()
    }
    %scan3A_52 = arith.constant 62 : i32
    %dma_wait3A = arith.constant 124 : i32
    %dma_wait3A_53 = arith.constant 0 : i32
    %dma_wait3A_54 = tpu.memref_slice %arg6[%dma_wait3A, %dma_wait3A_53] : memref<125x80xi32, #tpu.memory_space<vmem>> -> memref<1x80xi32, #tpu.memory_space<vmem>>
    %dma_wait3A_55 = tpu.memref_squeeze %dma_wait3A_54 : memref<1x80xi32, #tpu.memory_space<vmem>> -> memref<80xi32, #tpu.memory_space<vmem>>
    %dma_wait3A_56 = arith.constant 0 : i32
    %dma_wait3A_57 = arith.constant 0 : i32
    %dma_wait3A_58 = tpu.memref_slice %arg2[%dma_wait3A_56, %dma_wait3A_57] : memref<10000x136xf32, #tpu.memory_space<hbm>> -> memref<10000x136xf32, #tpu.memory_space<hbm>>
    tpu.wait_indirect_dma semaphore(%arg11 : memref<!tpu.dma_semaphore, #tpu.memory_space<semaphore_mem>>) src(%dma_wait3A_58 : memref<10000x136xf32, #tpu.memory_space<hbm>>) dst(%arg8 : memref<80x136xf32, #tpu.memory_space<vmem>>)
    %run_scoped3A = arith.constant 124 : i32
    "tpu.region"() ({
      %run_scoped3A_67 = tpu.sem_alloc : memref<!tpu.dma_semaphore, #tpu.memory_space<semaphore_mem>>
      %dma_start3A_68 = arith.constant 0 : i32
      %dma_start3A_69 = tpu.memref_slice %arg7[%run_scoped3A, %dma_start3A_68] : memref<125x80xi32, #tpu.memory_space<vmem>> -> memref<1x80xi32, #tpu.memory_space<vmem>>
      %dma_start3A_70 = tpu.memref_squeeze %dma_start3A_69 : memref<1x80xi32, #tpu.memory_space<vmem>> -> memref<80xi32, #tpu.memory_space<vmem>>
      %dma_start3A_71 = arith.constant 0 : i32
      %dma_start3A_72 = arith.constant 0 : i32
      %dma_start3A_73 = tpu.memref_slice %arg10[%dma_start3A_71, %dma_start3A_72] : memref<10240x136xf32, #tpu.memory_space<vmem_shared>> -> memref<10240x136xf32, #tpu.memory_space<vmem_shared>>
      tpu.enqueue_indirect_dma source(%arg8 : memref<80x136xf32, #tpu.memory_space<vmem>>) target(%dma_start3A_73 : memref<10240x136xf32, #tpu.memory_space<vmem_shared>>) offsets(%dma_start3A_70 : memref<80xi32, #tpu.memory_space<vmem>>) semaphore(%run_scoped3A_67 : memref<!tpu.dma_semaphore, #tpu.memory_space<semaphore_mem>>) {add = true}
      %dma_wait3A_74 = arith.constant 0 : i32
      %dma_wait3A_75 = tpu.memref_slice %arg7[%run_scoped3A, %dma_wait3A_74] : memref<125x80xi32, #tpu.memory_space<vmem>> -> memref<1x80xi32, #tpu.memory_space<vmem>>
      %dma_wait3A_76 = tpu.memref_squeeze %dma_wait3A_75 : memref<1x80xi32, #tpu.memory_space<vmem>> -> memref<80xi32, #tpu.memory_space<vmem>>
      %dma_wait3A_77 = arith.constant 0 : i32
      %dma_wait3A_78 = arith.constant 0 : i32
      %dma_wait3A_79 = tpu.memref_slice %arg10[%dma_wait3A_77, %dma_wait3A_78] : memref<10240x136xf32, #tpu.memory_space<vmem_shared>> -> memref<10240x136xf32, #tpu.memory_space<vmem_shared>>
      tpu.wait_indirect_dma semaphore(%run_scoped3A_67 : memref<!tpu.dma_semaphore, #tpu.memory_space<semaphore_mem>>) src(%arg8 : memref<80x136xf32, #tpu.memory_space<vmem>>) dst(%dma_wait3A_79 : memref<10240x136xf32, #tpu.memory_space<vmem_shared>>)
      tpu.yield
    }) : () -> ()
    %barrier3A_59 = arith.constant 0 : index
    tpu.barrier barrier_id(%barrier3A_59)
    %mul3A_60 = arith.constant 640 : i32
    %mul3A_61 = arith.muli %arg1, %mul3A_60 : i32
    %mul3A_62 = arith.constant 10240 : i32
    %mul3A_63 = arith.muli %arg0, %mul3A_62 : i32
    %mul3A_64 = arith.constant 640 : i32
    %mul3A_65 = arith.muli %arg1, %mul3A_64 : i32
    %add3A_66 = arith.addi %mul3A_63, %mul3A_65 : i32
    "tpu.region"() ({
      %run_scoped3A_67 = tpu.sem_alloc : memref<!tpu.dma_semaphore, #tpu.memory_space<semaphore_mem>>
      %dma_start3A_68 = arith.constant 0 : i32
      %dma_start3A_69 = tpu.memref_slice %arg5[%add3A_66, %dma_start3A_68] : memref<20480x136xf32, #tpu.memory_space<hbm>> -> memref<640x136xf32, #tpu.memory_space<hbm>>
      %dma_start3A_70 = arith.constant 0 : i32
      %dma_start3A_71 = tpu.memref_slice %arg10[%mul3A_61, %dma_start3A_70] : memref<10240x136xf32, #tpu.memory_space<vmem_shared>> -> memref<640x136xf32, #tpu.memory_space<vmem_shared>>
      tpu.enqueue_dma source(%dma_start3A_71 : memref<640x136xf32, #tpu.memory_space<vmem_shared>>) target(%dma_start3A_69 : memref<640x136xf32, #tpu.memory_space<hbm>>) target_semaphore(%run_scoped3A_67 : memref<!tpu.dma_semaphore, #tpu.memory_space<semaphore_mem>>)
      %dma_wait3A_72 = arith.constant 0 : i32
      %dma_wait3A_73 = tpu.memref_slice %arg5[%add3A_66, %dma_wait3A_72] : memref<20480x136xf32, #tpu.memory_space<hbm>> -> memref<640x136xf32, #tpu.memory_space<hbm>>
      %dma_wait3A_74 = arith.constant 0 : i32
      %dma_wait3A_75 = tpu.memref_slice %arg10[%mul3A_61, %dma_wait3A_74] : memref<10240x136xf32, #tpu.memory_space<vmem_shared>> -> memref<640x136xf32, #tpu.memory_space<vmem_shared>>
      tpu.wait_dma2 semaphore(%run_scoped3A_67 : memref<!tpu.dma_semaphore, #tpu.memory_space<semaphore_mem>>) src(%dma_wait3A_75 : memref<640x136xf32, #tpu.memory_space<vmem_shared>>) dst(%dma_wait3A_73 : memref<640x136xf32, #tpu.memory_space<hbm>>)
      tpu.yield
    }) : () -> ()
    return
  }
}

module attributes {stable_mosaic.version = 14 : i64} {
  func.func @_h0_body(%arg0: i32, %arg1: memref<1000x128xf32, #tpu.memory_space<vmem>>, %arg2: memref<1x1x1000xi32, #tpu.memory_space<vmem>>, %arg3: memref<16x8xf32, #tpu.memory_space<vmem>>, %arg4: memref<1000x136xf32, #tpu.memory_space<vmem>>) attributes {dimension_semantics = [#tpu.dimension_semantics<arbitrary>], iteration_bounds = array<i64: 10>, scalar_prefetch = 0 : i64, scratch_operands = 0 : i64, tpu.core_type = #tpu.core_type<tc>, window_params = [{transform_indices = @transform_0, window_bounds = array<i64: 1000, 128>}, {transform_indices = @transform_1, window_bounds = array<i64: 1, 1, 1000>}, {pipeline_mode = #tpu.pipeline_mode<synchronous>, transform_indices = @transform_2, window_bounds = array<i64: 16, 8>}, {transform_indices = @transform_3, window_bounds = array<i64: 1000, 136>}]} {
    %get3A = arith.constant 0 : index
    %get3A_0 = arith.constant 0 : index
    %get3A_1 = arith.constant 0 : index
    %get3A_2 = vector.load %arg2[%get3A, %get3A_0, %get3A_1] : memref<1x1x1000xi32, #tpu.memory_space<vmem>>, vector<1x1x1000xi32>
    %get3A_3 = vector.shape_cast %get3A_2 : vector<1x1x1000xi32> to vector<1000xi32>
    %broadcast_in_dim3A = arith.constant 0.000000e+00 : f32
    %broadcast_in_dim3A_4 = vector.broadcast %broadcast_in_dim3A : f32 to vector<1000x8xf32>
    %eq3A = arith.constant 0 : i32
    %eq3A_5 = vector.broadcast %eq3A : i32 to vector<1000xi32>
    %eq3A_6 = arith.cmpi eq, %get3A_3, %eq3A_5 : vector<1000xi32>
    %convert_element_type3A = arith.extui %eq3A_6 : vector<1000xi1> to vector<1000xi32>
    %convert_element_type3A_7 = arith.sitofp %convert_element_type3A : vector<1000xi32> to vector<1000xf32>
    %broadcast_in_dim3A_8 = vector.shape_cast %convert_element_type3A_7 : vector<1000xf32> to vector<1000x1xf32>
    %get3A_9 = arith.constant 0 : index
    %get3A_10 = arith.constant 0 : index
    %get3A_11 = vector.load %arg3[%get3A_9, %get3A_10] : memref<16x8xf32, #tpu.memory_space<vmem>>, vector<1x8xf32>
    %mul3A = vector.broadcast %broadcast_in_dim3A_8 : vector<1000x1xf32> to vector<1000x8xf32>
    %mul3A_12 = vector.broadcast %get3A_11 : vector<1x8xf32> to vector<1000x8xf32>
    %mul3A_13 = arith.mulf %mul3A, %mul3A_12 : vector<1000x8xf32>
    %add3A = arith.addf %broadcast_in_dim3A_4, %mul3A_13 : vector<1000x8xf32>
    %eq3A_14 = arith.constant 1 : i32
    %eq3A_15 = vector.broadcast %eq3A_14 : i32 to vector<1000xi32>
    %eq3A_16 = arith.cmpi eq, %get3A_3, %eq3A_15 : vector<1000xi32>
    %convert_element_type3A_17 = arith.extui %eq3A_16 : vector<1000xi1> to vector<1000xi32>
    %convert_element_type3A_18 = arith.sitofp %convert_element_type3A_17 : vector<1000xi32> to vector<1000xf32>
    %broadcast_in_dim3A_19 = vector.shape_cast %convert_element_type3A_18 : vector<1000xf32> to vector<1000x1xf32>
    %get3A_20 = arith.constant 1 : index
    %get3A_21 = arith.constant 0 : index
    %get3A_22 = vector.load %arg3[%get3A_20, %get3A_21] : memref<16x8xf32, #tpu.memory_space<vmem>>, vector<1x8xf32>
    %mul3A_23 = vector.broadcast %broadcast_in_dim3A_19 : vector<1000x1xf32> to vector<1000x8xf32>
    %mul3A_24 = vector.broadcast %get3A_22 : vector<1x8xf32> to vector<1000x8xf32>
    %mul3A_25 = arith.mulf %mul3A_23, %mul3A_24 : vector<1000x8xf32>
    %add3A_26 = arith.addf %add3A, %mul3A_25 : vector<1000x8xf32>
    %eq3A_27 = arith.constant 2 : i32
    %eq3A_28 = vector.broadcast %eq3A_27 : i32 to vector<1000xi32>
    %eq3A_29 = arith.cmpi eq, %get3A_3, %eq3A_28 : vector<1000xi32>
    %convert_element_type3A_30 = arith.extui %eq3A_29 : vector<1000xi1> to vector<1000xi32>
    %convert_element_type3A_31 = arith.sitofp %convert_element_type3A_30 : vector<1000xi32> to vector<1000xf32>
    %broadcast_in_dim3A_32 = vector.shape_cast %convert_element_type3A_31 : vector<1000xf32> to vector<1000x1xf32>
    %get3A_33 = arith.constant 2 : index
    %get3A_34 = arith.constant 0 : index
    %get3A_35 = vector.load %arg3[%get3A_33, %get3A_34] : memref<16x8xf32, #tpu.memory_space<vmem>>, vector<1x8xf32>
    %mul3A_36 = vector.broadcast %broadcast_in_dim3A_32 : vector<1000x1xf32> to vector<1000x8xf32>
    %mul3A_37 = vector.broadcast %get3A_35 : vector<1x8xf32> to vector<1000x8xf32>
    %mul3A_38 = arith.mulf %mul3A_36, %mul3A_37 : vector<1000x8xf32>
    %add3A_39 = arith.addf %add3A_26, %mul3A_38 : vector<1000x8xf32>
    %eq3A_40 = arith.constant 3 : i32
    %eq3A_41 = vector.broadcast %eq3A_40 : i32 to vector<1000xi32>
    %eq3A_42 = arith.cmpi eq, %get3A_3, %eq3A_41 : vector<1000xi32>
    %convert_element_type3A_43 = arith.extui %eq3A_42 : vector<1000xi1> to vector<1000xi32>
    %convert_element_type3A_44 = arith.sitofp %convert_element_type3A_43 : vector<1000xi32> to vector<1000xf32>
    %broadcast_in_dim3A_45 = vector.shape_cast %convert_element_type3A_44 : vector<1000xf32> to vector<1000x1xf32>
    %get3A_46 = arith.constant 3 : index
    %get3A_47 = arith.constant 0 : index
    %get3A_48 = vector.load %arg3[%get3A_46, %get3A_47] : memref<16x8xf32, #tpu.memory_space<vmem>>, vector<1x8xf32>
    %mul3A_49 = vector.broadcast %broadcast_in_dim3A_45 : vector<1000x1xf32> to vector<1000x8xf32>
    %mul3A_50 = vector.broadcast %get3A_48 : vector<1x8xf32> to vector<1000x8xf32>
    %mul3A_51 = arith.mulf %mul3A_49, %mul3A_50 : vector<1000x8xf32>
    %add3A_52 = arith.addf %add3A_39, %mul3A_51 : vector<1000x8xf32>
    %eq3A_53 = arith.constant 4 : i32
    %eq3A_54 = vector.broadcast %eq3A_53 : i32 to vector<1000xi32>
    %eq3A_55 = arith.cmpi eq, %get3A_3, %eq3A_54 : vector<1000xi32>
    %convert_element_type3A_56 = arith.extui %eq3A_55 : vector<1000xi1> to vector<1000xi32>
    %convert_element_type3A_57 = arith.sitofp %convert_element_type3A_56 : vector<1000xi32> to vector<1000xf32>
    %broadcast_in_dim3A_58 = vector.shape_cast %convert_element_type3A_57 : vector<1000xf32> to vector<1000x1xf32>
    %get3A_59 = arith.constant 4 : index
    %get3A_60 = arith.constant 0 : index
    %get3A_61 = vector.load %arg3[%get3A_59, %get3A_60] : memref<16x8xf32, #tpu.memory_space<vmem>>, vector<1x8xf32>
    %mul3A_62 = vector.broadcast %broadcast_in_dim3A_58 : vector<1000x1xf32> to vector<1000x8xf32>
    %mul3A_63 = vector.broadcast %get3A_61 : vector<1x8xf32> to vector<1000x8xf32>
    %mul3A_64 = arith.mulf %mul3A_62, %mul3A_63 : vector<1000x8xf32>
    %add3A_65 = arith.addf %add3A_52, %mul3A_64 : vector<1000x8xf32>
    %eq3A_66 = arith.constant 5 : i32
    %eq3A_67 = vector.broadcast %eq3A_66 : i32 to vector<1000xi32>
    %eq3A_68 = arith.cmpi eq, %get3A_3, %eq3A_67 : vector<1000xi32>
    %convert_element_type3A_69 = arith.extui %eq3A_68 : vector<1000xi1> to vector<1000xi32>
    %convert_element_type3A_70 = arith.sitofp %convert_element_type3A_69 : vector<1000xi32> to vector<1000xf32>
    %broadcast_in_dim3A_71 = vector.shape_cast %convert_element_type3A_70 : vector<1000xf32> to vector<1000x1xf32>
    %get3A_72 = arith.constant 5 : index
    %get3A_73 = arith.constant 0 : index
    %get3A_74 = vector.load %arg3[%get3A_72, %get3A_73] : memref<16x8xf32, #tpu.memory_space<vmem>>, vector<1x8xf32>
    %mul3A_75 = vector.broadcast %broadcast_in_dim3A_71 : vector<1000x1xf32> to vector<1000x8xf32>
    %mul3A_76 = vector.broadcast %get3A_74 : vector<1x8xf32> to vector<1000x8xf32>
    %mul3A_77 = arith.mulf %mul3A_75, %mul3A_76 : vector<1000x8xf32>
    %add3A_78 = arith.addf %add3A_65, %mul3A_77 : vector<1000x8xf32>
    %eq3A_79 = arith.constant 6 : i32
    %eq3A_80 = vector.broadcast %eq3A_79 : i32 to vector<1000xi32>
    %eq3A_81 = arith.cmpi eq, %get3A_3, %eq3A_80 : vector<1000xi32>
    %convert_element_type3A_82 = arith.extui %eq3A_81 : vector<1000xi1> to vector<1000xi32>
    %convert_element_type3A_83 = arith.sitofp %convert_element_type3A_82 : vector<1000xi32> to vector<1000xf32>
    %broadcast_in_dim3A_84 = vector.shape_cast %convert_element_type3A_83 : vector<1000xf32> to vector<1000x1xf32>
    %get3A_85 = arith.constant 6 : index
    %get3A_86 = arith.constant 0 : index
    %get3A_87 = vector.load %arg3[%get3A_85, %get3A_86] : memref<16x8xf32, #tpu.memory_space<vmem>>, vector<1x8xf32>
    %mul3A_88 = vector.broadcast %broadcast_in_dim3A_84 : vector<1000x1xf32> to vector<1000x8xf32>
    %mul3A_89 = vector.broadcast %get3A_87 : vector<1x8xf32> to vector<1000x8xf32>
    %mul3A_90 = arith.mulf %mul3A_88, %mul3A_89 : vector<1000x8xf32>
    %add3A_91 = arith.addf %add3A_78, %mul3A_90 : vector<1000x8xf32>
    %eq3A_92 = arith.constant 7 : i32
    %eq3A_93 = vector.broadcast %eq3A_92 : i32 to vector<1000xi32>
    %eq3A_94 = arith.cmpi eq, %get3A_3, %eq3A_93 : vector<1000xi32>
    %convert_element_type3A_95 = arith.extui %eq3A_94 : vector<1000xi1> to vector<1000xi32>
    %convert_element_type3A_96 = arith.sitofp %convert_element_type3A_95 : vector<1000xi32> to vector<1000xf32>
    %broadcast_in_dim3A_97 = vector.shape_cast %convert_element_type3A_96 : vector<1000xf32> to vector<1000x1xf32>
    %get3A_98 = arith.constant 7 : index
    %get3A_99 = arith.constant 0 : index
    %get3A_100 = vector.load %arg3[%get3A_98, %get3A_99] : memref<16x8xf32, #tpu.memory_space<vmem>>, vector<1x8xf32>
    %mul3A_101 = vector.broadcast %broadcast_in_dim3A_97 : vector<1000x1xf32> to vector<1000x8xf32>
    %mul3A_102 = vector.broadcast %get3A_100 : vector<1x8xf32> to vector<1000x8xf32>
    %mul3A_103 = arith.mulf %mul3A_101, %mul3A_102 : vector<1000x8xf32>
    %add3A_104 = arith.addf %add3A_91, %mul3A_103 : vector<1000x8xf32>
    %eq3A_105 = arith.constant 8 : i32
    %eq3A_106 = vector.broadcast %eq3A_105 : i32 to vector<1000xi32>
    %eq3A_107 = arith.cmpi eq, %get3A_3, %eq3A_106 : vector<1000xi32>
    %convert_element_type3A_108 = arith.extui %eq3A_107 : vector<1000xi1> to vector<1000xi32>
    %convert_element_type3A_109 = arith.sitofp %convert_element_type3A_108 : vector<1000xi32> to vector<1000xf32>
    %broadcast_in_dim3A_110 = vector.shape_cast %convert_element_type3A_109 : vector<1000xf32> to vector<1000x1xf32>
    %get3A_111 = arith.constant 8 : index
    %get3A_112 = arith.constant 0 : index
    %get3A_113 = vector.load %arg3[%get3A_111, %get3A_112] : memref<16x8xf32, #tpu.memory_space<vmem>>, vector<1x8xf32>
    %mul3A_114 = vector.broadcast %broadcast_in_dim3A_110 : vector<1000x1xf32> to vector<1000x8xf32>
    %mul3A_115 = vector.broadcast %get3A_113 : vector<1x8xf32> to vector<1000x8xf32>
    %mul3A_116 = arith.mulf %mul3A_114, %mul3A_115 : vector<1000x8xf32>
    %add3A_117 = arith.addf %add3A_104, %mul3A_116 : vector<1000x8xf32>
    %eq3A_118 = arith.constant 9 : i32
    %eq3A_119 = vector.broadcast %eq3A_118 : i32 to vector<1000xi32>
    %eq3A_120 = arith.cmpi eq, %get3A_3, %eq3A_119 : vector<1000xi32>
    %convert_element_type3A_121 = arith.extui %eq3A_120 : vector<1000xi1> to vector<1000xi32>
    %convert_element_type3A_122 = arith.sitofp %convert_element_type3A_121 : vector<1000xi32> to vector<1000xf32>
    %broadcast_in_dim3A_123 = vector.shape_cast %convert_element_type3A_122 : vector<1000xf32> to vector<1000x1xf32>
    %get3A_124 = arith.constant 9 : index
    %get3A_125 = arith.constant 0 : index
    %get3A_126 = vector.load %arg3[%get3A_124, %get3A_125] : memref<16x8xf32, #tpu.memory_space<vmem>>, vector<1x8xf32>
    %mul3A_127 = vector.broadcast %broadcast_in_dim3A_123 : vector<1000x1xf32> to vector<1000x8xf32>
    %mul3A_128 = vector.broadcast %get3A_126 : vector<1x8xf32> to vector<1000x8xf32>
    %mul3A_129 = arith.mulf %mul3A_127, %mul3A_128 : vector<1000x8xf32>
    %add3A_130 = arith.addf %add3A_117, %mul3A_129 : vector<1000x8xf32>
    %eq3A_131 = arith.constant 10 : i32
    %eq3A_132 = vector.broadcast %eq3A_131 : i32 to vector<1000xi32>
    %eq3A_133 = arith.cmpi eq, %get3A_3, %eq3A_132 : vector<1000xi32>
    %convert_element_type3A_134 = arith.extui %eq3A_133 : vector<1000xi1> to vector<1000xi32>
    %convert_element_type3A_135 = arith.sitofp %convert_element_type3A_134 : vector<1000xi32> to vector<1000xf32>
    %broadcast_in_dim3A_136 = vector.shape_cast %convert_element_type3A_135 : vector<1000xf32> to vector<1000x1xf32>
    %get3A_137 = arith.constant 10 : index
    %get3A_138 = arith.constant 0 : index
    %get3A_139 = vector.load %arg3[%get3A_137, %get3A_138] : memref<16x8xf32, #tpu.memory_space<vmem>>, vector<1x8xf32>
    %mul3A_140 = vector.broadcast %broadcast_in_dim3A_136 : vector<1000x1xf32> to vector<1000x8xf32>
    %mul3A_141 = vector.broadcast %get3A_139 : vector<1x8xf32> to vector<1000x8xf32>
    %mul3A_142 = arith.mulf %mul3A_140, %mul3A_141 : vector<1000x8xf32>
    %add3A_143 = arith.addf %add3A_130, %mul3A_142 : vector<1000x8xf32>
    %eq3A_144 = arith.constant 11 : i32
    %eq3A_145 = vector.broadcast %eq3A_144 : i32 to vector<1000xi32>
    %eq3A_146 = arith.cmpi eq, %get3A_3, %eq3A_145 : vector<1000xi32>
    %convert_element_type3A_147 = arith.extui %eq3A_146 : vector<1000xi1> to vector<1000xi32>
    %convert_element_type3A_148 = arith.sitofp %convert_element_type3A_147 : vector<1000xi32> to vector<1000xf32>
    %broadcast_in_dim3A_149 = vector.shape_cast %convert_element_type3A_148 : vector<1000xf32> to vector<1000x1xf32>
    %get3A_150 = arith.constant 11 : index
    %get3A_151 = arith.constant 0 : index
    %get3A_152 = vector.load %arg3[%get3A_150, %get3A_151] : memref<16x8xf32, #tpu.memory_space<vmem>>, vector<1x8xf32>
    %mul3A_153 = vector.broadcast %broadcast_in_dim3A_149 : vector<1000x1xf32> to vector<1000x8xf32>
    %mul3A_154 = vector.broadcast %get3A_152 : vector<1x8xf32> to vector<1000x8xf32>
    %mul3A_155 = arith.mulf %mul3A_153, %mul3A_154 : vector<1000x8xf32>
    %add3A_156 = arith.addf %add3A_143, %mul3A_155 : vector<1000x8xf32>
    %eq3A_157 = arith.constant 12 : i32
    %eq3A_158 = vector.broadcast %eq3A_157 : i32 to vector<1000xi32>
    %eq3A_159 = arith.cmpi eq, %get3A_3, %eq3A_158 : vector<1000xi32>
    %convert_element_type3A_160 = arith.extui %eq3A_159 : vector<1000xi1> to vector<1000xi32>
    %convert_element_type3A_161 = arith.sitofp %convert_element_type3A_160 : vector<1000xi32> to vector<1000xf32>
    %broadcast_in_dim3A_162 = vector.shape_cast %convert_element_type3A_161 : vector<1000xf32> to vector<1000x1xf32>
    %get3A_163 = arith.constant 12 : index
    %get3A_164 = arith.constant 0 : index
    %get3A_165 = vector.load %arg3[%get3A_163, %get3A_164] : memref<16x8xf32, #tpu.memory_space<vmem>>, vector<1x8xf32>
    %mul3A_166 = vector.broadcast %broadcast_in_dim3A_162 : vector<1000x1xf32> to vector<1000x8xf32>
    %mul3A_167 = vector.broadcast %get3A_165 : vector<1x8xf32> to vector<1000x8xf32>
    %mul3A_168 = arith.mulf %mul3A_166, %mul3A_167 : vector<1000x8xf32>
    %add3A_169 = arith.addf %add3A_156, %mul3A_168 : vector<1000x8xf32>
    %eq3A_170 = arith.constant 13 : i32
    %eq3A_171 = vector.broadcast %eq3A_170 : i32 to vector<1000xi32>
    %eq3A_172 = arith.cmpi eq, %get3A_3, %eq3A_171 : vector<1000xi32>
    %convert_element_type3A_173 = arith.extui %eq3A_172 : vector<1000xi1> to vector<1000xi32>
    %convert_element_type3A_174 = arith.sitofp %convert_element_type3A_173 : vector<1000xi32> to vector<1000xf32>
    %broadcast_in_dim3A_175 = vector.shape_cast %convert_element_type3A_174 : vector<1000xf32> to vector<1000x1xf32>
    %get3A_176 = arith.constant 13 : index
    %get3A_177 = arith.constant 0 : index
    %get3A_178 = vector.load %arg3[%get3A_176, %get3A_177] : memref<16x8xf32, #tpu.memory_space<vmem>>, vector<1x8xf32>
    %mul3A_179 = vector.broadcast %broadcast_in_dim3A_175 : vector<1000x1xf32> to vector<1000x8xf32>
    %mul3A_180 = vector.broadcast %get3A_178 : vector<1x8xf32> to vector<1000x8xf32>
    %mul3A_181 = arith.mulf %mul3A_179, %mul3A_180 : vector<1000x8xf32>
    %add3A_182 = arith.addf %add3A_169, %mul3A_181 : vector<1000x8xf32>
    %eq3A_183 = arith.constant 14 : i32
    %eq3A_184 = vector.broadcast %eq3A_183 : i32 to vector<1000xi32>
    %eq3A_185 = arith.cmpi eq, %get3A_3, %eq3A_184 : vector<1000xi32>
    %convert_element_type3A_186 = arith.extui %eq3A_185 : vector<1000xi1> to vector<1000xi32>
    %convert_element_type3A_187 = arith.sitofp %convert_element_type3A_186 : vector<1000xi32> to vector<1000xf32>
    %broadcast_in_dim3A_188 = vector.shape_cast %convert_element_type3A_187 : vector<1000xf32> to vector<1000x1xf32>
    %get3A_189 = arith.constant 14 : index
    %get3A_190 = arith.constant 0 : index
    %get3A_191 = vector.load %arg3[%get3A_189, %get3A_190] : memref<16x8xf32, #tpu.memory_space<vmem>>, vector<1x8xf32>
    %mul3A_192 = vector.broadcast %broadcast_in_dim3A_188 : vector<1000x1xf32> to vector<1000x8xf32>
    %mul3A_193 = vector.broadcast %get3A_191 : vector<1x8xf32> to vector<1000x8xf32>
    %mul3A_194 = arith.mulf %mul3A_192, %mul3A_193 : vector<1000x8xf32>
    %add3A_195 = arith.addf %add3A_182, %mul3A_194 : vector<1000x8xf32>
    %eq3A_196 = arith.constant 15 : i32
    %eq3A_197 = vector.broadcast %eq3A_196 : i32 to vector<1000xi32>
    %eq3A_198 = arith.cmpi eq, %get3A_3, %eq3A_197 : vector<1000xi32>
    %convert_element_type3A_199 = arith.extui %eq3A_198 : vector<1000xi1> to vector<1000xi32>
    %convert_element_type3A_200 = arith.sitofp %convert_element_type3A_199 : vector<1000xi32> to vector<1000xf32>
    %broadcast_in_dim3A_201 = vector.shape_cast %convert_element_type3A_200 : vector<1000xf32> to vector<1000x1xf32>
    %get3A_202 = arith.constant 15 : index
    %get3A_203 = arith.constant 0 : index
    %get3A_204 = vector.load %arg3[%get3A_202, %get3A_203] : memref<16x8xf32, #tpu.memory_space<vmem>>, vector<1x8xf32>
    %mul3A_205 = vector.broadcast %broadcast_in_dim3A_201 : vector<1000x1xf32> to vector<1000x8xf32>
    %mul3A_206 = vector.broadcast %get3A_204 : vector<1x8xf32> to vector<1000x8xf32>
    %mul3A_207 = arith.mulf %mul3A_205, %mul3A_206 : vector<1000x8xf32>
    %add3A_208 = arith.addf %add3A_195, %mul3A_207 : vector<1000x8xf32>
    %get3A_209 = arith.constant 0 : index
    %get3A_210 = arith.constant 0 : index
    %get3A_211 = vector.load %arg1[%get3A_209, %get3A_210] : memref<1000x128xf32, #tpu.memory_space<vmem>>, vector<1000x128xf32>
    %concatenate3A = tpu.concatenate %get3A_211, %add3A_208 in 1 : vector<1000x128xf32>, vector<1000x8xf32> -> vector<1000x136xf32>
    %swap3A = arith.constant 0 : index
    %swap3A_212 = arith.constant 0 : index
    %swap3A_213 = vector.load %arg4[%swap3A, %swap3A_212] : memref<1000x136xf32, #tpu.memory_space<vmem>>, vector<1000x136xf32>
    tpu.vector_store %arg4[%swap3A, %swap3A_212], %concatenate3A {strides = array<i32>} : memref<1000x136xf32, #tpu.memory_space<vmem>>, vector<1000x136xf32>,
    return
  }
  func.func @transform_0(%arg0: i32) -> (i32, i32) {
    %c0_i32 = arith.constant 0 : i32
    %c0_i32_0 = arith.constant 0 : i32
    return %arg0, %c0_i32 : i32, i32
  }
  func.func @transform_1(%arg0: i32) -> (i32, i32, i32) {
    %c0_i32 = arith.constant 0 : i32
    %c0_i32_0 = arith.constant 0 : i32
    %c0_i32_1 = arith.constant 0 : i32
    return %arg0, %c0_i32, %c0_i32_0 : i32, i32, i32
  }
  func.func @transform_2(%arg0: i32) -> (i32, i32) {
    %c0_i32 = arith.constant 0 : i32
    %c0_i32_0 = arith.constant 0 : i32
    %c0_i32_1 = arith.constant 0 : i32
    return %c0_i32, %c0_i32_0 : i32, i32
  }
  func.func @transform_3(%arg0: i32) -> (i32, i32) {
    %c0_i32 = arith.constant 0 : i32
    %c0_i32_0 = arith.constant 0 : i32
    return %arg0, %c0_i32 : i32, i32
  }
}

module attributes {stable_mosaic.version = 14 : i64} {
  func.func @_layer_body(%arg0: i32, %arg1: i32, %arg2: memref<1xf32, #tpu.memory_space<smem>>, %arg3: memref<1000x136xf32, #tpu.memory_space<vmem>>, %arg4: memref<2x1000x136xf32, #tpu.memory_space<vmem>>, %arg5: memref<136x64xf32, #tpu.memory_space<vmem>>, %arg6: memref<1x64xf32, #tpu.memory_space<vmem>>, %arg7: memref<64x64xf32, #tpu.memory_space<vmem>>, %arg8: memref<1x64xf32, #tpu.memory_space<vmem>>, %arg9: memref<1x64xf32, #tpu.memory_space<vmem>>, %arg10: memref<1x64xf32, #tpu.memory_space<vmem>>, %arg11: memref<1x1xf32, #tpu.memory_space<vmem>>, %arg12: memref<1x1xf32, #tpu.memory_space<vmem>>, %arg13: memref<1000x64xf32, #tpu.memory_space<vmem>>, %arg14: memref<10000x64xf32, #tpu.memory_space<vmem>>, %arg15: memref<1x64xf32, #tpu.memory_space<vmem>>, %arg16: memref<1x64xf32, #tpu.memory_space<vmem>>) attributes {dimension_semantics = [#tpu.dimension_semantics<arbitrary>, #tpu.dimension_semantics<arbitrary>], iteration_bounds = array<i64: 3, 10>, scalar_prefetch = 0 : i64, scratch_operands = 3 : i64, tpu.core_type = #tpu.core_type<tc>, window_params = [{transform_indices = @transform_0, window_bounds = array<i64: 1>}, {transform_indices = @transform_1, window_bounds = array<i64: 1000, 136>}, {transform_indices = @transform_2, window_bounds = array<i64: 2, 1000, 136>}, {pipeline_mode = #tpu.pipeline_mode<synchronous>, transform_indices = @transform_3, window_bounds = array<i64: 136, 64>}, {pipeline_mode = #tpu.pipeline_mode<synchronous>, transform_indices = @transform_4, window_bounds = array<i64: 1, 64>}, {pipeline_mode = #tpu.pipeline_mode<synchronous>, transform_indices = @transform_5, window_bounds = array<i64: 64, 64>}, {pipeline_mode = #tpu.pipeline_mode<synchronous>, transform_indices = @transform_6, window_bounds = array<i64: 1, 64>}, {pipeline_mode = #tpu.pipeline_mode<synchronous>, transform_indices = @transform_7, window_bounds = array<i64: 1, 64>}, {pipeline_mode = #tpu.pipeline_mode<synchronous>, transform_indices = @transform_8, window_bounds = array<i64: 1, 64>}, {pipeline_mode = #tpu.pipeline_mode<synchronous>, transform_indices = @transform_9, window_bounds = array<i64: 1, 1>}, {pipeline_mode = #tpu.pipeline_mode<synchronous>, transform_indices = @transform_10, window_bounds = array<i64: 1, 1>}, {transform_indices = @transform_11, window_bounds = array<i64: 1000, 64>}]} {
    %eq3A = arith.constant 0 : i32
    %eq3A_0 = arith.cmpi eq, %arg0, %eq3A : i32
    %convert_element_type3A = arith.extui %eq3A_0 : i1 to i32
    %cond3A = arith.constant 0 : i32
    %cond3A_1 = arith.cmpi ne, %convert_element_type3A, %cond3A : i32
    scf.if %cond3A_1 {
      %get3A = arith.constant 0 : index
      %get3A_14 = arith.constant 0 : index
      %get3A_15 = arith.constant 0 : index
      %get3A_16 = vector.load %arg4[%get3A, %get3A_14, %get3A_15] : memref<2x1000x136xf32, #tpu.memory_space<vmem>>, vector<1x1000x136xf32>
      %get3A_17 = vector.shape_cast %get3A_16 : vector<1x1000x136xf32> to vector<1000x136xf32>
      %get3A_18 = arith.constant 1 : index
      %get3A_19 = arith.constant 0 : index
      %get3A_20 = arith.constant 0 : index
      %get3A_21 = vector.load %arg4[%get3A_18, %get3A_19, %get3A_20] : memref<2x1000x136xf32, #tpu.memory_space<vmem>>, vector<1x1000x136xf32>
      %get3A_22 = vector.shape_cast %get3A_21 : vector<1x1000x136xf32> to vector<1000x136xf32>
      %add3A = arith.addf %get3A_17, %get3A_22 : vector<1000x136xf32>
      %get3A_23 = arith.constant 0 : index
      %get3A_24 = memref.load %arg2[%get3A_23] : memref<1xf32, #tpu.memory_space<smem>>
      %add3A_25 = arith.constant 1.000000e+00 : f32
      %add3A_26 = arith.addf %add3A_25, %get3A_24 : f32
      %get3A_27 = arith.constant 0 : index
      %get3A_28 = arith.constant 0 : index
      %get3A_29 = vector.load %arg3[%get3A_27, %get3A_28] : memref<1000x136xf32, #tpu.memory_space<vmem>>, vector<1000x136xf32>
      %mul3A = vector.broadcast %add3A_26 : f32 to vector<1000x136xf32>
      %mul3A_30 = arith.mulf %mul3A, %get3A_29 : vector<1000x136xf32>
      %add3A_31 = arith.addf %mul3A_30, %add3A : vector<1000x136xf32>
      %get3A_32 = arith.constant 0 : index
      %get3A_33 = arith.constant 0 : index
      %get3A_34 = vector.load %arg5[%get3A_32, %get3A_33] : memref<136x64xf32, #tpu.memory_space<vmem>>, vector<136x64xf32>
      %dot_general3A = arith.constant dense<0.000000e+00> : vector<1000x64xf32>
      %dot_general3A_35 = tpu.matmul %add3A_31, %get3A_34, %dot_general3A {dimension_numbers = #tpu.dot_dimension_numbers<[1], [0], [0], [1], [0, 0, 1, 1], [], []>, transpose_lhs_hint = false} : vector<1000x136xf32>, vector<136x64xf32>, vector<1000x64xf32> -> vector<1000x64xf32>
      %get3A_36 = arith.constant 0 : index
      %get3A_37 = arith.constant 0 : index
      %get3A_38 = vector.load %arg6[%get3A_36, %get3A_37] : memref<1x64xf32, #tpu.memory_space<vmem>>, vector<1x64xf32>
      %add3A_39 = vector.broadcast %get3A_38 : vector<1x64xf32> to vector<1000x64xf32>
      %add3A_40 = arith.addf %dot_general3A_35, %add3A_39 : vector<1000x64xf32>
      %max3A = arith.constant 0.000000e+00 : f32
      %max3A_41 = vector.broadcast %max3A : f32 to vector<1000x64xf32>
      %max3A_42 = arith.maximumf %add3A_40, %max3A_41 : vector<1000x64xf32>
      %get3A_43 = arith.constant 0 : index
      %get3A_44 = arith.constant 0 : index
      %get3A_45 = vector.load %arg7[%get3A_43, %get3A_44] : memref<64x64xf32, #tpu.memory_space<vmem>>, vector<64x64xf32>
      %dot_general3A_46 = arith.constant dense<0.000000e+00> : vector<1000x64xf32>
      %dot_general3A_47 = tpu.matmul %max3A_42, %get3A_45, %dot_general3A_46 {dimension_numbers = #tpu.dot_dimension_numbers<[1], [0], [0], [1], [0, 0, 1, 1], [], []>, transpose_lhs_hint = false} : vector<1000x64xf32>, vector<64x64xf32>, vector<1000x64xf32> -> vector<1000x64xf32>
      %get3A_48 = arith.constant 0 : index
      %get3A_49 = arith.constant 0 : index
      %get3A_50 = vector.load %arg8[%get3A_48, %get3A_49] : memref<1x64xf32, #tpu.memory_space<vmem>>, vector<1x64xf32>
      %add3A_51 = vector.broadcast %get3A_50 : vector<1x64xf32> to vector<1000x64xf32>
      %add3A_52 = arith.addf %dot_general3A_47, %add3A_51 : vector<1000x64xf32>
      %max3A_53 = arith.constant 0.000000e+00 : f32
      %max3A_54 = vector.broadcast %max3A_53 : f32 to vector<1000x64xf32>
      %max3A_55 = arith.maximumf %add3A_52, %max3A_54 : vector<1000x64xf32>
      %mul3A_56 = arith.constant 1000 : i32
      %mul3A_57 = arith.muli %arg1, %mul3A_56 : i32
      %swap3A = arith.index_cast %mul3A_57 : i32 to index
      %swap3A_58 = arith.constant 0 : index
      %swap3A_59 = vector.load %arg14[%swap3A, %swap3A_58] : memref<10000x64xf32, #tpu.memory_space<vmem>>, vector<1000x64xf32>
      tpu.vector_store %arg14[%swap3A, %swap3A_58], %max3A_55 {strides = array<i32>} : memref<10000x64xf32, #tpu.memory_space<vmem>>, vector<1000x64xf32>,
    } else {
    }
    %eq3A_2 = arith.constant 1 : i32
    %eq3A_3 = arith.cmpi eq, %arg0, %eq3A_2 : i32
    %eq3A_4 = arith.constant 0 : i32
    %eq3A_5 = arith.cmpi eq, %arg1, %eq3A_4 : i32
    %and3A = arith.andi %eq3A_3, %eq3A_5 : i1
    %convert_element_type3A_6 = arith.extui %and3A : i1 to i32
    %cond3A_7 = arith.constant 0 : i32
    %cond3A_8 = arith.cmpi ne, %convert_element_type3A_6, %cond3A_7 : i32
    scf.if %cond3A_8 {
      %broadcast_in_dim3A = arith.constant 0.000000e+00 : f32
      %broadcast_in_dim3A_14 = vector.broadcast %broadcast_in_dim3A : f32 to vector<8x64xf32>
      %broadcast_in_dim3A_15 = arith.constant 0.000000e+00 : f32
      %broadcast_in_dim3A_16 = vector.broadcast %broadcast_in_dim3A_15 : f32 to vector<8x64xf32>
      %scan3A = arith.constant 0 : i32
      %scan3A_17 = arith.constant 1250 : i32
      %scan3A_18 = arith.addi %scan3A, %scan3A_17 : i32
      %scan3A_19 = arith.constant 1 : i32
      %scan3A_20:2 = scf.for %scan3A_108 = %scan3A to %scan3A_18 step %scan3A_19 iter_args(%scan3A_109 = %broadcast_in_dim3A_14, %scan3A_110 = %broadcast_in_dim3A_16) -> (vector<8x64xf32>, vector<8x64xf32>)  : i32 {
        %mul3A = arith.constant 8 : i32
        %mul3A_111 = arith.muli %scan3A_108, %mul3A : i32
        %get3A = arith.index_cast %mul3A_111 : i32 to index
        %get3A_112 = arith.constant 0 : index
        %get3A_113 = vector.load %arg14[%get3A, %get3A_112] : memref<10000x64xf32, #tpu.memory_space<vmem>>, vector<8x64xf32>
        %sub3A_114 = arith.subf %get3A_113, %scan3A_110 : vector<8x64xf32>
        %add3A_115 = arith.addf %scan3A_109, %sub3A_114 : vector<8x64xf32>
        %sub3A_116 = arith.subf %add3A_115, %scan3A_109 : vector<8x64xf32>
        %sub3A_117 = arith.subf %sub3A_116, %sub3A_114 : vector<8x64xf32>
        scf.yield %add3A_115, %sub3A_117 : vector<8x64xf32>, vector<8x64xf32>
      }
      %scan3A_21 = arith.constant 1250 : i32
      %slice3A = vector.extract_strided_slice %scan3A_20#0 {offsets = [0, 0], sizes = [1, 64], strides = [1, 1]} : vector<8x64xf32> to vector<1x64xf32>
      %broadcast_in_dim3A_22 = arith.constant 0.000000e+00 : f32
      %broadcast_in_dim3A_23 = vector.broadcast %broadcast_in_dim3A_22 : f32 to vector<1x64xf32>
      %slice3A_24 = vector.extract_strided_slice %scan3A_20#0 {offsets = [1, 0], sizes = [1, 64], strides = [1, 1]} : vector<8x64xf32> to vector<1x64xf32>
      %sub3A = arith.subf %slice3A_24, %broadcast_in_dim3A_23 : vector<1x64xf32>
      %add3A = arith.addf %slice3A, %sub3A : vector<1x64xf32>
      %sub3A_25 = arith.subf %add3A, %slice3A : vector<1x64xf32>
      %sub3A_26 = arith.subf %sub3A_25, %sub3A : vector<1x64xf32>
      %slice3A_27 = vector.extract_strided_slice %scan3A_20#0 {offsets = [2, 0], sizes = [1, 64], strides = [1, 1]} : vector<8x64xf32> to vector<1x64xf32>
      %sub3A_28 = arith.subf %slice3A_27, %sub3A_26 : vector<1x64xf32>
      %add3A_29 = arith.addf %add3A, %sub3A_28 : vector<1x64xf32>
      %sub3A_30 = arith.subf %add3A_29, %add3A : vector<1x64xf32>
      %sub3A_31 = arith.subf %sub3A_30, %sub3A_28 : vector<1x64xf32>
      %slice3A_32 = vector.extract_strided_slice %scan3A_20#0 {offsets = [3, 0], sizes = [1, 64], strides = [1, 1]} : vector<8x64xf32> to vector<1x64xf32>
      %sub3A_33 = arith.subf %slice3A_32, %sub3A_31 : vector<1x64xf32>
      %add3A_34 = arith.addf %add3A_29, %sub3A_33 : vector<1x64xf32>
      %sub3A_35 = arith.subf %add3A_34, %add3A_29 : vector<1x64xf32>
      %sub3A_36 = arith.subf %sub3A_35, %sub3A_33 : vector<1x64xf32>
      %slice3A_37 = vector.extract_strided_slice %scan3A_20#0 {offsets = [4, 0], sizes = [1, 64], strides = [1, 1]} : vector<8x64xf32> to vector<1x64xf32>
      %sub3A_38 = arith.subf %slice3A_37, %sub3A_36 : vector<1x64xf32>
      %add3A_39 = arith.addf %add3A_34, %sub3A_38 : vector<1x64xf32>
      %sub3A_40 = arith.subf %add3A_39, %add3A_34 : vector<1x64xf32>
      %sub3A_41 = arith.subf %sub3A_40, %sub3A_38 : vector<1x64xf32>
      %slice3A_42 = vector.extract_strided_slice %scan3A_20#0 {offsets = [5, 0], sizes = [1, 64], strides = [1, 1]} : vector<8x64xf32> to vector<1x64xf32>
      %sub3A_43 = arith.subf %slice3A_42, %sub3A_41 : vector<1x64xf32>
      %add3A_44 = arith.addf %add3A_39, %sub3A_43 : vector<1x64xf32>
      %sub3A_45 = arith.subf %add3A_44, %add3A_39 : vector<1x64xf32>
      %sub3A_46 = arith.subf %sub3A_45, %sub3A_43 : vector<1x64xf32>
      %slice3A_47 = vector.extract_strided_slice %scan3A_20#0 {offsets = [6, 0], sizes = [1, 64], strides = [1, 1]} : vector<8x64xf32> to vector<1x64xf32>
      %sub3A_48 = arith.subf %slice3A_47, %sub3A_46 : vector<1x64xf32>
      %add3A_49 = arith.addf %add3A_44, %sub3A_48 : vector<1x64xf32>
      %sub3A_50 = arith.subf %add3A_49, %add3A_44 : vector<1x64xf32>
      %sub3A_51 = arith.subf %sub3A_50, %sub3A_48 : vector<1x64xf32>
      %slice3A_52 = vector.extract_strided_slice %scan3A_20#0 {offsets = [7, 0], sizes = [1, 64], strides = [1, 1]} : vector<8x64xf32> to vector<1x64xf32>
      %sub3A_53 = arith.subf %slice3A_52, %sub3A_51 : vector<1x64xf32>
      %add3A_54 = arith.addf %add3A_49, %sub3A_53 : vector<1x64xf32>
      %swap3A = arith.constant 0 : index
      %swap3A_55 = arith.constant 0 : index
      %swap3A_56 = vector.load %arg15[%swap3A, %swap3A_55] : memref<1x64xf32, #tpu.memory_space<vmem>>, vector<1x64xf32>
      tpu.vector_store %arg15[%swap3A, %swap3A_55], %add3A_54 {strides = array<i32>} : memref<1x64xf32, #tpu.memory_space<vmem>>, vector<1x64xf32>,
      %div3A = arith.constant 1.000000e+04 : f32
      %div3A_57 = vector.broadcast %div3A : f32 to vector<1x64xf32>
      %div3A_58 = arith.divf %add3A_54, %div3A_57 : vector<1x64xf32>
      %broadcast_in_dim3A_59 = arith.constant 0.000000e+00 : f32
      %broadcast_in_dim3A_60 = vector.broadcast %broadcast_in_dim3A_59 : f32 to vector<8x64xf32>
      %broadcast_in_dim3A_61 = arith.constant 0.000000e+00 : f32
      %broadcast_in_dim3A_62 = vector.broadcast %broadcast_in_dim3A_61 : f32 to vector<8x64xf32>
      %scan3A_63 = arith.constant 0 : i32
      %scan3A_64 = arith.constant 1250 : i32
      %scan3A_65 = arith.addi %scan3A_63, %scan3A_64 : i32
      %scan3A_66 = arith.constant 1 : i32
      %scan3A_67:2 = scf.for %scan3A_108 = %scan3A_63 to %scan3A_65 step %scan3A_66 iter_args(%scan3A_109 = %broadcast_in_dim3A_60, %scan3A_110 = %broadcast_in_dim3A_62) -> (vector<8x64xf32>, vector<8x64xf32>)  : i32 {
        %mul3A = arith.constant 8 : i32
        %mul3A_111 = arith.muli %scan3A_108, %mul3A : i32
        %get3A = arith.index_cast %mul3A_111 : i32 to index
        %get3A_112 = arith.constant 0 : index
        %get3A_113 = vector.load %arg14[%get3A, %get3A_112] : memref<10000x64xf32, #tpu.memory_space<vmem>>, vector<8x64xf32>
        %sub3A_114 = vector.broadcast %div3A_58 : vector<1x64xf32> to vector<8x64xf32>
        %sub3A_115 = arith.subf %get3A_113, %sub3A_114 : vector<8x64xf32>
        %mul3A_116 = arith.mulf %sub3A_115, %sub3A_115 : vector<8x64xf32>
        %sub3A_117 = arith.subf %mul3A_116, %scan3A_110 : vector<8x64xf32>
        %add3A_118 = arith.addf %scan3A_109, %sub3A_117 : vector<8x64xf32>
        %sub3A_119 = arith.subf %add3A_118, %scan3A_109 : vector<8x64xf32>
        %sub3A_120 = arith.subf %sub3A_119, %sub3A_117 : vector<8x64xf32>
        scf.yield %add3A_118, %sub3A_120 : vector<8x64xf32>, vector<8x64xf32>
      }
      %scan3A_68 = arith.constant 1250 : i32
      %slice3A_69 = vector.extract_strided_slice %scan3A_67#0 {offsets = [0, 0], sizes = [1, 64], strides = [1, 1]} : vector<8x64xf32> to vector<1x64xf32>
      %broadcast_in_dim3A_70 = arith.constant 0.000000e+00 : f32
      %broadcast_in_dim3A_71 = vector.broadcast %broadcast_in_dim3A_70 : f32 to vector<1x64xf32>
      %slice3A_72 = vector.extract_strided_slice %scan3A_67#0 {offsets = [1, 0], sizes = [1, 64], strides = [1, 1]} : vector<8x64xf32> to vector<1x64xf32>
      %sub3A_73 = arith.subf %slice3A_72, %broadcast_in_dim3A_71 : vector<1x64xf32>
      %add3A_74 = arith.addf %slice3A_69, %sub3A_73 : vector<1x64xf32>
      %sub3A_75 = arith.subf %add3A_74, %slice3A_69 : vector<1x64xf32>
      %sub3A_76 = arith.subf %sub3A_75, %sub3A_73 : vector<1x64xf32>
      %slice3A_77 = vector.extract_strided_slice %scan3A_67#0 {offsets = [2, 0], sizes = [1, 64], strides = [1, 1]} : vector<8x64xf32> to vector<1x64xf32>
      %sub3A_78 = arith.subf %slice3A_77, %sub3A_76 : vector<1x64xf32>
      %add3A_79 = arith.addf %add3A_74, %sub3A_78 : vector<1x64xf32>
      %sub3A_80 = arith.subf %add3A_79, %add3A_74 : vector<1x64xf32>
      %sub3A_81 = arith.subf %sub3A_80, %sub3A_78 : vector<1x64xf32>
      %slice3A_82 = vector.extract_strided_slice %scan3A_67#0 {offsets = [3, 0], sizes = [1, 64], strides = [1, 1]} : vector<8x64xf32> to vector<1x64xf32>
      %sub3A_83 = arith.subf %slice3A_82, %sub3A_81 : vector<1x64xf32>
      %add3A_84 = arith.addf %add3A_79, %sub3A_83 : vector<1x64xf32>
      %sub3A_85 = arith.subf %add3A_84, %add3A_79 : vector<1x64xf32>
      %sub3A_86 = arith.subf %sub3A_85, %sub3A_83 : vector<1x64xf32>
      %slice3A_87 = vector.extract_strided_slice %scan3A_67#0 {offsets = [4, 0], sizes = [1, 64], strides = [1, 1]} : vector<8x64xf32> to vector<1x64xf32>
      %sub3A_88 = arith.subf %slice3A_87, %sub3A_86 : vector<1x64xf32>
      %add3A_89 = arith.addf %add3A_84, %sub3A_88 : vector<1x64xf32>
      %sub3A_90 = arith.subf %add3A_89, %add3A_84 : vector<1x64xf32>
      %sub3A_91 = arith.subf %sub3A_90, %sub3A_88 : vector<1x64xf32>
      %slice3A_92 = vector.extract_strided_slice %scan3A_67#0 {offsets = [5, 0], sizes = [1, 64], strides = [1, 1]} : vector<8x64xf32> to vector<1x64xf32>
      %sub3A_93 = arith.subf %slice3A_92, %sub3A_91 : vector<1x64xf32>
      %add3A_94 = arith.addf %add3A_89, %sub3A_93 : vector<1x64xf32>
      %sub3A_95 = arith.subf %add3A_94, %add3A_89 : vector<1x64xf32>
      %sub3A_96 = arith.subf %sub3A_95, %sub3A_93 : vector<1x64xf32>
      %slice3A_97 = vector.extract_strided_slice %scan3A_67#0 {offsets = [6, 0], sizes = [1, 64], strides = [1, 1]} : vector<8x64xf32> to vector<1x64xf32>
      %sub3A_98 = arith.subf %slice3A_97, %sub3A_96 : vector<1x64xf32>
      %add3A_99 = arith.addf %add3A_94, %sub3A_98 : vector<1x64xf32>
      %sub3A_100 = arith.subf %add3A_99, %add3A_94 : vector<1x64xf32>
      %sub3A_101 = arith.subf %sub3A_100, %sub3A_98 : vector<1x64xf32>
      %slice3A_102 = vector.extract_strided_slice %scan3A_67#0 {offsets = [7, 0], sizes = [1, 64], strides = [1, 1]} : vector<8x64xf32> to vector<1x64xf32>
      %sub3A_103 = arith.subf %slice3A_102, %sub3A_101 : vector<1x64xf32>
      %add3A_104 = arith.addf %add3A_99, %sub3A_103 : vector<1x64xf32>
      %swap3A_105 = arith.constant 0 : index
      %swap3A_106 = arith.constant 0 : index
      %swap3A_107 = vector.load %arg16[%swap3A_105, %swap3A_106] : memref<1x64xf32, #tpu.memory_space<vmem>>, vector<1x64xf32>
      tpu.vector_store %arg16[%swap3A_105, %swap3A_106], %add3A_104 {strides = array<i32>} : memref<1x64xf32, #tpu.memory_space<vmem>>, vector<1x64xf32>,
    } else {
    }
    %eq3A_9 = arith.constant 2 : i32
    %eq3A_10 = arith.cmpi eq, %arg0, %eq3A_9 : i32
    %convert_element_type3A_11 = arith.extui %eq3A_10 : i1 to i32
    %cond3A_12 = arith.constant 0 : i32
    %cond3A_13 = arith.cmpi ne, %convert_element_type3A_11, %cond3A_12 : i32
    scf.if %cond3A_13 {
      %get3A = arith.constant 0 : index
      %get3A_14 = arith.constant 0 : index
      %get3A_15 = vector.load %arg15[%get3A, %get3A_14] : memref<1x64xf32, #tpu.memory_space<vmem>>, vector<1x64xf32>
      %div3A = arith.constant 1.000000e+04 : f32
      %div3A_16 = vector.broadcast %div3A : f32 to vector<1x64xf32>
      %div3A_17 = arith.divf %get3A_15, %div3A_16 : vector<1x64xf32>
      %get3A_18 = arith.constant 0 : index
      %get3A_19 = arith.constant 0 : index
      %get3A_20 = vector.load %arg16[%get3A_18, %get3A_19] : memref<1x64xf32, #tpu.memory_space<vmem>>, vector<1x64xf32>
      %div3A_21 = arith.constant 1.000000e+04 : f32
      %div3A_22 = vector.broadcast %div3A_21 : f32 to vector<1x64xf32>
      %div3A_23 = arith.divf %get3A_20, %div3A_22 : vector<1x64xf32>
      %mul3A = arith.constant 1000 : i32
      %mul3A_24 = arith.muli %arg1, %mul3A : i32
      %get3A_25 = arith.index_cast %mul3A_24 : i32 to index
      %get3A_26 = arith.constant 0 : index
      %get3A_27 = vector.load %arg14[%get3A_25, %get3A_26] : memref<10000x64xf32, #tpu.memory_space<vmem>>, vector<1000x64xf32>
      %sub3A = vector.broadcast %div3A_17 : vector<1x64xf32> to vector<1000x64xf32>
      %sub3A_28 = arith.subf %get3A_27, %sub3A : vector<1000x64xf32>
      %add3A = arith.constant 9.99999974E-6 : f32
      %add3A_29 = vector.broadcast %add3A : f32 to vector<1x64xf32>
      %add3A_30 = arith.addf %div3A_23, %add3A_29 : vector<1x64xf32>
      %sqrt3A = math.sqrt %add3A_30 : vector<1x64xf32>
      %div3A_31 = vector.broadcast %sqrt3A : vector<1x64xf32> to vector<1000x64xf32>
      %div3A_32 = arith.divf %sub3A_28, %div3A_31 : vector<1000x64xf32>
      %get3A_33 = arith.constant 0 : index
      %get3A_34 = arith.constant 0 : index
      %get3A_35 = vector.load %arg9[%get3A_33, %get3A_34] : memref<1x64xf32, #tpu.memory_space<vmem>>, vector<1x64xf32>
      %mul3A_36 = vector.broadcast %get3A_35 : vector<1x64xf32> to vector<1000x64xf32>
      %mul3A_37 = arith.mulf %div3A_32, %mul3A_36 : vector<1000x64xf32>
      %get3A_38 = arith.constant 0 : index
      %get3A_39 = arith.constant 0 : index
      %get3A_40 = vector.load %arg10[%get3A_38, %get3A_39] : memref<1x64xf32, #tpu.memory_space<vmem>>, vector<1x64xf32>
      %add3A_41 = vector.broadcast %get3A_40 : vector<1x64xf32> to vector<1000x64xf32>
      %add3A_42 = arith.addf %mul3A_37, %add3A_41 : vector<1000x64xf32>
      %max3A = arith.constant 0.000000e+00 : f32
      %max3A_43 = vector.broadcast %max3A : f32 to vector<1000x64xf32>
      %max3A_44 = arith.maximumf %add3A_42, %max3A_43 : vector<1000x64xf32>
      %swap3A = arith.constant 0 : index
      %swap3A_45 = arith.constant 0 : index
      %swap3A_46 = vector.load %arg13[%swap3A, %swap3A_45] : memref<1000x64xf32, #tpu.memory_space<vmem>>, vector<1000x64xf32>
      tpu.vector_store %arg13[%swap3A, %swap3A_45], %max3A_44 {strides = array<i32>} : memref<1000x64xf32, #tpu.memory_space<vmem>>, vector<1000x64xf32>,
    } else {
    }
    return
  }
  func.func @transform_0(%arg0: i32, %arg1: i32) -> i32 {
    %c0_i32 = arith.constant 0 : i32
    %c0_i32_0 = arith.constant 0 : i32
    return %c0_i32 : i32
  }
  func.func @transform_1(%arg0: i32, %arg1: i32) -> (i32, i32) {
    %eq3A = arith.constant 0 : i32
    %eq3A_0 = arith.cmpi eq, %arg0, %eq3A : i32
    %jit3A = arith.constant 0 : i32
    %select_n3A = arith.select %eq3A_0, %arg1, %jit3A : i32
    %c0_i32 = arith.constant 0 : i32
    %c0_i32_1 = arith.constant 0 : i32
    return %select_n3A, %c0_i32 : i32, i32
  }
  func.func @transform_2(%arg0: i32, %arg1: i32) -> (i32, i32, i32) {
    %eq3A = arith.constant 0 : i32
    %eq3A_0 = arith.cmpi eq, %arg0, %eq3A : i32
    %jit3A = arith.constant 0 : i32
    %select_n3A = arith.select %eq3A_0, %arg1, %jit3A : i32
    %c0_i32 = arith.constant 0 : i32
    %c0_i32_1 = arith.constant 0 : i32
    %c0_i32_2 = arith.constant 0 : i32
    return %c0_i32, %select_n3A, %c0_i32_1 : i32, i32, i32
  }
  func.func @transform_3(%arg0: i32, %arg1: i32) -> (i32, i32) {
    %c0_i32 = arith.constant 0 : i32
    %c0_i32_0 = arith.constant 0 : i32
    %c0_i32_1 = arith.constant 0 : i32
    return %c0_i32, %c0_i32_0 : i32, i32
  }
  func.func @transform_4(%arg0: i32, %arg1: i32) -> (i32, i32) {
    %c0_i32 = arith.constant 0 : i32
    %c0_i32_0 = arith.constant 0 : i32
    %c0_i32_1 = arith.constant 0 : i32
    return %c0_i32, %c0_i32_0 : i32, i32
  }
  func.func @transform_5(%arg0: i32, %arg1: i32) -> (i32, i32) {
    %c0_i32 = arith.constant 0 : i32
    %c0_i32_0 = arith.constant 0 : i32
    %c0_i32_1 = arith.constant 0 : i32
    return %c0_i32, %c0_i32_0 : i32, i32
  }
  func.func @transform_6(%arg0: i32, %arg1: i32) -> (i32, i32) {
    %c0_i32 = arith.constant 0 : i32
    %c0_i32_0 = arith.constant 0 : i32
    %c0_i32_1 = arith.constant 0 : i32
    return %c0_i32, %c0_i32_0 : i32, i32
  }
  func.func @transform_7(%arg0: i32, %arg1: i32) -> (i32, i32) {
    %c0_i32 = arith.constant 0 : i32
    %c0_i32_0 = arith.constant 0 : i32
    %c0_i32_1 = arith.constant 0 : i32
    return %c0_i32, %c0_i32_0 : i32, i32
  }
  func.func @transform_8(%arg0: i32, %arg1: i32) -> (i32, i32) {
    %c0_i32 = arith.constant 0 : i32
    %c0_i32_0 = arith.constant 0 : i32
    %c0_i32_1 = arith.constant 0 : i32
    return %c0_i32, %c0_i32_0 : i32, i32
  }
  func.func @transform_9(%arg0: i32, %arg1: i32) -> (i32, i32) {
    %c0_i32 = arith.constant 0 : i32
    %c0_i32_0 = arith.constant 0 : i32
    %c0_i32_1 = arith.constant 0 : i32
    return %c0_i32, %c0_i32_0 : i32, i32
  }
  func.func @transform_10(%arg0: i32, %arg1: i32) -> (i32, i32) {
    %c0_i32 = arith.constant 0 : i32
    %c0_i32_0 = arith.constant 0 : i32
    %c0_i32_1 = arith.constant 0 : i32
    return %c0_i32, %c0_i32_0 : i32, i32
  }
  func.func @transform_11(%arg0: i32, %arg1: i32) -> (i32, i32) {
    %eq3A = arith.constant 2 : i32
    %eq3A_0 = arith.cmpi eq, %arg0, %eq3A : i32
    %jit3A = arith.constant 0 : i32
    %select_n3A = arith.select %eq3A_0, %arg1, %jit3A : i32
    %c0_i32 = arith.constant 0 : i32
    %c0_i32_1 = arith.constant 0 : i32
    return %select_n3A, %c0_i32 : i32, i32
  }
}

module attributes {stable_mosaic.version = 14 : i64} {
  func.func @_layer_body(%arg0: i32, %arg1: i32, %arg2: memref<1xf32, #tpu.memory_space<smem>>, %arg3: memref<1000x64xf32, #tpu.memory_space<vmem>>, %arg4: memref<2x1000x64xf32, #tpu.memory_space<vmem>>, %arg5: memref<64x64xf32, #tpu.memory_space<vmem>>, %arg6: memref<1x64xf32, #tpu.memory_space<vmem>>, %arg7: memref<64x64xf32, #tpu.memory_space<vmem>>, %arg8: memref<1x64xf32, #tpu.memory_space<vmem>>, %arg9: memref<1x64xf32, #tpu.memory_space<vmem>>, %arg10: memref<1x64xf32, #tpu.memory_space<vmem>>, %arg11: memref<1x1xf32, #tpu.memory_space<vmem>>, %arg12: memref<1x1xf32, #tpu.memory_space<vmem>>, %arg13: memref<1000x64xf32, #tpu.memory_space<vmem>>, %arg14: memref<10000x64xf32, #tpu.memory_space<vmem>>, %arg15: memref<1x64xf32, #tpu.memory_space<vmem>>, %arg16: memref<1x64xf32, #tpu.memory_space<vmem>>) attributes {dimension_semantics = [#tpu.dimension_semantics<arbitrary>, #tpu.dimension_semantics<arbitrary>], iteration_bounds = array<i64: 3, 10>, scalar_prefetch = 0 : i64, scratch_operands = 3 : i64, tpu.core_type = #tpu.core_type<tc>, window_params = [{transform_indices = @transform_0, window_bounds = array<i64: 1>}, {transform_indices = @transform_1, window_bounds = array<i64: 1000, 64>}, {transform_indices = @transform_2, window_bounds = array<i64: 2, 1000, 64>}, {pipeline_mode = #tpu.pipeline_mode<synchronous>, transform_indices = @transform_3, window_bounds = array<i64: 64, 64>}, {pipeline_mode = #tpu.pipeline_mode<synchronous>, transform_indices = @transform_4, window_bounds = array<i64: 1, 64>}, {pipeline_mode = #tpu.pipeline_mode<synchronous>, transform_indices = @transform_5, window_bounds = array<i64: 64, 64>}, {pipeline_mode = #tpu.pipeline_mode<synchronous>, transform_indices = @transform_6, window_bounds = array<i64: 1, 64>}, {pipeline_mode = #tpu.pipeline_mode<synchronous>, transform_indices = @transform_7, window_bounds = array<i64: 1, 64>}, {pipeline_mode = #tpu.pipeline_mode<synchronous>, transform_indices = @transform_8, window_bounds = array<i64: 1, 64>}, {pipeline_mode = #tpu.pipeline_mode<synchronous>, transform_indices = @transform_9, window_bounds = array<i64: 1, 1>}, {pipeline_mode = #tpu.pipeline_mode<synchronous>, transform_indices = @transform_10, window_bounds = array<i64: 1, 1>}, {transform_indices = @transform_11, window_bounds = array<i64: 1000, 64>}]} {
    %eq3A = arith.constant 0 : i32
    %eq3A_0 = arith.cmpi eq, %arg0, %eq3A : i32
    %convert_element_type3A = arith.extui %eq3A_0 : i1 to i32
    %cond3A = arith.constant 0 : i32
    %cond3A_1 = arith.cmpi ne, %convert_element_type3A, %cond3A : i32
    scf.if %cond3A_1 {
      %get3A = arith.constant 0 : index
      %get3A_14 = arith.constant 0 : index
      %get3A_15 = arith.constant 0 : index
      %get3A_16 = vector.load %arg4[%get3A, %get3A_14, %get3A_15] : memref<2x1000x64xf32, #tpu.memory_space<vmem>>, vector<1x1000x64xf32>
      %get3A_17 = vector.shape_cast %get3A_16 : vector<1x1000x64xf32> to vector<1000x64xf32>
      %get3A_18 = arith.constant 1 : index
      %get3A_19 = arith.constant 0 : index
      %get3A_20 = arith.constant 0 : index
      %get3A_21 = vector.load %arg4[%get3A_18, %get3A_19, %get3A_20] : memref<2x1000x64xf32, #tpu.memory_space<vmem>>, vector<1x1000x64xf32>
      %get3A_22 = vector.shape_cast %get3A_21 : vector<1x1000x64xf32> to vector<1000x64xf32>
      %add3A = arith.addf %get3A_17, %get3A_22 : vector<1000x64xf32>
      %get3A_23 = arith.constant 0 : index
      %get3A_24 = memref.load %arg2[%get3A_23] : memref<1xf32, #tpu.memory_space<smem>>
      %add3A_25 = arith.constant 1.000000e+00 : f32
      %add3A_26 = arith.addf %add3A_25, %get3A_24 : f32
      %get3A_27 = arith.constant 0 : index
      %get3A_28 = arith.constant 0 : index
      %get3A_29 = vector.load %arg3[%get3A_27, %get3A_28] : memref<1000x64xf32, #tpu.memory_space<vmem>>, vector<1000x64xf32>
      %mul3A = vector.broadcast %add3A_26 : f32 to vector<1000x64xf32>
      %mul3A_30 = arith.mulf %mul3A, %get3A_29 : vector<1000x64xf32>
      %add3A_31 = arith.addf %mul3A_30, %add3A : vector<1000x64xf32>
      %get3A_32 = arith.constant 0 : index
      %get3A_33 = arith.constant 0 : index
      %get3A_34 = vector.load %arg5[%get3A_32, %get3A_33] : memref<64x64xf32, #tpu.memory_space<vmem>>, vector<64x64xf32>
      %dot_general3A = arith.constant dense<0.000000e+00> : vector<1000x64xf32>
      %dot_general3A_35 = tpu.matmul %add3A_31, %get3A_34, %dot_general3A {dimension_numbers = #tpu.dot_dimension_numbers<[1], [0], [0], [1], [0, 0, 1, 1], [], []>, transpose_lhs_hint = false} : vector<1000x64xf32>, vector<64x64xf32>, vector<1000x64xf32> -> vector<1000x64xf32>
      %get3A_36 = arith.constant 0 : index
      %get3A_37 = arith.constant 0 : index
      %get3A_38 = vector.load %arg6[%get3A_36, %get3A_37] : memref<1x64xf32, #tpu.memory_space<vmem>>, vector<1x64xf32>
      %add3A_39 = vector.broadcast %get3A_38 : vector<1x64xf32> to vector<1000x64xf32>
      %add3A_40 = arith.addf %dot_general3A_35, %add3A_39 : vector<1000x64xf32>
      %max3A = arith.constant 0.000000e+00 : f32
      %max3A_41 = vector.broadcast %max3A : f32 to vector<1000x64xf32>
      %max3A_42 = arith.maximumf %add3A_40, %max3A_41 : vector<1000x64xf32>
      %get3A_43 = arith.constant 0 : index
      %get3A_44 = arith.constant 0 : index
      %get3A_45 = vector.load %arg7[%get3A_43, %get3A_44] : memref<64x64xf32, #tpu.memory_space<vmem>>, vector<64x64xf32>
      %dot_general3A_46 = arith.constant dense<0.000000e+00> : vector<1000x64xf32>
      %dot_general3A_47 = tpu.matmul %max3A_42, %get3A_45, %dot_general3A_46 {dimension_numbers = #tpu.dot_dimension_numbers<[1], [0], [0], [1], [0, 0, 1, 1], [], []>, transpose_lhs_hint = false} : vector<1000x64xf32>, vector<64x64xf32>, vector<1000x64xf32> -> vector<1000x64xf32>
      %get3A_48 = arith.constant 0 : index
      %get3A_49 = arith.constant 0 : index
      %get3A_50 = vector.load %arg8[%get3A_48, %get3A_49] : memref<1x64xf32, #tpu.memory_space<vmem>>, vector<1x64xf32>
      %add3A_51 = vector.broadcast %get3A_50 : vector<1x64xf32> to vector<1000x64xf32>
      %add3A_52 = arith.addf %dot_general3A_47, %add3A_51 : vector<1000x64xf32>
      %max3A_53 = arith.constant 0.000000e+00 : f32
      %max3A_54 = vector.broadcast %max3A_53 : f32 to vector<1000x64xf32>
      %max3A_55 = arith.maximumf %add3A_52, %max3A_54 : vector<1000x64xf32>
      %mul3A_56 = arith.constant 1000 : i32
      %mul3A_57 = arith.muli %arg1, %mul3A_56 : i32
      %swap3A = arith.index_cast %mul3A_57 : i32 to index
      %swap3A_58 = arith.constant 0 : index
      %swap3A_59 = vector.load %arg14[%swap3A, %swap3A_58] : memref<10000x64xf32, #tpu.memory_space<vmem>>, vector<1000x64xf32>
      tpu.vector_store %arg14[%swap3A, %swap3A_58], %max3A_55 {strides = array<i32>} : memref<10000x64xf32, #tpu.memory_space<vmem>>, vector<1000x64xf32>,
    } else {
    }
    %eq3A_2 = arith.constant 1 : i32
    %eq3A_3 = arith.cmpi eq, %arg0, %eq3A_2 : i32
    %eq3A_4 = arith.constant 0 : i32
    %eq3A_5 = arith.cmpi eq, %arg1, %eq3A_4 : i32
    %and3A = arith.andi %eq3A_3, %eq3A_5 : i1
    %convert_element_type3A_6 = arith.extui %and3A : i1 to i32
    %cond3A_7 = arith.constant 0 : i32
    %cond3A_8 = arith.cmpi ne, %convert_element_type3A_6, %cond3A_7 : i32
    scf.if %cond3A_8 {
      %broadcast_in_dim3A = arith.constant 0.000000e+00 : f32
      %broadcast_in_dim3A_14 = vector.broadcast %broadcast_in_dim3A : f32 to vector<8x64xf32>
      %broadcast_in_dim3A_15 = arith.constant 0.000000e+00 : f32
      %broadcast_in_dim3A_16 = vector.broadcast %broadcast_in_dim3A_15 : f32 to vector<8x64xf32>
      %scan3A = arith.constant 0 : i32
      %scan3A_17 = arith.constant 1250 : i32
      %scan3A_18 = arith.addi %scan3A, %scan3A_17 : i32
      %scan3A_19 = arith.constant 1 : i32
      %scan3A_20:2 = scf.for %scan3A_108 = %scan3A to %scan3A_18 step %scan3A_19 iter_args(%scan3A_109 = %broadcast_in_dim3A_14, %scan3A_110 = %broadcast_in_dim3A_16) -> (vector<8x64xf32>, vector<8x64xf32>)  : i32 {
        %mul3A = arith.constant 8 : i32
        %mul3A_111 = arith.muli %scan3A_108, %mul3A : i32
        %get3A = arith.index_cast %mul3A_111 : i32 to index
        %get3A_112 = arith.constant 0 : index
        %get3A_113 = vector.load %arg14[%get3A, %get3A_112] : memref<10000x64xf32, #tpu.memory_space<vmem>>, vector<8x64xf32>
        %sub3A_114 = arith.subf %get3A_113, %scan3A_110 : vector<8x64xf32>
        %add3A_115 = arith.addf %scan3A_109, %sub3A_114 : vector<8x64xf32>
        %sub3A_116 = arith.subf %add3A_115, %scan3A_109 : vector<8x64xf32>
        %sub3A_117 = arith.subf %sub3A_116, %sub3A_114 : vector<8x64xf32>
        scf.yield %add3A_115, %sub3A_117 : vector<8x64xf32>, vector<8x64xf32>
      }
      %scan3A_21 = arith.constant 1250 : i32
      %slice3A = vector.extract_strided_slice %scan3A_20#0 {offsets = [0, 0], sizes = [1, 64], strides = [1, 1]} : vector<8x64xf32> to vector<1x64xf32>
      %broadcast_in_dim3A_22 = arith.constant 0.000000e+00 : f32
      %broadcast_in_dim3A_23 = vector.broadcast %broadcast_in_dim3A_22 : f32 to vector<1x64xf32>
      %slice3A_24 = vector.extract_strided_slice %scan3A_20#0 {offsets = [1, 0], sizes = [1, 64], strides = [1, 1]} : vector<8x64xf32> to vector<1x64xf32>
      %sub3A = arith.subf %slice3A_24, %broadcast_in_dim3A_23 : vector<1x64xf32>
      %add3A = arith.addf %slice3A, %sub3A : vector<1x64xf32>
      %sub3A_25 = arith.subf %add3A, %slice3A : vector<1x64xf32>
      %sub3A_26 = arith.subf %sub3A_25, %sub3A : vector<1x64xf32>
      %slice3A_27 = vector.extract_strided_slice %scan3A_20#0 {offsets = [2, 0], sizes = [1, 64], strides = [1, 1]} : vector<8x64xf32> to vector<1x64xf32>
      %sub3A_28 = arith.subf %slice3A_27, %sub3A_26 : vector<1x64xf32>
      %add3A_29 = arith.addf %add3A, %sub3A_28 : vector<1x64xf32>
      %sub3A_30 = arith.subf %add3A_29, %add3A : vector<1x64xf32>
      %sub3A_31 = arith.subf %sub3A_30, %sub3A_28 : vector<1x64xf32>
      %slice3A_32 = vector.extract_strided_slice %scan3A_20#0 {offsets = [3, 0], sizes = [1, 64], strides = [1, 1]} : vector<8x64xf32> to vector<1x64xf32>
      %sub3A_33 = arith.subf %slice3A_32, %sub3A_31 : vector<1x64xf32>
      %add3A_34 = arith.addf %add3A_29, %sub3A_33 : vector<1x64xf32>
      %sub3A_35 = arith.subf %add3A_34, %add3A_29 : vector<1x64xf32>
      %sub3A_36 = arith.subf %sub3A_35, %sub3A_33 : vector<1x64xf32>
      %slice3A_37 = vector.extract_strided_slice %scan3A_20#0 {offsets = [4, 0], sizes = [1, 64], strides = [1, 1]} : vector<8x64xf32> to vector<1x64xf32>
      %sub3A_38 = arith.subf %slice3A_37, %sub3A_36 : vector<1x64xf32>
      %add3A_39 = arith.addf %add3A_34, %sub3A_38 : vector<1x64xf32>
      %sub3A_40 = arith.subf %add3A_39, %add3A_34 : vector<1x64xf32>
      %sub3A_41 = arith.subf %sub3A_40, %sub3A_38 : vector<1x64xf32>
      %slice3A_42 = vector.extract_strided_slice %scan3A_20#0 {offsets = [5, 0], sizes = [1, 64], strides = [1, 1]} : vector<8x64xf32> to vector<1x64xf32>
      %sub3A_43 = arith.subf %slice3A_42, %sub3A_41 : vector<1x64xf32>
      %add3A_44 = arith.addf %add3A_39, %sub3A_43 : vector<1x64xf32>
      %sub3A_45 = arith.subf %add3A_44, %add3A_39 : vector<1x64xf32>
      %sub3A_46 = arith.subf %sub3A_45, %sub3A_43 : vector<1x64xf32>
      %slice3A_47 = vector.extract_strided_slice %scan3A_20#0 {offsets = [6, 0], sizes = [1, 64], strides = [1, 1]} : vector<8x64xf32> to vector<1x64xf32>
      %sub3A_48 = arith.subf %slice3A_47, %sub3A_46 : vector<1x64xf32>
      %add3A_49 = arith.addf %add3A_44, %sub3A_48 : vector<1x64xf32>
      %sub3A_50 = arith.subf %add3A_49, %add3A_44 : vector<1x64xf32>
      %sub3A_51 = arith.subf %sub3A_50, %sub3A_48 : vector<1x64xf32>
      %slice3A_52 = vector.extract_strided_slice %scan3A_20#0 {offsets = [7, 0], sizes = [1, 64], strides = [1, 1]} : vector<8x64xf32> to vector<1x64xf32>
      %sub3A_53 = arith.subf %slice3A_52, %sub3A_51 : vector<1x64xf32>
      %add3A_54 = arith.addf %add3A_49, %sub3A_53 : vector<1x64xf32>
      %swap3A = arith.constant 0 : index
      %swap3A_55 = arith.constant 0 : index
      %swap3A_56 = vector.load %arg15[%swap3A, %swap3A_55] : memref<1x64xf32, #tpu.memory_space<vmem>>, vector<1x64xf32>
      tpu.vector_store %arg15[%swap3A, %swap3A_55], %add3A_54 {strides = array<i32>} : memref<1x64xf32, #tpu.memory_space<vmem>>, vector<1x64xf32>,
      %div3A = arith.constant 1.000000e+04 : f32
      %div3A_57 = vector.broadcast %div3A : f32 to vector<1x64xf32>
      %div3A_58 = arith.divf %add3A_54, %div3A_57 : vector<1x64xf32>
      %broadcast_in_dim3A_59 = arith.constant 0.000000e+00 : f32
      %broadcast_in_dim3A_60 = vector.broadcast %broadcast_in_dim3A_59 : f32 to vector<8x64xf32>
      %broadcast_in_dim3A_61 = arith.constant 0.000000e+00 : f32
      %broadcast_in_dim3A_62 = vector.broadcast %broadcast_in_dim3A_61 : f32 to vector<8x64xf32>
      %scan3A_63 = arith.constant 0 : i32
      %scan3A_64 = arith.constant 1250 : i32
      %scan3A_65 = arith.addi %scan3A_63, %scan3A_64 : i32
      %scan3A_66 = arith.constant 1 : i32
      %scan3A_67:2 = scf.for %scan3A_108 = %scan3A_63 to %scan3A_65 step %scan3A_66 iter_args(%scan3A_109 = %broadcast_in_dim3A_60, %scan3A_110 = %broadcast_in_dim3A_62) -> (vector<8x64xf32>, vector<8x64xf32>)  : i32 {
        %mul3A = arith.constant 8 : i32
        %mul3A_111 = arith.muli %scan3A_108, %mul3A : i32
        %get3A = arith.index_cast %mul3A_111 : i32 to index
        %get3A_112 = arith.constant 0 : index
        %get3A_113 = vector.load %arg14[%get3A, %get3A_112] : memref<10000x64xf32, #tpu.memory_space<vmem>>, vector<8x64xf32>
        %sub3A_114 = vector.broadcast %div3A_58 : vector<1x64xf32> to vector<8x64xf32>
        %sub3A_115 = arith.subf %get3A_113, %sub3A_114 : vector<8x64xf32>
        %mul3A_116 = arith.mulf %sub3A_115, %sub3A_115 : vector<8x64xf32>
        %sub3A_117 = arith.subf %mul3A_116, %scan3A_110 : vector<8x64xf32>
        %add3A_118 = arith.addf %scan3A_109, %sub3A_117 : vector<8x64xf32>
        %sub3A_119 = arith.subf %add3A_118, %scan3A_109 : vector<8x64xf32>
        %sub3A_120 = arith.subf %sub3A_119, %sub3A_117 : vector<8x64xf32>
        scf.yield %add3A_118, %sub3A_120 : vector<8x64xf32>, vector<8x64xf32>
      }
      %scan3A_68 = arith.constant 1250 : i32
      %slice3A_69 = vector.extract_strided_slice %scan3A_67#0 {offsets = [0, 0], sizes = [1, 64], strides = [1, 1]} : vector<8x64xf32> to vector<1x64xf32>
      %broadcast_in_dim3A_70 = arith.constant 0.000000e+00 : f32
      %broadcast_in_dim3A_71 = vector.broadcast %broadcast_in_dim3A_70 : f32 to vector<1x64xf32>
      %slice3A_72 = vector.extract_strided_slice %scan3A_67#0 {offsets = [1, 0], sizes = [1, 64], strides = [1, 1]} : vector<8x64xf32> to vector<1x64xf32>
      %sub3A_73 = arith.subf %slice3A_72, %broadcast_in_dim3A_71 : vector<1x64xf32>
      %add3A_74 = arith.addf %slice3A_69, %sub3A_73 : vector<1x64xf32>
      %sub3A_75 = arith.subf %add3A_74, %slice3A_69 : vector<1x64xf32>
      %sub3A_76 = arith.subf %sub3A_75, %sub3A_73 : vector<1x64xf32>
      %slice3A_77 = vector.extract_strided_slice %scan3A_67#0 {offsets = [2, 0], sizes = [1, 64], strides = [1, 1]} : vector<8x64xf32> to vector<1x64xf32>
      %sub3A_78 = arith.subf %slice3A_77, %sub3A_76 : vector<1x64xf32>
      %add3A_79 = arith.addf %add3A_74, %sub3A_78 : vector<1x64xf32>
      %sub3A_80 = arith.subf %add3A_79, %add3A_74 : vector<1x64xf32>
      %sub3A_81 = arith.subf %sub3A_80, %sub3A_78 : vector<1x64xf32>
      %slice3A_82 = vector.extract_strided_slice %scan3A_67#0 {offsets = [3, 0], sizes = [1, 64], strides = [1, 1]} : vector<8x64xf32> to vector<1x64xf32>
      %sub3A_83 = arith.subf %slice3A_82, %sub3A_81 : vector<1x64xf32>
      %add3A_84 = arith.addf %add3A_79, %sub3A_83 : vector<1x64xf32>
      %sub3A_85 = arith.subf %add3A_84, %add3A_79 : vector<1x64xf32>
      %sub3A_86 = arith.subf %sub3A_85, %sub3A_83 : vector<1x64xf32>
      %slice3A_87 = vector.extract_strided_slice %scan3A_67#0 {offsets = [4, 0], sizes = [1, 64], strides = [1, 1]} : vector<8x64xf32> to vector<1x64xf32>
      %sub3A_88 = arith.subf %slice3A_87, %sub3A_86 : vector<1x64xf32>
      %add3A_89 = arith.addf %add3A_84, %sub3A_88 : vector<1x64xf32>
      %sub3A_90 = arith.subf %add3A_89, %add3A_84 : vector<1x64xf32>
      %sub3A_91 = arith.subf %sub3A_90, %sub3A_88 : vector<1x64xf32>
      %slice3A_92 = vector.extract_strided_slice %scan3A_67#0 {offsets = [5, 0], sizes = [1, 64], strides = [1, 1]} : vector<8x64xf32> to vector<1x64xf32>
      %sub3A_93 = arith.subf %slice3A_92, %sub3A_91 : vector<1x64xf32>
      %add3A_94 = arith.addf %add3A_89, %sub3A_93 : vector<1x64xf32>
      %sub3A_95 = arith.subf %add3A_94, %add3A_89 : vector<1x64xf32>
      %sub3A_96 = arith.subf %sub3A_95, %sub3A_93 : vector<1x64xf32>
      %slice3A_97 = vector.extract_strided_slice %scan3A_67#0 {offsets = [6, 0], sizes = [1, 64], strides = [1, 1]} : vector<8x64xf32> to vector<1x64xf32>
      %sub3A_98 = arith.subf %slice3A_97, %sub3A_96 : vector<1x64xf32>
      %add3A_99 = arith.addf %add3A_94, %sub3A_98 : vector<1x64xf32>
      %sub3A_100 = arith.subf %add3A_99, %add3A_94 : vector<1x64xf32>
      %sub3A_101 = arith.subf %sub3A_100, %sub3A_98 : vector<1x64xf32>
      %slice3A_102 = vector.extract_strided_slice %scan3A_67#0 {offsets = [7, 0], sizes = [1, 64], strides = [1, 1]} : vector<8x64xf32> to vector<1x64xf32>
      %sub3A_103 = arith.subf %slice3A_102, %sub3A_101 : vector<1x64xf32>
      %add3A_104 = arith.addf %add3A_99, %sub3A_103 : vector<1x64xf32>
      %swap3A_105 = arith.constant 0 : index
      %swap3A_106 = arith.constant 0 : index
      %swap3A_107 = vector.load %arg16[%swap3A_105, %swap3A_106] : memref<1x64xf32, #tpu.memory_space<vmem>>, vector<1x64xf32>
      tpu.vector_store %arg16[%swap3A_105, %swap3A_106], %add3A_104 {strides = array<i32>} : memref<1x64xf32, #tpu.memory_space<vmem>>, vector<1x64xf32>,
    } else {
    }
    %eq3A_9 = arith.constant 2 : i32
    %eq3A_10 = arith.cmpi eq, %arg0, %eq3A_9 : i32
    %convert_element_type3A_11 = arith.extui %eq3A_10 : i1 to i32
    %cond3A_12 = arith.constant 0 : i32
    %cond3A_13 = arith.cmpi ne, %convert_element_type3A_11, %cond3A_12 : i32
    scf.if %cond3A_13 {
      %get3A = arith.constant 0 : index
      %get3A_14 = arith.constant 0 : index
      %get3A_15 = vector.load %arg15[%get3A, %get3A_14] : memref<1x64xf32, #tpu.memory_space<vmem>>, vector<1x64xf32>
      %div3A = arith.constant 1.000000e+04 : f32
      %div3A_16 = vector.broadcast %div3A : f32 to vector<1x64xf32>
      %div3A_17 = arith.divf %get3A_15, %div3A_16 : vector<1x64xf32>
      %get3A_18 = arith.constant 0 : index
      %get3A_19 = arith.constant 0 : index
      %get3A_20 = vector.load %arg16[%get3A_18, %get3A_19] : memref<1x64xf32, #tpu.memory_space<vmem>>, vector<1x64xf32>
      %div3A_21 = arith.constant 1.000000e+04 : f32
      %div3A_22 = vector.broadcast %div3A_21 : f32 to vector<1x64xf32>
      %div3A_23 = arith.divf %get3A_20, %div3A_22 : vector<1x64xf32>
      %mul3A = arith.constant 1000 : i32
      %mul3A_24 = arith.muli %arg1, %mul3A : i32
      %get3A_25 = arith.index_cast %mul3A_24 : i32 to index
      %get3A_26 = arith.constant 0 : index
      %get3A_27 = vector.load %arg14[%get3A_25, %get3A_26] : memref<10000x64xf32, #tpu.memory_space<vmem>>, vector<1000x64xf32>
      %sub3A = vector.broadcast %div3A_17 : vector<1x64xf32> to vector<1000x64xf32>
      %sub3A_28 = arith.subf %get3A_27, %sub3A : vector<1000x64xf32>
      %add3A = arith.constant 9.99999974E-6 : f32
      %add3A_29 = vector.broadcast %add3A : f32 to vector<1x64xf32>
      %add3A_30 = arith.addf %div3A_23, %add3A_29 : vector<1x64xf32>
      %sqrt3A = math.sqrt %add3A_30 : vector<1x64xf32>
      %div3A_31 = vector.broadcast %sqrt3A : vector<1x64xf32> to vector<1000x64xf32>
      %div3A_32 = arith.divf %sub3A_28, %div3A_31 : vector<1000x64xf32>
      %get3A_33 = arith.constant 0 : index
      %get3A_34 = arith.constant 0 : index
      %get3A_35 = vector.load %arg9[%get3A_33, %get3A_34] : memref<1x64xf32, #tpu.memory_space<vmem>>, vector<1x64xf32>
      %mul3A_36 = vector.broadcast %get3A_35 : vector<1x64xf32> to vector<1000x64xf32>
      %mul3A_37 = arith.mulf %div3A_32, %mul3A_36 : vector<1000x64xf32>
      %get3A_38 = arith.constant 0 : index
      %get3A_39 = arith.constant 0 : index
      %get3A_40 = vector.load %arg10[%get3A_38, %get3A_39] : memref<1x64xf32, #tpu.memory_space<vmem>>, vector<1x64xf32>
      %add3A_41 = vector.broadcast %get3A_40 : vector<1x64xf32> to vector<1000x64xf32>
      %add3A_42 = arith.addf %mul3A_37, %add3A_41 : vector<1000x64xf32>
      %max3A = arith.constant 0.000000e+00 : f32
      %max3A_43 = vector.broadcast %max3A : f32 to vector<1000x64xf32>
      %max3A_44 = arith.maximumf %add3A_42, %max3A_43 : vector<1000x64xf32>
      %swap3A = arith.constant 0 : index
      %swap3A_45 = arith.constant 0 : index
      %swap3A_46 = vector.load %arg13[%swap3A, %swap3A_45] : memref<1000x64xf32, #tpu.memory_space<vmem>>, vector<1000x64xf32>
      tpu.vector_store %arg13[%swap3A, %swap3A_45], %max3A_44 {strides = array<i32>} : memref<1000x64xf32, #tpu.memory_space<vmem>>, vector<1000x64xf32>,
    } else {
    }
    return
  }
  func.func @transform_0(%arg0: i32, %arg1: i32) -> i32 {
    %c0_i32 = arith.constant 0 : i32
    %c0_i32_0 = arith.constant 0 : i32
    return %c0_i32 : i32
  }
  func.func @transform_1(%arg0: i32, %arg1: i32) -> (i32, i32) {
    %eq3A = arith.constant 0 : i32
    %eq3A_0 = arith.cmpi eq, %arg0, %eq3A : i32
    %jit3A = arith.constant 0 : i32
    %select_n3A = arith.select %eq3A_0, %arg1, %jit3A : i32
    %c0_i32 = arith.constant 0 : i32
    %c0_i32_1 = arith.constant 0 : i32
    return %select_n3A, %c0_i32 : i32, i32
  }
  func.func @transform_2(%arg0: i32, %arg1: i32) -> (i32, i32, i32) {
    %eq3A = arith.constant 0 : i32
    %eq3A_0 = arith.cmpi eq, %arg0, %eq3A : i32
    %jit3A = arith.constant 0 : i32
    %select_n3A = arith.select %eq3A_0, %arg1, %jit3A : i32
    %c0_i32 = arith.constant 0 : i32
    %c0_i32_1 = arith.constant 0 : i32
    %c0_i32_2 = arith.constant 0 : i32
    return %c0_i32, %select_n3A, %c0_i32_1 : i32, i32, i32
  }
  func.func @transform_3(%arg0: i32, %arg1: i32) -> (i32, i32) {
    %c0_i32 = arith.constant 0 : i32
    %c0_i32_0 = arith.constant 0 : i32
    %c0_i32_1 = arith.constant 0 : i32
    return %c0_i32, %c0_i32_0 : i32, i32
  }
  func.func @transform_4(%arg0: i32, %arg1: i32) -> (i32, i32) {
    %c0_i32 = arith.constant 0 : i32
    %c0_i32_0 = arith.constant 0 : i32
    %c0_i32_1 = arith.constant 0 : i32
    return %c0_i32, %c0_i32_0 : i32, i32
  }
  func.func @transform_5(%arg0: i32, %arg1: i32) -> (i32, i32) {
    %c0_i32 = arith.constant 0 : i32
    %c0_i32_0 = arith.constant 0 : i32
    %c0_i32_1 = arith.constant 0 : i32
    return %c0_i32, %c0_i32_0 : i32, i32
  }
  func.func @transform_6(%arg0: i32, %arg1: i32) -> (i32, i32) {
    %c0_i32 = arith.constant 0 : i32
    %c0_i32_0 = arith.constant 0 : i32
    %c0_i32_1 = arith.constant 0 : i32
    return %c0_i32, %c0_i32_0 : i32, i32
  }
  func.func @transform_7(%arg0: i32, %arg1: i32) -> (i32, i32) {
    %c0_i32 = arith.constant 0 : i32
    %c0_i32_0 = arith.constant 0 : i32
    %c0_i32_1 = arith.constant 0 : i32
    return %c0_i32, %c0_i32_0 : i32, i32
  }
  func.func @transform_8(%arg0: i32, %arg1: i32) -> (i32, i32) {
    %c0_i32 = arith.constant 0 : i32
    %c0_i32_0 = arith.constant 0 : i32
    %c0_i32_1 = arith.constant 0 : i32
    return %c0_i32, %c0_i32_0 : i32, i32
  }
  func.func @transform_9(%arg0: i32, %arg1: i32) -> (i32, i32) {
    %c0_i32 = arith.constant 0 : i32
    %c0_i32_0 = arith.constant 0 : i32
    %c0_i32_1 = arith.constant 0 : i32
    return %c0_i32, %c0_i32_0 : i32, i32
  }
  func.func @transform_10(%arg0: i32, %arg1: i32) -> (i32, i32) {
    %c0_i32 = arith.constant 0 : i32
    %c0_i32_0 = arith.constant 0 : i32
    %c0_i32_1 = arith.constant 0 : i32
    return %c0_i32, %c0_i32_0 : i32, i32
  }
  func.func @transform_11(%arg0: i32, %arg1: i32) -> (i32, i32) {
    %eq3A = arith.constant 2 : i32
    %eq3A_0 = arith.cmpi eq, %arg0, %eq3A : i32
    %jit3A = arith.constant 0 : i32
    %select_n3A = arith.select %eq3A_0, %arg1, %jit3A : i32
    %c0_i32 = arith.constant 0 : i32
    %c0_i32_1 = arith.constant 0 : i32
    return %select_n3A, %c0_i32 : i32, i32
  }
}

module attributes {stable_mosaic.version = 14 : i64} {
  func.func @_layer_body(%arg0: i32, %arg1: i32, %arg2: memref<1xf32, #tpu.memory_space<smem>>, %arg3: memref<1000x64xf32, #tpu.memory_space<vmem>>, %arg4: memref<2x1000x64xf32, #tpu.memory_space<vmem>>, %arg5: memref<64x64xf32, #tpu.memory_space<vmem>>, %arg6: memref<1x64xf32, #tpu.memory_space<vmem>>, %arg7: memref<64x64xf32, #tpu.memory_space<vmem>>, %arg8: memref<1x64xf32, #tpu.memory_space<vmem>>, %arg9: memref<1x64xf32, #tpu.memory_space<vmem>>, %arg10: memref<1x64xf32, #tpu.memory_space<vmem>>, %arg11: memref<64x1xf32, #tpu.memory_space<vmem>>, %arg12: memref<1x1xf32, #tpu.memory_space<vmem>>, %arg13: memref<1000x1xf32, #tpu.memory_space<vmem>>, %arg14: memref<10000x64xf32, #tpu.memory_space<vmem>>, %arg15: memref<1x64xf32, #tpu.memory_space<vmem>>, %arg16: memref<1x64xf32, #tpu.memory_space<vmem>>) attributes {dimension_semantics = [#tpu.dimension_semantics<arbitrary>, #tpu.dimension_semantics<arbitrary>], iteration_bounds = array<i64: 3, 10>, scalar_prefetch = 0 : i64, scratch_operands = 3 : i64, tpu.core_type = #tpu.core_type<tc>, window_params = [{transform_indices = @transform_0, window_bounds = array<i64: 1>}, {transform_indices = @transform_1, window_bounds = array<i64: 1000, 64>}, {transform_indices = @transform_2, window_bounds = array<i64: 2, 1000, 64>}, {pipeline_mode = #tpu.pipeline_mode<synchronous>, transform_indices = @transform_3, window_bounds = array<i64: 64, 64>}, {pipeline_mode = #tpu.pipeline_mode<synchronous>, transform_indices = @transform_4, window_bounds = array<i64: 1, 64>}, {pipeline_mode = #tpu.pipeline_mode<synchronous>, transform_indices = @transform_5, window_bounds = array<i64: 64, 64>}, {pipeline_mode = #tpu.pipeline_mode<synchronous>, transform_indices = @transform_6, window_bounds = array<i64: 1, 64>}, {pipeline_mode = #tpu.pipeline_mode<synchronous>, transform_indices = @transform_7, window_bounds = array<i64: 1, 64>}, {pipeline_mode = #tpu.pipeline_mode<synchronous>, transform_indices = @transform_8, window_bounds = array<i64: 1, 64>}, {pipeline_mode = #tpu.pipeline_mode<synchronous>, transform_indices = @transform_9, window_bounds = array<i64: 64, 1>}, {pipeline_mode = #tpu.pipeline_mode<synchronous>, transform_indices = @transform_10, window_bounds = array<i64: 1, 1>}, {transform_indices = @transform_11, window_bounds = array<i64: 1000, 1>}]} {
    %eq3A = arith.constant 0 : i32
    %eq3A_0 = arith.cmpi eq, %arg0, %eq3A : i32
    %convert_element_type3A = arith.extui %eq3A_0 : i1 to i32
    %cond3A = arith.constant 0 : i32
    %cond3A_1 = arith.cmpi ne, %convert_element_type3A, %cond3A : i32
    scf.if %cond3A_1 {
      %get3A = arith.constant 0 : index
      %get3A_14 = arith.constant 0 : index
      %get3A_15 = arith.constant 0 : index
      %get3A_16 = vector.load %arg4[%get3A, %get3A_14, %get3A_15] : memref<2x1000x64xf32, #tpu.memory_space<vmem>>, vector<1x1000x64xf32>
      %get3A_17 = vector.shape_cast %get3A_16 : vector<1x1000x64xf32> to vector<1000x64xf32>
      %get3A_18 = arith.constant 1 : index
      %get3A_19 = arith.constant 0 : index
      %get3A_20 = arith.constant 0 : index
      %get3A_21 = vector.load %arg4[%get3A_18, %get3A_19, %get3A_20] : memref<2x1000x64xf32, #tpu.memory_space<vmem>>, vector<1x1000x64xf32>
      %get3A_22 = vector.shape_cast %get3A_21 : vector<1x1000x64xf32> to vector<1000x64xf32>
      %add3A = arith.addf %get3A_17, %get3A_22 : vector<1000x64xf32>
      %get3A_23 = arith.constant 0 : index
      %get3A_24 = memref.load %arg2[%get3A_23] : memref<1xf32, #tpu.memory_space<smem>>
      %add3A_25 = arith.constant 1.000000e+00 : f32
      %add3A_26 = arith.addf %add3A_25, %get3A_24 : f32
      %get3A_27 = arith.constant 0 : index
      %get3A_28 = arith.constant 0 : index
      %get3A_29 = vector.load %arg3[%get3A_27, %get3A_28] : memref<1000x64xf32, #tpu.memory_space<vmem>>, vector<1000x64xf32>
      %mul3A = vector.broadcast %add3A_26 : f32 to vector<1000x64xf32>
      %mul3A_30 = arith.mulf %mul3A, %get3A_29 : vector<1000x64xf32>
      %add3A_31 = arith.addf %mul3A_30, %add3A : vector<1000x64xf32>
      %get3A_32 = arith.constant 0 : index
      %get3A_33 = arith.constant 0 : index
      %get3A_34 = vector.load %arg5[%get3A_32, %get3A_33] : memref<64x64xf32, #tpu.memory_space<vmem>>, vector<64x64xf32>
      %dot_general3A = arith.constant dense<0.000000e+00> : vector<1000x64xf32>
      %dot_general3A_35 = tpu.matmul %add3A_31, %get3A_34, %dot_general3A {dimension_numbers = #tpu.dot_dimension_numbers<[1], [0], [0], [1], [0, 0, 1, 1], [], []>, transpose_lhs_hint = false} : vector<1000x64xf32>, vector<64x64xf32>, vector<1000x64xf32> -> vector<1000x64xf32>
      %get3A_36 = arith.constant 0 : index
      %get3A_37 = arith.constant 0 : index
      %get3A_38 = vector.load %arg6[%get3A_36, %get3A_37] : memref<1x64xf32, #tpu.memory_space<vmem>>, vector<1x64xf32>
      %add3A_39 = vector.broadcast %get3A_38 : vector<1x64xf32> to vector<1000x64xf32>
      %add3A_40 = arith.addf %dot_general3A_35, %add3A_39 : vector<1000x64xf32>
      %max3A = arith.constant 0.000000e+00 : f32
      %max3A_41 = vector.broadcast %max3A : f32 to vector<1000x64xf32>
      %max3A_42 = arith.maximumf %add3A_40, %max3A_41 : vector<1000x64xf32>
      %get3A_43 = arith.constant 0 : index
      %get3A_44 = arith.constant 0 : index
      %get3A_45 = vector.load %arg7[%get3A_43, %get3A_44] : memref<64x64xf32, #tpu.memory_space<vmem>>, vector<64x64xf32>
      %dot_general3A_46 = arith.constant dense<0.000000e+00> : vector<1000x64xf32>
      %dot_general3A_47 = tpu.matmul %max3A_42, %get3A_45, %dot_general3A_46 {dimension_numbers = #tpu.dot_dimension_numbers<[1], [0], [0], [1], [0, 0, 1, 1], [], []>, transpose_lhs_hint = false} : vector<1000x64xf32>, vector<64x64xf32>, vector<1000x64xf32> -> vector<1000x64xf32>
      %get3A_48 = arith.constant 0 : index
      %get3A_49 = arith.constant 0 : index
      %get3A_50 = vector.load %arg8[%get3A_48, %get3A_49] : memref<1x64xf32, #tpu.memory_space<vmem>>, vector<1x64xf32>
      %add3A_51 = vector.broadcast %get3A_50 : vector<1x64xf32> to vector<1000x64xf32>
      %add3A_52 = arith.addf %dot_general3A_47, %add3A_51 : vector<1000x64xf32>
      %max3A_53 = arith.constant 0.000000e+00 : f32
      %max3A_54 = vector.broadcast %max3A_53 : f32 to vector<1000x64xf32>
      %max3A_55 = arith.maximumf %add3A_52, %max3A_54 : vector<1000x64xf32>
      %mul3A_56 = arith.constant 1000 : i32
      %mul3A_57 = arith.muli %arg1, %mul3A_56 : i32
      %swap3A = arith.index_cast %mul3A_57 : i32 to index
      %swap3A_58 = arith.constant 0 : index
      %swap3A_59 = vector.load %arg14[%swap3A, %swap3A_58] : memref<10000x64xf32, #tpu.memory_space<vmem>>, vector<1000x64xf32>
      tpu.vector_store %arg14[%swap3A, %swap3A_58], %max3A_55 {strides = array<i32>} : memref<10000x64xf32, #tpu.memory_space<vmem>>, vector<1000x64xf32>,
    } else {
    }
    %eq3A_2 = arith.constant 1 : i32
    %eq3A_3 = arith.cmpi eq, %arg0, %eq3A_2 : i32
    %eq3A_4 = arith.constant 0 : i32
    %eq3A_5 = arith.cmpi eq, %arg1, %eq3A_4 : i32
    %and3A = arith.andi %eq3A_3, %eq3A_5 : i1
    %convert_element_type3A_6 = arith.extui %and3A : i1 to i32
    %cond3A_7 = arith.constant 0 : i32
    %cond3A_8 = arith.cmpi ne, %convert_element_type3A_6, %cond3A_7 : i32
    scf.if %cond3A_8 {
      %broadcast_in_dim3A = arith.constant 0.000000e+00 : f32
      %broadcast_in_dim3A_14 = vector.broadcast %broadcast_in_dim3A : f32 to vector<8x64xf32>
      %broadcast_in_dim3A_15 = arith.constant 0.000000e+00 : f32
      %broadcast_in_dim3A_16 = vector.broadcast %broadcast_in_dim3A_15 : f32 to vector<8x64xf32>
      %scan3A = arith.constant 0 : i32
      %scan3A_17 = arith.constant 1250 : i32
      %scan3A_18 = arith.addi %scan3A, %scan3A_17 : i32
      %scan3A_19 = arith.constant 1 : i32
      %scan3A_20:2 = scf.for %scan3A_108 = %scan3A to %scan3A_18 step %scan3A_19 iter_args(%scan3A_109 = %broadcast_in_dim3A_14, %scan3A_110 = %broadcast_in_dim3A_16) -> (vector<8x64xf32>, vector<8x64xf32>)  : i32 {
        %mul3A = arith.constant 8 : i32
        %mul3A_111 = arith.muli %scan3A_108, %mul3A : i32
        %get3A = arith.index_cast %mul3A_111 : i32 to index
        %get3A_112 = arith.constant 0 : index
        %get3A_113 = vector.load %arg14[%get3A, %get3A_112] : memref<10000x64xf32, #tpu.memory_space<vmem>>, vector<8x64xf32>
        %sub3A_114 = arith.subf %get3A_113, %scan3A_110 : vector<8x64xf32>
        %add3A_115 = arith.addf %scan3A_109, %sub3A_114 : vector<8x64xf32>
        %sub3A_116 = arith.subf %add3A_115, %scan3A_109 : vector<8x64xf32>
        %sub3A_117 = arith.subf %sub3A_116, %sub3A_114 : vector<8x64xf32>
        scf.yield %add3A_115, %sub3A_117 : vector<8x64xf32>, vector<8x64xf32>
      }
      %scan3A_21 = arith.constant 1250 : i32
      %slice3A = vector.extract_strided_slice %scan3A_20#0 {offsets = [0, 0], sizes = [1, 64], strides = [1, 1]} : vector<8x64xf32> to vector<1x64xf32>
      %broadcast_in_dim3A_22 = arith.constant 0.000000e+00 : f32
      %broadcast_in_dim3A_23 = vector.broadcast %broadcast_in_dim3A_22 : f32 to vector<1x64xf32>
      %slice3A_24 = vector.extract_strided_slice %scan3A_20#0 {offsets = [1, 0], sizes = [1, 64], strides = [1, 1]} : vector<8x64xf32> to vector<1x64xf32>
      %sub3A = arith.subf %slice3A_24, %broadcast_in_dim3A_23 : vector<1x64xf32>
      %add3A = arith.addf %slice3A, %sub3A : vector<1x64xf32>
      %sub3A_25 = arith.subf %add3A, %slice3A : vector<1x64xf32>
      %sub3A_26 = arith.subf %sub3A_25, %sub3A : vector<1x64xf32>
      %slice3A_27 = vector.extract_strided_slice %scan3A_20#0 {offsets = [2, 0], sizes = [1, 64], strides = [1, 1]} : vector<8x64xf32> to vector<1x64xf32>
      %sub3A_28 = arith.subf %slice3A_27, %sub3A_26 : vector<1x64xf32>
      %add3A_29 = arith.addf %add3A, %sub3A_28 : vector<1x64xf32>
      %sub3A_30 = arith.subf %add3A_29, %add3A : vector<1x64xf32>
      %sub3A_31 = arith.subf %sub3A_30, %sub3A_28 : vector<1x64xf32>
      %slice3A_32 = vector.extract_strided_slice %scan3A_20#0 {offsets = [3, 0], sizes = [1, 64], strides = [1, 1]} : vector<8x64xf32> to vector<1x64xf32>
      %sub3A_33 = arith.subf %slice3A_32, %sub3A_31 : vector<1x64xf32>
      %add3A_34 = arith.addf %add3A_29, %sub3A_33 : vector<1x64xf32>
      %sub3A_35 = arith.subf %add3A_34, %add3A_29 : vector<1x64xf32>
      %sub3A_36 = arith.subf %sub3A_35, %sub3A_33 : vector<1x64xf32>
      %slice3A_37 = vector.extract_strided_slice %scan3A_20#0 {offsets = [4, 0], sizes = [1, 64], strides = [1, 1]} : vector<8x64xf32> to vector<1x64xf32>
      %sub3A_38 = arith.subf %slice3A_37, %sub3A_36 : vector<1x64xf32>
      %add3A_39 = arith.addf %add3A_34, %sub3A_38 : vector<1x64xf32>
      %sub3A_40 = arith.subf %add3A_39, %add3A_34 : vector<1x64xf32>
      %sub3A_41 = arith.subf %sub3A_40, %sub3A_38 : vector<1x64xf32>
      %slice3A_42 = vector.extract_strided_slice %scan3A_20#0 {offsets = [5, 0], sizes = [1, 64], strides = [1, 1]} : vector<8x64xf32> to vector<1x64xf32>
      %sub3A_43 = arith.subf %slice3A_42, %sub3A_41 : vector<1x64xf32>
      %add3A_44 = arith.addf %add3A_39, %sub3A_43 : vector<1x64xf32>
      %sub3A_45 = arith.subf %add3A_44, %add3A_39 : vector<1x64xf32>
      %sub3A_46 = arith.subf %sub3A_45, %sub3A_43 : vector<1x64xf32>
      %slice3A_47 = vector.extract_strided_slice %scan3A_20#0 {offsets = [6, 0], sizes = [1, 64], strides = [1, 1]} : vector<8x64xf32> to vector<1x64xf32>
      %sub3A_48 = arith.subf %slice3A_47, %sub3A_46 : vector<1x64xf32>
      %add3A_49 = arith.addf %add3A_44, %sub3A_48 : vector<1x64xf32>
      %sub3A_50 = arith.subf %add3A_49, %add3A_44 : vector<1x64xf32>
      %sub3A_51 = arith.subf %sub3A_50, %sub3A_48 : vector<1x64xf32>
      %slice3A_52 = vector.extract_strided_slice %scan3A_20#0 {offsets = [7, 0], sizes = [1, 64], strides = [1, 1]} : vector<8x64xf32> to vector<1x64xf32>
      %sub3A_53 = arith.subf %slice3A_52, %sub3A_51 : vector<1x64xf32>
      %add3A_54 = arith.addf %add3A_49, %sub3A_53 : vector<1x64xf32>
      %swap3A = arith.constant 0 : index
      %swap3A_55 = arith.constant 0 : index
      %swap3A_56 = vector.load %arg15[%swap3A, %swap3A_55] : memref<1x64xf32, #tpu.memory_space<vmem>>, vector<1x64xf32>
      tpu.vector_store %arg15[%swap3A, %swap3A_55], %add3A_54 {strides = array<i32>} : memref<1x64xf32, #tpu.memory_space<vmem>>, vector<1x64xf32>,
      %div3A = arith.constant 1.000000e+04 : f32
      %div3A_57 = vector.broadcast %div3A : f32 to vector<1x64xf32>
      %div3A_58 = arith.divf %add3A_54, %div3A_57 : vector<1x64xf32>
      %broadcast_in_dim3A_59 = arith.constant 0.000000e+00 : f32
      %broadcast_in_dim3A_60 = vector.broadcast %broadcast_in_dim3A_59 : f32 to vector<8x64xf32>
      %broadcast_in_dim3A_61 = arith.constant 0.000000e+00 : f32
      %broadcast_in_dim3A_62 = vector.broadcast %broadcast_in_dim3A_61 : f32 to vector<8x64xf32>
      %scan3A_63 = arith.constant 0 : i32
      %scan3A_64 = arith.constant 1250 : i32
      %scan3A_65 = arith.addi %scan3A_63, %scan3A_64 : i32
      %scan3A_66 = arith.constant 1 : i32
      %scan3A_67:2 = scf.for %scan3A_108 = %scan3A_63 to %scan3A_65 step %scan3A_66 iter_args(%scan3A_109 = %broadcast_in_dim3A_60, %scan3A_110 = %broadcast_in_dim3A_62) -> (vector<8x64xf32>, vector<8x64xf32>)  : i32 {
        %mul3A = arith.constant 8 : i32
        %mul3A_111 = arith.muli %scan3A_108, %mul3A : i32
        %get3A = arith.index_cast %mul3A_111 : i32 to index
        %get3A_112 = arith.constant 0 : index
        %get3A_113 = vector.load %arg14[%get3A, %get3A_112] : memref<10000x64xf32, #tpu.memory_space<vmem>>, vector<8x64xf32>
        %sub3A_114 = vector.broadcast %div3A_58 : vector<1x64xf32> to vector<8x64xf32>
        %sub3A_115 = arith.subf %get3A_113, %sub3A_114 : vector<8x64xf32>
        %mul3A_116 = arith.mulf %sub3A_115, %sub3A_115 : vector<8x64xf32>
        %sub3A_117 = arith.subf %mul3A_116, %scan3A_110 : vector<8x64xf32>
        %add3A_118 = arith.addf %scan3A_109, %sub3A_117 : vector<8x64xf32>
        %sub3A_119 = arith.subf %add3A_118, %scan3A_109 : vector<8x64xf32>
        %sub3A_120 = arith.subf %sub3A_119, %sub3A_117 : vector<8x64xf32>
        scf.yield %add3A_118, %sub3A_120 : vector<8x64xf32>, vector<8x64xf32>
      }
      %scan3A_68 = arith.constant 1250 : i32
      %slice3A_69 = vector.extract_strided_slice %scan3A_67#0 {offsets = [0, 0], sizes = [1, 64], strides = [1, 1]} : vector<8x64xf32> to vector<1x64xf32>
      %broadcast_in_dim3A_70 = arith.constant 0.000000e+00 : f32
      %broadcast_in_dim3A_71 = vector.broadcast %broadcast_in_dim3A_70 : f32 to vector<1x64xf32>
      %slice3A_72 = vector.extract_strided_slice %scan3A_67#0 {offsets = [1, 0], sizes = [1, 64], strides = [1, 1]} : vector<8x64xf32> to vector<1x64xf32>
      %sub3A_73 = arith.subf %slice3A_72, %broadcast_in_dim3A_71 : vector<1x64xf32>
      %add3A_74 = arith.addf %slice3A_69, %sub3A_73 : vector<1x64xf32>
      %sub3A_75 = arith.subf %add3A_74, %slice3A_69 : vector<1x64xf32>
      %sub3A_76 = arith.subf %sub3A_75, %sub3A_73 : vector<1x64xf32>
      %slice3A_77 = vector.extract_strided_slice %scan3A_67#0 {offsets = [2, 0], sizes = [1, 64], strides = [1, 1]} : vector<8x64xf32> to vector<1x64xf32>
      %sub3A_78 = arith.subf %slice3A_77, %sub3A_76 : vector<1x64xf32>
      %add3A_79 = arith.addf %add3A_74, %sub3A_78 : vector<1x64xf32>
      %sub3A_80 = arith.subf %add3A_79, %add3A_74 : vector<1x64xf32>
      %sub3A_81 = arith.subf %sub3A_80, %sub3A_78 : vector<1x64xf32>
      %slice3A_82 = vector.extract_strided_slice %scan3A_67#0 {offsets = [3, 0], sizes = [1, 64], strides = [1, 1]} : vector<8x64xf32> to vector<1x64xf32>
      %sub3A_83 = arith.subf %slice3A_82, %sub3A_81 : vector<1x64xf32>
      %add3A_84 = arith.addf %add3A_79, %sub3A_83 : vector<1x64xf32>
      %sub3A_85 = arith.subf %add3A_84, %add3A_79 : vector<1x64xf32>
      %sub3A_86 = arith.subf %sub3A_85, %sub3A_83 : vector<1x64xf32>
      %slice3A_87 = vector.extract_strided_slice %scan3A_67#0 {offsets = [4, 0], sizes = [1, 64], strides = [1, 1]} : vector<8x64xf32> to vector<1x64xf32>
      %sub3A_88 = arith.subf %slice3A_87, %sub3A_86 : vector<1x64xf32>
      %add3A_89 = arith.addf %add3A_84, %sub3A_88 : vector<1x64xf32>
      %sub3A_90 = arith.subf %add3A_89, %add3A_84 : vector<1x64xf32>
      %sub3A_91 = arith.subf %sub3A_90, %sub3A_88 : vector<1x64xf32>
      %slice3A_92 = vector.extract_strided_slice %scan3A_67#0 {offsets = [5, 0], sizes = [1, 64], strides = [1, 1]} : vector<8x64xf32> to vector<1x64xf32>
      %sub3A_93 = arith.subf %slice3A_92, %sub3A_91 : vector<1x64xf32>
      %add3A_94 = arith.addf %add3A_89, %sub3A_93 : vector<1x64xf32>
      %sub3A_95 = arith.subf %add3A_94, %add3A_89 : vector<1x64xf32>
      %sub3A_96 = arith.subf %sub3A_95, %sub3A_93 : vector<1x64xf32>
      %slice3A_97 = vector.extract_strided_slice %scan3A_67#0 {offsets = [6, 0], sizes = [1, 64], strides = [1, 1]} : vector<8x64xf32> to vector<1x64xf32>
      %sub3A_98 = arith.subf %slice3A_97, %sub3A_96 : vector<1x64xf32>
      %add3A_99 = arith.addf %add3A_94, %sub3A_98 : vector<1x64xf32>
      %sub3A_100 = arith.subf %add3A_99, %add3A_94 : vector<1x64xf32>
      %sub3A_101 = arith.subf %sub3A_100, %sub3A_98 : vector<1x64xf32>
      %slice3A_102 = vector.extract_strided_slice %scan3A_67#0 {offsets = [7, 0], sizes = [1, 64], strides = [1, 1]} : vector<8x64xf32> to vector<1x64xf32>
      %sub3A_103 = arith.subf %slice3A_102, %sub3A_101 : vector<1x64xf32>
      %add3A_104 = arith.addf %add3A_99, %sub3A_103 : vector<1x64xf32>
      %swap3A_105 = arith.constant 0 : index
      %swap3A_106 = arith.constant 0 : index
      %swap3A_107 = vector.load %arg16[%swap3A_105, %swap3A_106] : memref<1x64xf32, #tpu.memory_space<vmem>>, vector<1x64xf32>
      tpu.vector_store %arg16[%swap3A_105, %swap3A_106], %add3A_104 {strides = array<i32>} : memref<1x64xf32, #tpu.memory_space<vmem>>, vector<1x64xf32>,
    } else {
    }
    %eq3A_9 = arith.constant 2 : i32
    %eq3A_10 = arith.cmpi eq, %arg0, %eq3A_9 : i32
    %convert_element_type3A_11 = arith.extui %eq3A_10 : i1 to i32
    %cond3A_12 = arith.constant 0 : i32
    %cond3A_13 = arith.cmpi ne, %convert_element_type3A_11, %cond3A_12 : i32
    scf.if %cond3A_13 {
      %get3A = arith.constant 0 : index
      %get3A_14 = arith.constant 0 : index
      %get3A_15 = vector.load %arg15[%get3A, %get3A_14] : memref<1x64xf32, #tpu.memory_space<vmem>>, vector<1x64xf32>
      %div3A = arith.constant 1.000000e+04 : f32
      %div3A_16 = vector.broadcast %div3A : f32 to vector<1x64xf32>
      %div3A_17 = arith.divf %get3A_15, %div3A_16 : vector<1x64xf32>
      %get3A_18 = arith.constant 0 : index
      %get3A_19 = arith.constant 0 : index
      %get3A_20 = vector.load %arg16[%get3A_18, %get3A_19] : memref<1x64xf32, #tpu.memory_space<vmem>>, vector<1x64xf32>
      %div3A_21 = arith.constant 1.000000e+04 : f32
      %div3A_22 = vector.broadcast %div3A_21 : f32 to vector<1x64xf32>
      %div3A_23 = arith.divf %get3A_20, %div3A_22 : vector<1x64xf32>
      %mul3A = arith.constant 1000 : i32
      %mul3A_24 = arith.muli %arg1, %mul3A : i32
      %get3A_25 = arith.index_cast %mul3A_24 : i32 to index
      %get3A_26 = arith.constant 0 : index
      %get3A_27 = vector.load %arg14[%get3A_25, %get3A_26] : memref<10000x64xf32, #tpu.memory_space<vmem>>, vector<1000x64xf32>
      %sub3A = vector.broadcast %div3A_17 : vector<1x64xf32> to vector<1000x64xf32>
      %sub3A_28 = arith.subf %get3A_27, %sub3A : vector<1000x64xf32>
      %add3A = arith.constant 9.99999974E-6 : f32
      %add3A_29 = vector.broadcast %add3A : f32 to vector<1x64xf32>
      %add3A_30 = arith.addf %div3A_23, %add3A_29 : vector<1x64xf32>
      %sqrt3A = math.sqrt %add3A_30 : vector<1x64xf32>
      %div3A_31 = vector.broadcast %sqrt3A : vector<1x64xf32> to vector<1000x64xf32>
      %div3A_32 = arith.divf %sub3A_28, %div3A_31 : vector<1000x64xf32>
      %get3A_33 = arith.constant 0 : index
      %get3A_34 = arith.constant 0 : index
      %get3A_35 = vector.load %arg9[%get3A_33, %get3A_34] : memref<1x64xf32, #tpu.memory_space<vmem>>, vector<1x64xf32>
      %mul3A_36 = vector.broadcast %get3A_35 : vector<1x64xf32> to vector<1000x64xf32>
      %mul3A_37 = arith.mulf %div3A_32, %mul3A_36 : vector<1000x64xf32>
      %get3A_38 = arith.constant 0 : index
      %get3A_39 = arith.constant 0 : index
      %get3A_40 = vector.load %arg10[%get3A_38, %get3A_39] : memref<1x64xf32, #tpu.memory_space<vmem>>, vector<1x64xf32>
      %add3A_41 = vector.broadcast %get3A_40 : vector<1x64xf32> to vector<1000x64xf32>
      %add3A_42 = arith.addf %mul3A_37, %add3A_41 : vector<1000x64xf32>
      %max3A = arith.constant 0.000000e+00 : f32
      %max3A_43 = vector.broadcast %max3A : f32 to vector<1000x64xf32>
      %max3A_44 = arith.maximumf %add3A_42, %max3A_43 : vector<1000x64xf32>
      %get3A_45 = arith.constant 0 : index
      %get3A_46 = arith.constant 0 : index
      %get3A_47 = vector.load %arg11[%get3A_45, %get3A_46] : memref<64x1xf32, #tpu.memory_space<vmem>>, vector<64x1xf32>
      %dot_general3A = arith.constant dense<0.000000e+00> : vector<1000x1xf32>
      %dot_general3A_48 = tpu.matmul %max3A_44, %get3A_47, %dot_general3A {dimension_numbers = #tpu.dot_dimension_numbers<[1], [0], [0], [1], [0, 0, 1, 1], [], []>, transpose_lhs_hint = false} : vector<1000x64xf32>, vector<64x1xf32>, vector<1000x1xf32> -> vector<1000x1xf32>
      %get3A_49 = arith.constant 0 : index
      %get3A_50 = arith.constant 0 : index
      %get3A_51 = vector.load %arg12[%get3A_49, %get3A_50] : memref<1x1xf32, #tpu.memory_space<vmem>>, vector<1x1xf32>
      %add3A_52 = vector.broadcast %get3A_51 : vector<1x1xf32> to vector<1000x1xf32>
      %add3A_53 = arith.addf %dot_general3A_48, %add3A_52 : vector<1000x1xf32>
      %swap3A = arith.constant 0 : index
      %swap3A_54 = arith.constant 0 : index
      %swap3A_55 = vector.load %arg13[%swap3A, %swap3A_54] : memref<1000x1xf32, #tpu.memory_space<vmem>>, vector<1000x1xf32>
      tpu.vector_store %arg13[%swap3A, %swap3A_54], %add3A_53 {strides = array<i32>} : memref<1000x1xf32, #tpu.memory_space<vmem>>, vector<1000x1xf32>,
    } else {
    }
    return
  }
  func.func @transform_0(%arg0: i32, %arg1: i32) -> i32 {
    %c0_i32 = arith.constant 0 : i32
    %c0_i32_0 = arith.constant 0 : i32
    return %c0_i32 : i32
  }
  func.func @transform_1(%arg0: i32, %arg1: i32) -> (i32, i32) {
    %eq3A = arith.constant 0 : i32
    %eq3A_0 = arith.cmpi eq, %arg0, %eq3A : i32
    %jit3A = arith.constant 0 : i32
    %select_n3A = arith.select %eq3A_0, %arg1, %jit3A : i32
    %c0_i32 = arith.constant 0 : i32
    %c0_i32_1 = arith.constant 0 : i32
    return %select_n3A, %c0_i32 : i32, i32
  }
  func.func @transform_2(%arg0: i32, %arg1: i32) -> (i32, i32, i32) {
    %eq3A = arith.constant 0 : i32
    %eq3A_0 = arith.cmpi eq, %arg0, %eq3A : i32
    %jit3A = arith.constant 0 : i32
    %select_n3A = arith.select %eq3A_0, %arg1, %jit3A : i32
    %c0_i32 = arith.constant 0 : i32
    %c0_i32_1 = arith.constant 0 : i32
    %c0_i32_2 = arith.constant 0 : i32
    return %c0_i32, %select_n3A, %c0_i32_1 : i32, i32, i32
  }
  func.func @transform_3(%arg0: i32, %arg1: i32) -> (i32, i32) {
    %c0_i32 = arith.constant 0 : i32
    %c0_i32_0 = arith.constant 0 : i32
    %c0_i32_1 = arith.constant 0 : i32
    return %c0_i32, %c0_i32_0 : i32, i32
  }
  func.func @transform_4(%arg0: i32, %arg1: i32) -> (i32, i32) {
    %c0_i32 = arith.constant 0 : i32
    %c0_i32_0 = arith.constant 0 : i32
    %c0_i32_1 = arith.constant 0 : i32
    return %c0_i32, %c0_i32_0 : i32, i32
  }
  func.func @transform_5(%arg0: i32, %arg1: i32) -> (i32, i32) {
    %c0_i32 = arith.constant 0 : i32
    %c0_i32_0 = arith.constant 0 : i32
    %c0_i32_1 = arith.constant 0 : i32
    return %c0_i32, %c0_i32_0 : i32, i32
  }
  func.func @transform_6(%arg0: i32, %arg1: i32) -> (i32, i32) {
    %c0_i32 = arith.constant 0 : i32
    %c0_i32_0 = arith.constant 0 : i32
    %c0_i32_1 = arith.constant 0 : i32
    return %c0_i32, %c0_i32_0 : i32, i32
  }
  func.func @transform_7(%arg0: i32, %arg1: i32) -> (i32, i32) {
    %c0_i32 = arith.constant 0 : i32
    %c0_i32_0 = arith.constant 0 : i32
    %c0_i32_1 = arith.constant 0 : i32
    return %c0_i32, %c0_i32_0 : i32, i32
  }
  func.func @transform_8(%arg0: i32, %arg1: i32) -> (i32, i32) {
    %c0_i32 = arith.constant 0 : i32
    %c0_i32_0 = arith.constant 0 : i32
    %c0_i32_1 = arith.constant 0 : i32
    return %c0_i32, %c0_i32_0 : i32, i32
  }
  func.func @transform_9(%arg0: i32, %arg1: i32) -> (i32, i32) {
    %c0_i32 = arith.constant 0 : i32
    %c0_i32_0 = arith.constant 0 : i32
    %c0_i32_1 = arith.constant 0 : i32
    return %c0_i32, %c0_i32_0 : i32, i32
  }
  func.func @transform_10(%arg0: i32, %arg1: i32) -> (i32, i32) {
    %c0_i32 = arith.constant 0 : i32
    %c0_i32_0 = arith.constant 0 : i32
    %c0_i32_1 = arith.constant 0 : i32
    return %c0_i32, %c0_i32_0 : i32, i32
  }
  func.func @transform_11(%arg0: i32, %arg1: i32) -> (i32, i32) {
    %eq3A = arith.constant 2 : i32
    %eq3A_0 = arith.cmpi eq, %arg0, %eq3A : i32
    %jit3A = arith.constant 0 : i32
    %select_n3A = arith.select %eq3A_0, %arg1, %jit3A : i32
    %c0_i32 = arith.constant 0 : i32
    %c0_i32_1 = arith.constant 0 : i32
    return %select_n3A, %c0_i32 : i32, i32
  }
}

</mosaic_0001>

<sc_bundles>
// kernel: kernel.12.cloned.1.call-start
scs
__scs_entry_jumppad:
0x0: {  	(pc) =	sbr.rel $0x88, $3  }
0x1: {  	(tag) =	ssettag $0x0;
	lr =	simm.s32 $0x1  }
0x2: {  	[smem:$0x3F86] =	sst lr;
	_ =	strace $0xD0000000  }
0x3: {  	_ = 	snop  }
0x4: {  	_ = 	snop  }
0x5: {  	_ = 	snop  }
0x6: {  	_ = 	snop  }
0x7: {  	_ = 	snop  }
__scs_overlays_trampoline_lowered:
0x8: {  	[smem:$0x3F95] =	sst s0  }
0x9: {  	[smem:$0x3F96] =	sst s1  }
0xa: {  	[smem:$0x3F97] =	sst s2  }
0xb: {  	[smem:$0x3F98] =	sst s3  }
0xc: {  	[smem:$0x3F99] =	sst s4  }
0xd: {  	[smem:$0x3F9A] =	sst s5  }
0xe: {  	[smem:$0x3F9B] =	sst s6  }
0xf: {  	[smem:$0x3F9C] =	sst s7  }
0x10: {  	[smem:$0x3F9D] =	sst s8  }
0x11: {  	[smem:$0x3F9E] =	sst s9;
	s0 =	simm.s32 @!p0 $0x0  }
0x12: {  	s1 =	sld [smem:$0x3F84];
	s0 =	simm.s32 @p0 $0x1  }
0x13: {  	[smem:$0x3F9F] =	sst s0;
	s0 =	simm.s32 @!p1 $0x0  }
0x14: {  	s2 =	sld [smem:$0x3F83];
	s0 =	simm.s32 @p1 $0x1  }
0x15: {  	[smem:$0x3FA0] =	sst s0;
	s0 =	simm.s32 @!p2 $0x0  }
0x16: {  	s3 =	sld [smem:$0x3FDB];
	s0 =	simm.s32 @p2 $0x1  }
0x17: {  	s4 =	simm.s32 $0x1BF5;
	[smem:$0x3FA2] =	sst s0  }
0x18: {  	s0 =	sld [smem:$0x3F85];
	_ =	swait.ge [sflag:s4], $0x0  }
0x19: {  	s7 =	sld [smem:$0x3F86]  }
0x1a: {  	s8 =	sadd.s32 $0xFFFFE003, lr  }
0x1b: {  	s9 =	sadd.s32 $0xFFFFFEF7, lr;
	s5 =	simm.s32 $0xFFFFFFFF;
	p2 =	slt.u32 s8, $0xFFFFF086  }
0x1c: {  	p1 =	slt.u32 s9, $0xF7A;
	s5 =	simm.s32 @!p2 $0x0  }
0x1d: {  	s5 =	simm.s32 @p1 $0x1;
	p0 =	seq.s32 s7, s2  }
0x1e: {  	s7 =	smul.u32 @!p0 $0xF7A, s2;
	p2 =	seq.s32 @!p0 s5, $0x0  }
0x1f: {  	s9 =	smul.u32 $0xF7A, s1;
	s8 =	simm.s32 @!p0 $0x1BF5;
	p2 =	por !p2, p0  }
0x20: {  	[sflag:s8] =	ssyncset.s32 @!p0 $0xFFFFF086;
	s6 =	sadd.s32 @!p0 s3, s7;
	s7 =	simm.s32 @!p0 $0x108  }
0x21: {  	s3 =	sadd.s32 s3, s9;
	s6 =	sadd.s32 @!p0 $0x88, s6;
	s7 =	simm.s32 @p2 $0x1082  }
0x22: {  	[simem:s7], [sflag:s8] =	dma.local @!p0 [hbm:s6], $0xF7A  }
0x23: {  	s9 =	sor.u32 $0xD0000000, s2;
	s6 =	simm.s32 $0x108;
	_ =	swait.ge @!p0 [sflag:s8], $0x0  }
0x24: {  	s3 =	sadd.s32 $0x88, s3;
	s6 =	simm.s32 @!p1 $0x1082;
	[sflag:s4] =	ssyncset.s32 $0xFFFFF086  }
0x25: {  	[simem:s6], [sflag:s4] =	dma.local [hbm:s3], $0xF7A  }
0x26: {  	[smem:$0x3F86] =	sst s1;
	(tag) =	ssettag s2;
	_ =	strace s9  }
0x27: {  	s1 =	sld [smem:$0x3F96]  }
0x28: {  	s2 =	sld [smem:$0x3F97]  }
0x29: {  	s4 =	sld [smem:$0x3F99]  }
0x2a: {  	p0 =	seq.s32 s5, $0x0;
	s5 =	sld [smem:$0x3F9A]  }
0x2b: {  	s6 =	sld [smem:$0x3F9B]  }
0x2c: {  	s7 =	sld [smem:$0x3F9C]  }
0x2d: {  	s3 =	simm.s32 $0x108;
	s8 =	sld [smem:$0x3F9D]  }
0x2e: {  	s3 =	simm.s32 @!p0 $0x1082;
	s9 =	sld [smem:$0x3F9E]  }
0x2f: {  	lr =	sadd.s32 s0, s3;
	s0 =	sld [smem:$0x3F95]  }
0x30: {  	s3 =	sld [smem:$0x3F98]  }
0x31: {  	[smem:$0x3FA1] =	sst s10  }
0x32: {  	s10 =	sld [smem:$0x3F9F];
	_ =	sdelay $0x3  }
0x33: {  	p0 =	seq.s32 s10, $0x1;
	s10 =	sld [smem:$0x3FA1];
	_ =	sdelay $0x3  }
0x34: {  	[smem:$0x3FA1] =	sst s10  }
0x35: {  	s10 =	sld [smem:$0x3FA0];
	_ =	sdelay $0x3  }
0x36: {  	p1 =	seq.s32 s10, $0x1;
	s10 =	sld [smem:$0x3FA1];
	_ =	sdelay $0x3  }
0x37: {  	[smem:$0x3FA1] =	sst s10  }
0x38: {  	s10 =	sld [smem:$0x3FA2]  }
0x39: {  	_ = 	snop;
	(pc) =	sbr.ind lr, $3  }
0x3a: {  	_ = 	snop  }
0x3b: {  	_ = 	snop  }
0x3c: {  	p2 =	seq.s32 s10, $0x1;
	s10 =	sld [smem:$0x3FA1]  }
0x3d: {  	_ =	shalt  }
0x3e: {  	_ =	shalt  }
0x3f: {  	_ =	shalt  }
0x40: {  	_ =	shalt  }
0x41: {  	_ =	shalt  }
0x42: {  	_ =	shalt  }
0x43: {  	_ =	shalt  }
0x44: {  	_ =	shalt  }
0x45: {  	_ =	shalt  }
0x46: {  	_ =	shalt  }
0x47: {  	_ =	shalt  }
0x48: {  	_ =	shalt  }
0x49: {  	_ =	shalt  }
0x4a: {  	_ =	shalt  }
0x4b: {  	_ =	shalt  }
0x4c: {  	_ =	shalt  }
0x4d: {  	_ =	shalt  }
0x4e: {  	_ =	shalt  }
0x4f: {  	_ =	shalt  }
0x50: {  	_ =	shalt  }
0x51: {  	_ =	shalt  }
0x52: {  	_ =	shalt  }
0x53: {  	_ =	shalt  }
0x54: {  	_ =	shalt  }
0x55: {  	_ =	shalt  }
0x56: {  	_ =	shalt  }
0x57: {  	_ =	shalt  }
0x58: {  	_ =	shalt  }
0x59: {  	_ =	shalt  }
0x5a: {  	_ =	shalt  }
0x5b: {  	_ =	shalt  }
0x5c: {  	_ =	shalt  }
0x5d: {  	_ =	shalt  }
0x5e: {  	_ =	shalt  }
0x5f: {  	_ =	shalt  }
0x60: {  	_ =	shalt  }
0x61: {  	_ =	shalt  }
0x62: {  	_ =	shalt  }
0x63: {  	_ =	shalt  }
0x64: {  	_ =	shalt  }
0x65: {  	_ =	shalt  }
0x66: {  	_ =	shalt  }
0x67: {  	_ =	shalt  }
0x68: {  	_ =	shalt  }
0x69: {  	_ =	shalt  }
0x6a: {  	_ =	shalt  }
0x6b: {  	_ =	shalt  }
0x6c: {  	_ =	shalt  }
0x6d: {  	_ =	shalt  }
0x6e: {  	_ =	shalt  }
0x6f: {  	_ =	shalt  }
0x70: {  	_ =	shalt  }
0x71: {  	_ =	shalt  }
0x72: {  	_ =	shalt  }
0x73: {  	_ =	shalt  }
0x74: {  	_ =	shalt  }
0x75: {  	_ =	shalt  }
0x76: {  	_ =	shalt  }
0x77: {  	_ =	shalt  }
0x78: {  	_ =	shalt  }
0x79: {  	_ =	shalt  }
0x7a: {  	_ =	shalt  }
0x7b: {  	_ =	shalt  }
0x7c: {  	_ =	shalt  }
0x7d: {  	_ =	shalt  }
0x7e: {  	_ =	shalt  }
0x7f: {  	_ =	shalt  }
0x80: {  	_ =	shalt  }
0x81: {  	_ =	shalt  }
0x82: {  	_ =	shalt  }
0x83: {  	_ =	shalt  }
0x84: {  	_ =	shalt  }
0x85: {  	_ =	shalt  }
0x86: {  	_ =	shalt  }
0x87: {  	_ =	shalt  }
.Lfunc_end0:
.L_simem_size_0:
called_computation.1_lowered:
.L_overlay_start_0:
0x88: {  	s2 =	sld [smem:$0x3FD9]  }
0x89: {  	s3 =	sld [smem:$0x3FFE];
	_ =	sdelay $0x1  }
0x8a: {  	s1 =	srdreg.scid  }
0x8b: {  	s0 =	sand.u32 $0x1, s1  }
0x8c: {  	s16 =	sshll.u32 s0, $0xA;
	s2 =	sadd.s32 s3, s2  }
0x8d: {  	s2 =	sadd.s32 s2, s16  }
0x8e: {  	[smem:$0x3FAD] =	sst s2  }
0x8f: {  	_ = 	snop  }
0x90: {  	(tm) =	ssettm $0x1  }
0x91: {  	s17 =	sld [smem:$0x3FFB];
	_ =	sdelay $0x3  }
0x92: {  	_ =	strace s17  }
0x93: {  	s2 =	sld [smem:$0x3FFC];
	_ =	sdelay $0x3  }
0x94: {  	_ =	strace s2  }
0x95: {  	s2 =	sld [smem:$0x3FFD];
	_ =	sdelay $0x3  }
0x96: {  	_ =	strace s2  }
0x97: {  	_ =	strace $0x8FFFFFFF  }
0x98: {  	s18 =	sld [smem:$0x3FDB];
	_ =	sdelay $0x1  }
0x99: {  	s19 =	simm.s32 $_scs_section_size  }
0x9a: {  	s4 =	simm.s32 $_size__tile_overlayer_lowered;
	s5 =	simm.s32 $_tile_overlayer_lowered  }
0x9b: {  	s22 =	simm.s32 $0x1BFF;
	s21 =	sshll.u32 s5, $0x1;
	s2 =	sadd.s32 s19, s18  }
0x9c: {  	s6 =	simm.s32 $0x0;
	s20 =	sshll.u32 s4, $0x1;
	s4 =	sadd.s32 s21, s2  }
0x9d: {  	[timem:s6], [sflag:s22] =	dma.local [hbm:s4], s20  }
0x9e: {  	_ =	swait.ge [sflag:s22], s20  }
0x9f: {  	s3 =	ssub.s32 $0x0, s20;
	[sflag:s22] =	ssyncset.done $0x0  }
0xa0: {  	[sflag:s22] =	ssyncadd.s32 s3;
	_ =	sdelay $0x1  }
0xa1: {  	s23 =	simm.s32 $0x1B8B  }
0xa2: {  	_ =	swait.ge [sflag:s23], $0x1  }
0xa3: {  	[sflag:s23] =	ssyncset.done $0x0  }
0xa4: {  	s25 =	simm.s32 $0x1B8E;
	s24 =	sld [smem:$0x3FFE];
	[sflag:s23] =	ssyncadd.s32 $0xFFFFFFFF  }
0xa5: {  	s26 =	simm.s32 $execute0_lowered;
	[smem:$0x3FD2] =	sst s25  }
0xa6: {  	s4 =	sshll.u32 s26, $0x1;
	_ =	strace $0x80000049;
	[dreg:$0x1] =	wrdreg $0xFFFFFFFF  }
0xa7: {  	s28 =	simm.s32 $_size_execute0_lowered;
	s2 =	sadd.s32 s2, s4;
	[dreg:$0x0] =	wrdreg $0x0  }
0xa8: {  	s4 =	sshll.u32 s28, $0x1;
	[dreg:$0x2] =	wrdreg s2  }
0xa9: {  	[dreg:$0x3] =	wrdreg s4  }
0xaa: {  	[dreg:$0x4] =	wrdreg $0xC0  }
0xab: {  	_ =	task [dreg:s6], $0x5FFFF  }
0xac: {  	[dreg:$0x1] =	wrdreg $0xFFFFFFFF  }
0xad: {  	[dreg:$0x0] =	wrdreg $0x60  }
0xae: {  	[dreg:$0x2] =	wrdreg s24  }
0xaf: {  	[dreg:$0x3] =	wrdreg $0x76200  }
0xb0: {  	[dreg:$0x4] =	wrdreg $0x9  }
0xb1: {  	_ =	task.clear_ibuf [dreg:s6], $0x5FFFF;
	_ =	strace $0x90000049  }
0xb2: {  	s29 =	simm.s32 $0x9;
	_ =	strace $0x8000004B  }
0xb3: {  	_ =	swait.ge [sflag:s29], $0x1  }
0xb4: {  	[sflag:s29] =	ssyncadd.s32 $0xFFFFFFFF  }
0xb5: {  	_ =	strace $0x9000004B  }
0xb6: {  	_ =	sfence  }
0xb7: {  	s30 =	sld [smem:$0x0];
	_ =	sdelay $0x2  }
0xb8: {  	s31 =	sshll.u32 s1, $0xD;
	s1 =	sshrl.u32 s1, $0x2  }
0xb9: {  	s3 =	sand.u32 $0x4000, s31;
	s1 =	sadd.s32 s1, s30  }
0xba: {  	s0 =	sor.u32 s3, s0;
	s1 =	sshll.u32 s1, $0x11  }
0xbb: {  	s0 =	sor.u32 s1, s0  }
0xbc: {  	s0 =	sadd.s32 $0x8F2B, s0  }
0xbd: {  	[sflag:s0] =	ssyncadd.remote.s32 $0x1  }
0xbe: {  	_ =	sfence.sel $0xFFFF  }
0xbf: {  	[dreg:$0x0] =	wrdreg $0xFFFFFFFF;
	(pc) =	sbr.abs _section_cstart, $3  }
0xc0: {  	[dreg:$0x1] =	wrdreg $0xFFFFFFFF  }
0xc1: {  	_ =	task.clear_ibuf [dreg:s6], $0x2FFFF;
	_ =	strace $0x9FFFFFFF  }
0xc2: {  	(tm) =	ssettm $0x7FFFFFFF  }
0xc3: {  	_ =	shalt  }
tec
execute0_lowered:
.L_overlay_start_1:
0x0: {  	(tag) =	ssettag $0x1  }
0x1: {  	s0 =	srdreg.scid;
	s6 =	rddreg [dreg:$0x0]  }
0x2: {  	s2 =	rddreg [dreg:$0x1];
	s3 =	simm.s32 $0x0;
	s17 =	simm.s32 $0x3  }
0x3: {  	s18 =	simm.s32 $0x2710;
	s19 =	simm.s32 $0x4E20;
	s20 =	simm.s32 $0x50  }
0x4: {  	s21 =	simm.s32 $0x6220;
	s22 =	simm.s32 $0x1;
	s23 =	simm.s32 $0x2  }
0x5: {  	s24 =	simm.s32 $0x4DD0;
	s5 =	sand.u32 $0x1, s0;
	s0 =	stileid.u32  }
0x6: {  	s25 =	simm.s32 $0x0;
	[smem:$0x7FF] =	sst s3;
	s8 =	smul.u32 $0x1400, s0  }
0x7: {  	s1 =	sshll.u32 s5, $0x4;
	s9 =	smul.u32 $0x14000, s5;
	s5 =	ssub.s32 $0x2, s5  }
0x8: {  	s10 =	smul.u32 $0x28000, s0;
	s4 =	sor.u32 s0, s1;
	s1 =	rddreg [dreg:$0x2]  }
0x9: {  	_ =	strace $0x8000004A;
	s30 =	sshrl.u32 s5, $0x1;
	s7 =	smul.u32 $0x4E2, s4  }
0xa: {  	s4 =	sadd.s32 $0x16600, s6;
	s8 =	sadd.s32 s8, s9;
	s16 =	ssub.s32 s5, s30  }
0xb: {  	s31 =	sshrl.u32 s10, $0x2;
	s15 =	sadd.s32 s8, s6;
	s7 =	sadd.s32 s7, s6  }
0xc: {  	s5 =	sadd.s32 $0xC800, s7;
	s6 =	sadd.s32 $0x2A00, s7;
	s7 =	sadd.s32 s31, s2  }
0xd: {  	s16 =	smax.u32 s16, $0x1;
	s15 =	sadd.s32 $0x2A000, s15;
	s8 =	sadd.s32 $0x1400, s7  }
0xe: {  	s9 =	sadd.s32 $0x2800, s7;
	s10 =	sadd.s32 $0x3C00, s7;
	s11 =	sadd.s32 $0x5000, s7  }
0xf: {  	v0 =	vimm.f32 $0.0e+00;
	s12 =	sadd.s32 $0x6400, s7;
	s13 =	sadd.s32 $0x7800, s7;
	s14 =	sadd.s32 $0x8C00, s7  }
.LBB2_1:
0x10: {  	[tilespmem:s3], [sflag:$0x3] =	stream.linear.gather [hbm4b:s5+s3], $0x2710, $0x38;
	[tilespmem:$0x11620] =	vst v63  }
0x11: {  	_ =	swait.ge [sflag:s17], $0x2710  }
0x12: {  	[sflag:s17] =	ssyncset.done $0x0  }
0x13: {  	[sflag:s17] =	ssyncadd.s32 $0xFFFFD8F0  }
0x14: {  	[tilespmem:s18], [sflag:$0x3] =	stream.linear.gather [hbm4b:s6+s3], $0x2710, $0x38;
	[tilespmem:$0x11620] =	vst v63  }
0x15: {  	_ =	swait.ge [sflag:s17], $0x2710  }
0x16: {  	[sflag:s17] =	ssyncset.done $0x0  }
0x17: {  	s28 =	simm.s32 $0x100;
	s26 =	simm.s32 $0x0;
	[sflag:s17] =	ssyncadd.s32 $0xFFFFD8F0  }
.LBB2_2:
0x18: {  	p0 =	sne.s32 s28, $0x4F00;
	[tilespmem:s26+$0x4E50] =	vst v0;
	s29 =	smov.u32 s28;
	s28 =	sadd.s32 $0x100, s28  }
.Ltmp0:
0x19: {  	[tilespmem:s26+$0x4E40] =	vst v0;
	(pc) =	sbr.rel @p0 .LBB2_2-.Ltmp0, $3  }
0x1a: {  	[tilespmem:s26+$0x4E20] =	vst v0  }
0x1b: {  	[tilespmem:s26+$0x4E30] =	vst v0;
	_ =	sdelay $0x1  }
0x1c: {  	s26 =	sshra.s32 s29, $0x2  }
0x1d: {  	[tilespmem:s26+$0x4E50] =	vst v0  }
0x1e: {  	[tilespmem:s26+$0x4E40] =	vst v0  }
0x1f: {  	[tilespmem:s26+$0x4E20] =	vst v0  }
0x20: {  	[tilespmem:s26+$0x4E30] =	vst v0  }
0x21: {  	[spmem:s7] =	stream.linear.scatter [tilespmem:s19], [sflag:$0x3], $0x1400, $0x38;
	[tilespmem:$0x11620] =	vst v63  }
0x22: {  	_ =	swait.ge [sflag:s17], $0x1400  }
0x23: {  	[sflag:s17] =	ssyncset.done $0x0  }
0x24: {  	[sflag:s17] =	ssyncadd.s32 $0xFFFFEC00  }
0x25: {  	[spmem:s8] =	stream.linear.scatter [tilespmem:s19], [sflag:$0x3], $0x1400, $0x38;
	[tilespmem:$0x11620] =	vst v63  }
0x26: {  	_ =	swait.ge [sflag:s17], $0x1400  }
0x27: {  	[sflag:s17] =	ssyncset.done $0x0  }
0x28: {  	[sflag:s17] =	ssyncadd.s32 $0xFFFFEC00  }
0x29: {  	[spmem:s9] =	stream.linear.scatter [tilespmem:s19], [sflag:$0x3], $0x1400, $0x38;
	[tilespmem:$0x11620] =	vst v63  }
0x2a: {  	_ =	swait.ge [sflag:s17], $0x1400  }
0x2b: {  	[sflag:s17] =	ssyncset.done $0x0  }
0x2c: {  	[sflag:s17] =	ssyncadd.s32 $0xFFFFEC00  }
0x2d: {  	[spmem:s10] =	stream.linear.scatter [tilespmem:s19], [sflag:$0x3], $0x1400, $0x38;
	[tilespmem:$0x11620] =	vst v63  }
0x2e: {  	_ =	swait.ge [sflag:s17], $0x1400  }
0x2f: {  	[sflag:s17] =	ssyncset.done $0x0  }
0x30: {  	[sflag:s17] =	ssyncadd.s32 $0xFFFFEC00  }
0x31: {  	[spmem:s11] =	stream.linear.scatter [tilespmem:s19], [sflag:$0x3], $0x1400, $0x38;
	[tilespmem:$0x11620] =	vst v63  }
0x32: {  	_ =	swait.ge [sflag:s17], $0x1400  }
0x33: {  	[sflag:s17] =	ssyncset.done $0x0  }
0x34: {  	[sflag:s17] =	ssyncadd.s32 $0xFFFFEC00  }
0x35: {  	[spmem:s12] =	stream.linear.scatter [tilespmem:s19], [sflag:$0x3], $0x1400, $0x38;
	[tilespmem:$0x11620] =	vst v63  }
0x36: {  	_ =	swait.ge [sflag:s17], $0x1400  }
0x37: {  	[sflag:s17] =	ssyncset.done $0x0  }
0x38: {  	[sflag:s17] =	ssyncadd.s32 $0xFFFFEC00  }
0x39: {  	[spmem:s13] =	stream.linear.scatter [tilespmem:s19], [sflag:$0x3], $0x1400, $0x38;
	[tilespmem:$0x11620] =	vst v63  }
0x3a: {  	_ =	swait.ge [sflag:s17], $0x1400  }
0x3b: {  	[sflag:s17] =	ssyncset.done $0x0  }
0x3c: {  	[sflag:s17] =	ssyncadd.s32 $0xFFFFEC00  }
0x3d: {  	[spmem:s14] =	stream.linear.scatter [tilespmem:s19], [sflag:$0x3], $0x1400, $0x38;
	[tilespmem:$0x11620] =	vst v63  }
0x3e: {  	_ =	swait.ge [sflag:s17], $0x1400  }
0x3f: {  	[sflag:s17] =	ssyncset.done $0x0  }
0x40: {  	[sflag:s17] =	ssyncadd.s32 $0xFFFFEC00  }
0x41: {  	s30 =	simm.s32 $0x0;
	[bflag:$0x0] =	sbarrier.arrive $0xFFFF  }
0x42: {  	[tilespmem:s19], [sflag:$0x1] =	stream.indirect.gather [hbm4b:s4+s20], $0x40, s30, s20, $0xb8;
	[tilespmem:$0x11620] =	vst v63  }
0x43: {  	s31 =	simm.s32 $0x50  }
0x44: {  	[tilespmem:s21], [sflag:$0x2] =	stream.indirect.gather [hbm4b:s4+s20], $0x40, s31, s20, $0xb8;
	[tilespmem:$0x11620] =	vst v63  }
0x45: {  	_ =	swait.ge [sflag:s22], $0x1400  }
0x46: {  	[sflag:s22] =	ssyncset.done $0x0  }
0x47: {  	s29 =	simm.s32 $0x2710;
	[sflag:s22] =	ssyncadd.s32 $0xFFFFEC00  }
0x48: {  	[spmem:s2] =	stream.indirect.scatter.add.f32 [tilespmem:s19], [sflag:$0x3], $0x40, s29, s20, $0xb8;
	[tilespmem:$0x11620] =	vst v63  }
0x49: {  	_ =	swait.ge [sflag:s17], $0x1400  }
0x4a: {  	[sflag:s17] =	ssyncset.done $0x0  }
0x4b: {  	s30 =	simm.s32 $0xA0;
	[sflag:s17] =	ssyncadd.s32 $0xFFFFEC00  }
0x4c: {  	[tilespmem:s19], [sflag:$0x1] =	stream.indirect.gather [hbm4b:s4+s20], $0x40, s30, s20, $0xb8;
	[tilespmem:$0x11620] =	vst v63  }
0x4d: {  	_ =	swait.ge [sflag:s23], $0x1400  }
0x4e: {  	[sflag:s23] =	ssyncset.done $0x0  }
0x4f: {  	s31 =	simm.s32 $0x2760;
	[sflag:s23] =	ssyncadd.s32 $0xFFFFEC00  }
0x50: {  	[spmem:s2] =	stream.indirect.scatter.add.f32 [tilespmem:s21], [sflag:$0x3], $0x40, s31, s20, $0xb8;
	[tilespmem:$0x11620] =	vst v63  }
0x51: {  	_ =	swait.ge [sflag:s17], $0x1400  }
0x52: {  	s28 =	simm.s32 $0x500;
	s26 =	simm.s32 $0xA0;
	[sflag:s17] =	ssyncset.done $0x0  }
.LBB2_4:
0x53: {  	s29 =	sadd.s32 $0x50, s26  }
0x54: {  	[sflag:s17] =	ssyncadd.s32 $0xFFFFEC00;
	s30 =	smov.u32 s28;
	s31 =	sadd.s32 $0x280, s28  }
0x55: {  	[tilespmem:s21], [sflag:$0x2] =	stream.indirect.gather [hbm4b:s4+s20], $0x40, s29, s20, $0xb8;
	[tilespmem:$0x11620] =	vst v63  }
0x56: {  	p0 =	sne.s32 s28, $0x9880;
	_ =	swait.ge [sflag:s22], $0x1400  }
0x57: {  	[sflag:s22] =	ssyncset.done $0x0  }
0x58: {  	s28 =	sadd.s32 $0x2710, s26;
	[sflag:s22] =	ssyncadd.s32 $0xFFFFEC00  }
0x59: {  	[spmem:s2] =	stream.indirect.scatter.add.f32 [tilespmem:s19], [sflag:$0x3], $0x40, s28, s20, $0xb8;
	[tilespmem:$0x11620] =	vst v63  }
0x5a: {  	_ =	swait.ge [sflag:s17], $0x1400  }
0x5b: {  	[sflag:s17] =	ssyncset.done $0x0  }
0x5c: {  	s28 =	sadd.s32 $0xA0, s26;
	[sflag:s17] =	ssyncadd.s32 $0xFFFFEC00  }
0x5d: {  	[tilespmem:s19], [sflag:$0x1] =	stream.indirect.gather [hbm4b:s4+s20], $0x40, s28, s20, $0xb8;
	[tilespmem:$0x11620] =	vst v63  }
0x5e: {  	_ =	swait.ge [sflag:s23], $0x1400  }
.Ltmp1:
0x5f: {  	[sflag:s23] =	ssyncset.done $0x0;
	(pc) =	sbr.rel @p0 .LBB2_4-.Ltmp1, $4  }
0x60: {  	s26 =	sadd.s32 $0x2760, s26;
	[sflag:s23] =	ssyncadd.s32 $0xFFFFEC00  }
0x61: {  	[spmem:s2] =	stream.indirect.scatter.add.f32 [tilespmem:s21], [sflag:$0x3], $0x40, s26, s20, $0xb8;
	[tilespmem:$0x11620] =	vst v63  }
0x62: {  	_ =	swait.ge [sflag:s17], $0x1400  }
0x63: {  	s28 =	smov.u32 s31;
	s26 =	sshra.s32 s30, $0x2;
	[sflag:s17] =	ssyncset.done $0x0  }
0x64: {  	s28 =	sadd.s32 $0x50, s26;
	[sflag:s17] =	ssyncadd.s32 $0xFFFFEC00  }
0x65: {  	[tilespmem:s21], [sflag:$0x2] =	stream.indirect.gather [hbm4b:s4+s20], $0x40, s28, s20, $0xb8;
	[tilespmem:$0x11620] =	vst v63  }
0x66: {  	_ =	swait.ge [sflag:s22], $0x1400  }
0x67: {  	[sflag:s22] =	ssyncset.done $0x0  }
0x68: {  	s30 =	sadd.s32 $0x2710, s26;
	[sflag:s22] =	ssyncadd.s32 $0xFFFFEC00  }
0x69: {  	[spmem:s2] =	stream.indirect.scatter.add.f32 [tilespmem:s19], [sflag:$0x3], $0x40, s30, s20, $0xb8;
	[tilespmem:$0x11620] =	vst v63  }
0x6a: {  	_ =	swait.ge [sflag:s17], $0x1400  }
0x6b: {  	[sflag:s17] =	ssyncset.done $0x0  }
0x6c: {  	s31 =	sadd.s32 $0xA0, s26;
	[sflag:s17] =	ssyncadd.s32 $0xFFFFEC00  }
0x6d: {  	[tilespmem:s19], [sflag:$0x1] =	stream.indirect.gather [hbm4b:s4+s20], $0x40, s31, s20, $0xb8;
	[tilespmem:$0x11620] =	vst v63  }
0x6e: {  	_ =	swait.ge [sflag:s23], $0x1400  }
0x6f: {  	[sflag:s23] =	ssyncset.done $0x0  }
0x70: {  	s29 =	sadd.s32 $0x2760, s26;
	[sflag:s23] =	ssyncadd.s32 $0xFFFFEC00  }
0x71: {  	[spmem:s2] =	stream.indirect.scatter.add.f32 [tilespmem:s21], [sflag:$0x3], $0x40, s29, s20, $0xb8;
	[tilespmem:$0x11620] =	vst v63  }
0x72: {  	_ =	swait.ge [sflag:s17], $0x1400  }
0x73: {  	[sflag:s17] =	ssyncset.done $0x0  }
0x74: {  	[sflag:s17] =	ssyncadd.s32 $0xFFFFEC00  }
0x75: {  	_ =	swait.ge [sflag:s22], $0x1400  }
0x76: {  	[sflag:s22] =	ssyncset.done $0x0  }
0x77: {  	[sflag:s22] =	ssyncadd.s32 $0xFFFFEC00  }
0x78: {  	[spmem:s2] =	stream.indirect.scatter.add.f32 [tilespmem:s19], [sflag:$0x3], $0x40, s24, s20, $0xb8;
	[tilespmem:$0x11620] =	vst v63  }
0x79: {  	_ =	swait.ge [sflag:s17], $0x1400  }
0x7a: {  	s25 =	sadd.s32 $0x1, s25;
	s30 =	sshll.u32 s0, $0x6;
	[sflag:s17] =	ssyncset.done $0x0  }
0x7b: {  	p0 =	sne.s32 s25, s16;
	s26 =	sor.u32 $0x1C03, s30;
	[sflag:s17] =	ssyncadd.s32 $0xFFFFEC00  }
.Ltmp2:
0x7c: {  	s31 =	sshrl.u32 s7, $0x3;
	[bflag:$0x0] =	sbarrier.arrive $0xFFFF;
	(pc) =	sbr.rel @p0 .LBB2_1-.Ltmp2, $4  }
0x7d: {  	[hbm:s15], [sflag:s26] =	dma.local [spmem:s31], $0x1400  }
0x7e: {  	_ =	swait.ge [sflag:s17], $0x1400  }
0x7f: {  	[sflag:s17] =	ssyncset.done $0x0  }
0x80: {  	[sflag:s17] =	ssyncadd.s32 $0xFFFFEC00  }
0x81: {  	_ =	sfence.sel $0x180000  }
0x82: {  	[bflag:$0x0] =	sbarrier.arrive $0xFFFF  }
0x83: {  	p0 =	sne.s32 s0, $0x0;
	_ =	strace $0x9000004A  }
0x84: {  	s0 =	sadd.s32 @!p0 $0x100000, s1;
	[bflag:$0x2] =	sbarrier.arrive $0xFFFF  }
0x85: {  	[sflag:s0] =	ssyncadd.tile.s32 @!p0 $0x1;
	_ =	shalt  }
.Lfunc_end2:
_tile_overlayer_lowered:
.L_overlay_start_2:
0x86: {  	(tag) =	ssettag $0x2  }
0x87: {  	s0 =	rddreg [dreg:$0x0];
	s2 =	stileid.u32  }
0x88: {  	s1 =	rddreg [dreg:$0x1];
	p0 =	sne.s32 s2, $0x0  }
0x89: {  	s3 =	rddreg [dreg:$0x2];
	[bflag:$0x3] =	sbarrier.arrive $0xFFFF;
	s2 =	simm.s32 @!p0 $0x1C03  }
0x8a: {  	[timem:s3], [sflag:s2] =	dma.local @!p0 [hbm:s0], s1  }
0x8b: {  	s0 =	simm.s32 @!p0 $0x3  }
0x8c: {  	_ =	swait.ge @!p0 [sflag:s0], s1  }
0x8d: {  	s1 =	ssub.s32 @!p0 $0x0, s1;
	[sflag:s0] =	ssyncset.done @!p0 $0x0  }
0x8e: {  	[sflag:s0] =	ssyncadd.s32 @!p0 s1  }
0x8f: {  	[bflag:$0x3] =	sbarrier.arrive $0xFFFF  }
0x90: {  	_ =	shalt  }

// kernel: kernel.15.cloned.1.call-start
scs
__scs_entry_jumppad:
0x0: {  	(pc) =	sbr.rel $0x88, $3  }
0x1: {  	(tag) =	ssettag $0x0;
	lr =	simm.s32 $0x1  }
0x2: {  	[smem:$0x3F86] =	sst lr;
	_ =	strace $0xD0000000  }
0x3: {  	_ = 	snop  }
0x4: {  	_ = 	snop  }
0x5: {  	_ = 	snop  }
0x6: {  	_ = 	snop  }
0x7: {  	_ = 	snop  }
__scs_overlays_trampoline_lowered:
0x8: {  	[smem:$0x3F95] =	sst s0  }
0x9: {  	[smem:$0x3F96] =	sst s1  }
0xa: {  	[smem:$0x3F97] =	sst s2  }
0xb: {  	[smem:$0x3F98] =	sst s3  }
0xc: {  	[smem:$0x3F99] =	sst s4  }
0xd: {  	[smem:$0x3F9A] =	sst s5  }
0xe: {  	[smem:$0x3F9B] =	sst s6  }
0xf: {  	[smem:$0x3F9C] =	sst s7  }
0x10: {  	[smem:$0x3F9D] =	sst s8  }
0x11: {  	[smem:$0x3F9E] =	sst s9;
	s0 =	simm.s32 @!p0 $0x0  }
0x12: {  	s1 =	sld [smem:$0x3F84];
	s0 =	simm.s32 @p0 $0x1  }
0x13: {  	[smem:$0x3F9F] =	sst s0;
	s0 =	simm.s32 @!p1 $0x0  }
0x14: {  	s2 =	sld [smem:$0x3F83];
	s0 =	simm.s32 @p1 $0x1  }
0x15: {  	[smem:$0x3FA0] =	sst s0;
	s0 =	simm.s32 @!p2 $0x0  }
0x16: {  	s3 =	sld [smem:$0x3FDB];
	s0 =	simm.s32 @p2 $0x1  }
0x17: {  	s4 =	simm.s32 $0x1BF5;
	[smem:$0x3FA2] =	sst s0  }
0x18: {  	s0 =	sld [smem:$0x3F85];
	_ =	swait.ge [sflag:s4], $0x0  }
0x19: {  	s7 =	sld [smem:$0x3F86]  }
0x1a: {  	s8 =	sadd.s32 $0xFFFFE003, lr  }
0x1b: {  	s9 =	sadd.s32 $0xFFFFFEF7, lr;
	s5 =	simm.s32 $0xFFFFFFFF;
	p2 =	slt.u32 s8, $0xFFFFF086  }
0x1c: {  	p1 =	slt.u32 s9, $0xF7A;
	s5 =	simm.s32 @!p2 $0x0  }
0x1d: {  	s5 =	simm.s32 @p1 $0x1;
	p0 =	seq.s32 s7, s2  }
0x1e: {  	s7 =	smul.u32 @!p0 $0xF7A, s2;
	p2 =	seq.s32 @!p0 s5, $0x0  }
0x1f: {  	s9 =	smul.u32 $0xF7A, s1;
	s8 =	simm.s32 @!p0 $0x1BF5;
	p2 =	por !p2, p0  }
0x20: {  	[sflag:s8] =	ssyncset.s32 @!p0 $0xFFFFF086;
	s6 =	sadd.s32 @!p0 s3, s7;
	s7 =	simm.s32 @!p0 $0x108  }
0x21: {  	s3 =	sadd.s32 s3, s9;
	s6 =	sadd.s32 @!p0 $0x88, s6;
	s7 =	simm.s32 @p2 $0x1082  }
0x22: {  	[simem:s7], [sflag:s8] =	dma.local @!p0 [hbm:s6], $0xF7A  }
0x23: {  	s9 =	sor.u32 $0xD0000000, s2;
	s6 =	simm.s32 $0x108;
	_ =	swait.ge @!p0 [sflag:s8], $0x0  }
0x24: {  	s3 =	sadd.s32 $0x88, s3;
	s6 =	simm.s32 @!p1 $0x1082;
	[sflag:s4] =	ssyncset.s32 $0xFFFFF086  }
0x25: {  	[simem:s6], [sflag:s4] =	dma.local [hbm:s3], $0xF7A  }
0x26: {  	[smem:$0x3F86] =	sst s1;
	(tag) =	ssettag s2;
	_ =	strace s9  }
0x27: {  	s1 =	sld [smem:$0x3F96]  }
0x28: {  	s2 =	sld [smem:$0x3F97]  }
0x29: {  	s4 =	sld [smem:$0x3F99]  }
0x2a: {  	p0 =	seq.s32 s5, $0x0;
	s5 =	sld [smem:$0x3F9A]  }
0x2b: {  	s6 =	sld [smem:$0x3F9B]  }
0x2c: {  	s7 =	sld [smem:$0x3F9C]  }
0x2d: {  	s3 =	simm.s32 $0x108;
	s8 =	sld [smem:$0x3F9D]  }
0x2e: {  	s3 =	simm.s32 @!p0 $0x1082;
	s9 =	sld [smem:$0x3F9E]  }
0x2f: {  	lr =	sadd.s32 s0, s3;
	s0 =	sld [smem:$0x3F95]  }
0x30: {  	s3 =	sld [smem:$0x3F98]  }
0x31: {  	[smem:$0x3FA1] =	sst s10  }
0x32: {  	s10 =	sld [smem:$0x3F9F];
	_ =	sdelay $0x3  }
0x33: {  	p0 =	seq.s32 s10, $0x1;
	s10 =	sld [smem:$0x3FA1];
	_ =	sdelay $0x3  }
0x34: {  	[smem:$0x3FA1] =	sst s10  }
0x35: {  	s10 =	sld [smem:$0x3FA0];
	_ =	sdelay $0x3  }
0x36: {  	p1 =	seq.s32 s10, $0x1;
	s10 =	sld [smem:$0x3FA1];
	_ =	sdelay $0x3  }
0x37: {  	[smem:$0x3FA1] =	sst s10  }
0x38: {  	s10 =	sld [smem:$0x3FA2]  }
0x39: {  	_ = 	snop;
	(pc) =	sbr.ind lr, $3  }
0x3a: {  	_ = 	snop  }
0x3b: {  	_ = 	snop  }
0x3c: {  	p2 =	seq.s32 s10, $0x1;
	s10 =	sld [smem:$0x3FA1]  }
0x3d: {  	_ =	shalt  }
0x3e: {  	_ =	shalt  }
0x3f: {  	_ =	shalt  }
0x40: {  	_ =	shalt  }
0x41: {  	_ =	shalt  }
0x42: {  	_ =	shalt  }
0x43: {  	_ =	shalt  }
0x44: {  	_ =	shalt  }
0x45: {  	_ =	shalt  }
0x46: {  	_ =	shalt  }
0x47: {  	_ =	shalt  }
0x48: {  	_ =	shalt  }
0x49: {  	_ =	shalt  }
0x4a: {  	_ =	shalt  }
0x4b: {  	_ =	shalt  }
0x4c: {  	_ =	shalt  }
0x4d: {  	_ =	shalt  }
0x4e: {  	_ =	shalt  }
0x4f: {  	_ =	shalt  }
0x50: {  	_ =	shalt  }
0x51: {  	_ =	shalt  }
0x52: {  	_ =	shalt  }
0x53: {  	_ =	shalt  }
0x54: {  	_ =	shalt  }
0x55: {  	_ =	shalt  }
0x56: {  	_ =	shalt  }
0x57: {  	_ =	shalt  }
0x58: {  	_ =	shalt  }
0x59: {  	_ =	shalt  }
0x5a: {  	_ =	shalt  }
0x5b: {  	_ =	shalt  }
0x5c: {  	_ =	shalt  }
0x5d: {  	_ =	shalt  }
0x5e: {  	_ =	shalt  }
0x5f: {  	_ =	shalt  }
0x60: {  	_ =	shalt  }
0x61: {  	_ =	shalt  }
0x62: {  	_ =	shalt  }
0x63: {  	_ =	shalt  }
0x64: {  	_ =	shalt  }
0x65: {  	_ =	shalt  }
0x66: {  	_ =	shalt  }
0x67: {  	_ =	shalt  }
0x68: {  	_ =	shalt  }
0x69: {  	_ =	shalt  }
0x6a: {  	_ =	shalt  }
0x6b: {  	_ =	shalt  }
0x6c: {  	_ =	shalt  }
0x6d: {  	_ =	shalt  }
0x6e: {  	_ =	shalt  }
0x6f: {  	_ =	shalt  }
0x70: {  	_ =	shalt  }
0x71: {  	_ =	shalt  }
0x72: {  	_ =	shalt  }
0x73: {  	_ =	shalt  }
0x74: {  	_ =	shalt  }
0x75: {  	_ =	shalt  }
0x76: {  	_ =	shalt  }
0x77: {  	_ =	shalt  }
0x78: {  	_ =	shalt  }
0x79: {  	_ =	shalt  }
0x7a: {  	_ =	shalt  }
0x7b: {  	_ =	shalt  }
0x7c: {  	_ =	shalt  }
0x7d: {  	_ =	shalt  }
0x7e: {  	_ =	shalt  }
0x7f: {  	_ =	shalt  }
0x80: {  	_ =	shalt  }
0x81: {  	_ =	shalt  }
0x82: {  	_ =	shalt  }
0x83: {  	_ =	shalt  }
0x84: {  	_ =	shalt  }
0x85: {  	_ =	shalt  }
0x86: {  	_ =	shalt  }
0x87: {  	_ =	shalt  }
.Lfunc_end0:
.L_simem_size_0:
called_computation.2_lowered:
.L_overlay_start_0:
0x88: {  	s2 =	sld [smem:$0x3FD9]  }
0x89: {  	s3 =	sld [smem:$0x3FFE];
	_ =	sdelay $0x1  }
0x8a: {  	s1 =	srdreg.scid  }
0x8b: {  	s0 =	sand.u32 $0x1, s1  }
0x8c: {  	s16 =	sshll.u32 s0, $0xA;
	s2 =	sadd.s32 s3, s2  }
0x8d: {  	s2 =	sadd.s32 s2, s16  }
0x8e: {  	[smem:$0x3FAD] =	sst s2  }
0x8f: {  	_ = 	snop  }
0x90: {  	(tm) =	ssettm $0x1  }
0x91: {  	s17 =	sld [smem:$0x3FFB];
	_ =	sdelay $0x3  }
0x92: {  	_ =	strace s17  }
0x93: {  	s2 =	sld [smem:$0x3FFC];
	_ =	sdelay $0x3  }
0x94: {  	_ =	strace s2  }
0x95: {  	s2 =	sld [smem:$0x3FFD];
	_ =	sdelay $0x3  }
0x96: {  	_ =	strace s2  }
0x97: {  	_ =	strace $0x8FFFFFFF  }
0x98: {  	s18 =	sld [smem:$0x3FDB];
	_ =	sdelay $0x1  }
0x99: {  	s19 =	simm.s32 $_scs_section_size  }
0x9a: {  	s4 =	simm.s32 $_size__tile_overlayer_lowered;
	s5 =	simm.s32 $_tile_overlayer_lowered  }
0x9b: {  	s22 =	simm.s32 $0x1BFF;
	s21 =	sshll.u32 s5, $0x1;
	s2 =	sadd.s32 s19, s18  }
0x9c: {  	s6 =	simm.s32 $0x0;
	s20 =	sshll.u32 s4, $0x1;
	s4 =	sadd.s32 s21, s2  }
0x9d: {  	[timem:s6], [sflag:s22] =	dma.local [hbm:s4], s20  }
0x9e: {  	_ =	swait.ge [sflag:s22], s20  }
0x9f: {  	s3 =	ssub.s32 $0x0, s20;
	[sflag:s22] =	ssyncset.done $0x0  }
0xa0: {  	[sflag:s22] =	ssyncadd.s32 s3;
	_ =	sdelay $0x1  }
0xa1: {  	s23 =	simm.s32 $0x1B8B  }
0xa2: {  	_ =	swait.ge [sflag:s23], $0x1  }
0xa3: {  	[sflag:s23] =	ssyncset.done $0x0  }
0xa4: {  	s25 =	simm.s32 $0x1B8E;
	s24 =	sld [smem:$0x3FFE];
	[sflag:s23] =	ssyncadd.s32 $0xFFFFFFFF  }
0xa5: {  	s26 =	simm.s32 $execute0_lowered;
	[smem:$0x3FD2] =	sst s25  }
0xa6: {  	s4 =	sshll.u32 s26, $0x1;
	_ =	strace $0x8000004C;
	[dreg:$0x1] =	wrdreg $0xFFFFFFFF  }
0xa7: {  	s28 =	simm.s32 $_size_execute0_lowered;
	s2 =	sadd.s32 s2, s4;
	[dreg:$0x0] =	wrdreg $0x0  }
0xa8: {  	s4 =	sshll.u32 s28, $0x1;
	[dreg:$0x2] =	wrdreg s2  }
0xa9: {  	[dreg:$0x3] =	wrdreg s4  }
0xaa: {  	[dreg:$0x4] =	wrdreg $0xC0  }
0xab: {  	_ =	task [dreg:s6], $0x5FFFF  }
0xac: {  	[dreg:$0x1] =	wrdreg $0xFFFFFFFF  }
0xad: {  	[dreg:$0x0] =	wrdreg $0x60  }
0xae: {  	[dreg:$0x2] =	wrdreg s24  }
0xaf: {  	[dreg:$0x3] =	wrdreg $0x76200  }
0xb0: {  	[dreg:$0x4] =	wrdreg $0x9  }
0xb1: {  	_ =	task.clear_ibuf [dreg:s6], $0x5FFFF;
	_ =	strace $0x9000004C  }
0xb2: {  	s29 =	simm.s32 $0x9;
	_ =	strace $0x8000004E  }
0xb3: {  	_ =	swait.ge [sflag:s29], $0x1  }
0xb4: {  	[sflag:s29] =	ssyncadd.s32 $0xFFFFFFFF  }
0xb5: {  	_ =	strace $0x9000004E  }
0xb6: {  	_ =	sfence  }
0xb7: {  	s30 =	sld [smem:$0x0];
	_ =	sdelay $0x2  }
0xb8: {  	s31 =	sshll.u32 s1, $0xD;
	s1 =	sshrl.u32 s1, $0x2  }
0xb9: {  	s3 =	sand.u32 $0x4000, s31;
	s1 =	sadd.s32 s1, s30  }
0xba: {  	s0 =	sor.u32 s3, s0;
	s1 =	sshll.u32 s1, $0x11  }
0xbb: {  	s0 =	sor.u32 s1, s0  }
0xbc: {  	s0 =	sadd.s32 $0x8F2B, s0  }
0xbd: {  	[sflag:s0] =	ssyncadd.remote.s32 $0x1  }
0xbe: {  	_ =	sfence.sel $0xFFFF  }
0xbf: {  	[dreg:$0x0] =	wrdreg $0xFFFFFFFF;
	(pc) =	sbr.abs _section_cstart, $3  }
0xc0: {  	[dreg:$0x1] =	wrdreg $0xFFFFFFFF  }
0xc1: {  	_ =	task.clear_ibuf [dreg:s6], $0x2FFFF;
	_ =	strace $0x9FFFFFFF  }
0xc2: {  	(tm) =	ssettm $0x7FFFFFFF  }
0xc3: {  	_ =	shalt  }
tec
execute0_lowered:
.L_overlay_start_1:
0x0: {  	(tag) =	ssettag $0x1  }
0x1: {  	s0 =	srdreg.scid;
	s6 =	rddreg [dreg:$0x0]  }
0x2: {  	s2 =	rddreg [dreg:$0x1];
	s3 =	simm.s32 $0x0;
	s17 =	simm.s32 $0x3  }
0x3: {  	s18 =	simm.s32 $0x2710;
	s19 =	simm.s32 $0x4E20;
	s20 =	simm.s32 $0x50  }
0x4: {  	s21 =	simm.s32 $0x6220;
	s22 =	simm.s32 $0x1;
	s23 =	simm.s32 $0x2  }
0x5: {  	s24 =	simm.s32 $0x4DD0;
	s5 =	sand.u32 $0x1, s0;
	s0 =	stileid.u32  }
0x6: {  	s25 =	simm.s32 $0x0;
	[smem:$0x7FF] =	sst s3;
	s8 =	smul.u32 $0x1400, s0  }
0x7: {  	s1 =	sshll.u32 s5, $0x4;
	s9 =	smul.u32 $0x14000, s5;
	s5 =	ssub.s32 $0x2, s5  }
0x8: {  	s10 =	smul.u32 $0x28000, s0;
	s4 =	sor.u32 s0, s1;
	s1 =	rddreg [dreg:$0x2]  }
0x9: {  	_ =	strace $0x8000004D;
	s30 =	sshrl.u32 s5, $0x1;
	s7 =	smul.u32 $0x4E2, s4  }
0xa: {  	s4 =	sadd.s32 $0x16600, s6;
	s8 =	sadd.s32 s8, s9;
	s16 =	ssub.s32 s5, s30  }
0xb: {  	s31 =	sshrl.u32 s10, $0x2;
	s15 =	sadd.s32 s8, s6;
	s7 =	sadd.s32 s7, s6  }
0xc: {  	s5 =	sadd.s32 $0xC800, s7;
	s6 =	sadd.s32 $0x2A00, s7;
	s7 =	sadd.s32 s31, s2  }
0xd: {  	s16 =	smax.u32 s16, $0x1;
	s15 =	sadd.s32 $0x2A000, s15;
	s8 =	sadd.s32 $0x1400, s7  }
0xe: {  	s9 =	sadd.s32 $0x2800, s7;
	s10 =	sadd.s32 $0x3C00, s7;
	s11 =	sadd.s32 $0x5000, s7  }
0xf: {  	v0 =	vimm.f32 $0.0e+00;
	s12 =	sadd.s32 $0x6400, s7;
	s13 =	sadd.s32 $0x7800, s7;
	s14 =	sadd.s32 $0x8C00, s7  }
.LBB2_1:
0x10: {  	[tilespmem:s3], [sflag:$0x3] =	stream.linear.gather [hbm4b:s5+s3], $0x2710, $0x38;
	[tilespmem:$0x11620] =	vst v63  }
0x11: {  	_ =	swait.ge [sflag:s17], $0x2710  }
0x12: {  	[sflag:s17] =	ssyncset.done $0x0  }
0x13: {  	[sflag:s17] =	ssyncadd.s32 $0xFFFFD8F0  }
0x14: {  	[tilespmem:s18], [sflag:$0x3] =	stream.linear.gather [hbm4b:s6+s3], $0x2710, $0x38;
	[tilespmem:$0x11620] =	vst v63  }
0x15: {  	_ =	swait.ge [sflag:s17], $0x2710  }
0x16: {  	[sflag:s17] =	ssyncset.done $0x0  }
0x17: {  	s28 =	simm.s32 $0x100;
	s26 =	simm.s32 $0x0;
	[sflag:s17] =	ssyncadd.s32 $0xFFFFD8F0  }
.LBB2_2:
0x18: {  	p0 =	sne.s32 s28, $0x4F00;
	[tilespmem:s26+$0x4E50] =	vst v0;
	s29 =	smov.u32 s28;
	s28 =	sadd.s32 $0x100, s28  }
.Ltmp0:
0x19: {  	[tilespmem:s26+$0x4E40] =	vst v0;
	(pc) =	sbr.rel @p0 .LBB2_2-.Ltmp0, $3  }
0x1a: {  	[tilespmem:s26+$0x4E20] =	vst v0  }
0x1b: {  	[tilespmem:s26+$0x4E30] =	vst v0;
	_ =	sdelay $0x1  }
0x1c: {  	s26 =	sshra.s32 s29, $0x2  }
0x1d: {  	[tilespmem:s26+$0x4E50] =	vst v0  }
0x1e: {  	[tilespmem:s26+$0x4E40] =	vst v0  }
0x1f: {  	[tilespmem:s26+$0x4E20] =	vst v0  }
0x20: {  	[tilespmem:s26+$0x4E30] =	vst v0  }
0x21: {  	[spmem:s7] =	stream.linear.scatter [tilespmem:s19], [sflag:$0x3], $0x1400, $0x38;
	[tilespmem:$0x11620] =	vst v63  }
0x22: {  	_ =	swait.ge [sflag:s17], $0x1400  }
0x23: {  	[sflag:s17] =	ssyncset.done $0x0  }
0x24: {  	[sflag:s17] =	ssyncadd.s32 $0xFFFFEC00  }
0x25: {  	[spmem:s8] =	stream.linear.scatter [tilespmem:s19], [sflag:$0x3], $0x1400, $0x38;
	[tilespmem:$0x11620] =	vst v63  }
0x26: {  	_ =	swait.ge [sflag:s17], $0x1400  }
0x27: {  	[sflag:s17] =	ssyncset.done $0x0  }
0x28: {  	[sflag:s17] =	ssyncadd.s32 $0xFFFFEC00  }
0x29: {  	[spmem:s9] =	stream.linear.scatter [tilespmem:s19], [sflag:$0x3], $0x1400, $0x38;
	[tilespmem:$0x11620] =	vst v63  }
0x2a: {  	_ =	swait.ge [sflag:s17], $0x1400  }
0x2b: {  	[sflag:s17] =	ssyncset.done $0x0  }
0x2c: {  	[sflag:s17] =	ssyncadd.s32 $0xFFFFEC00  }
0x2d: {  	[spmem:s10] =	stream.linear.scatter [tilespmem:s19], [sflag:$0x3], $0x1400, $0x38;
	[tilespmem:$0x11620] =	vst v63  }
0x2e: {  	_ =	swait.ge [sflag:s17], $0x1400  }
0x2f: {  	[sflag:s17] =	ssyncset.done $0x0  }
0x30: {  	[sflag:s17] =	ssyncadd.s32 $0xFFFFEC00  }
0x31: {  	[spmem:s11] =	stream.linear.scatter [tilespmem:s19], [sflag:$0x3], $0x1400, $0x38;
	[tilespmem:$0x11620] =	vst v63  }
0x32: {  	_ =	swait.ge [sflag:s17], $0x1400  }
0x33: {  	[sflag:s17] =	ssyncset.done $0x0  }
0x34: {  	[sflag:s17] =	ssyncadd.s32 $0xFFFFEC00  }
0x35: {  	[spmem:s12] =	stream.linear.scatter [tilespmem:s19], [sflag:$0x3], $0x1400, $0x38;
	[tilespmem:$0x11620] =	vst v63  }
0x36: {  	_ =	swait.ge [sflag:s17], $0x1400  }
0x37: {  	[sflag:s17] =	ssyncset.done $0x0  }
0x38: {  	[sflag:s17] =	ssyncadd.s32 $0xFFFFEC00  }
0x39: {  	[spmem:s13] =	stream.linear.scatter [tilespmem:s19], [sflag:$0x3], $0x1400, $0x38;
	[tilespmem:$0x11620] =	vst v63  }
0x3a: {  	_ =	swait.ge [sflag:s17], $0x1400  }
0x3b: {  	[sflag:s17] =	ssyncset.done $0x0  }
0x3c: {  	[sflag:s17] =	ssyncadd.s32 $0xFFFFEC00  }
0x3d: {  	[spmem:s14] =	stream.linear.scatter [tilespmem:s19], [sflag:$0x3], $0x1400, $0x38;
	[tilespmem:$0x11620] =	vst v63  }
0x3e: {  	_ =	swait.ge [sflag:s17], $0x1400  }
0x3f: {  	[sflag:s17] =	ssyncset.done $0x0  }
0x40: {  	[sflag:s17] =	ssyncadd.s32 $0xFFFFEC00  }
0x41: {  	s30 =	simm.s32 $0x0;
	[bflag:$0x0] =	sbarrier.arrive $0xFFFF  }
0x42: {  	[tilespmem:s19], [sflag:$0x1] =	stream.indirect.gather [hbm4b:s4+s20], $0x40, s30, s20, $0xb8;
	[tilespmem:$0x11620] =	vst v63  }
0x43: {  	s31 =	simm.s32 $0x50  }
0x44: {  	[tilespmem:s21], [sflag:$0x2] =	stream.indirect.gather [hbm4b:s4+s20], $0x40, s31, s20, $0xb8;
	[tilespmem:$0x11620] =	vst v63  }
0x45: {  	_ =	swait.ge [sflag:s22], $0x1400  }
0x46: {  	[sflag:s22] =	ssyncset.done $0x0  }
0x47: {  	s29 =	simm.s32 $0x2710;
	[sflag:s22] =	ssyncadd.s32 $0xFFFFEC00  }
0x48: {  	[spmem:s2] =	stream.indirect.scatter.add.f32 [tilespmem:s19], [sflag:$0x3], $0x40, s29, s20, $0xb8;
	[tilespmem:$0x11620] =	vst v63  }
0x49: {  	_ =	swait.ge [sflag:s17], $0x1400  }
0x4a: {  	[sflag:s17] =	ssyncset.done $0x0  }
0x4b: {  	s30 =	simm.s32 $0xA0;
	[sflag:s17] =	ssyncadd.s32 $0xFFFFEC00  }
0x4c: {  	[tilespmem:s19], [sflag:$0x1] =	stream.indirect.gather [hbm4b:s4+s20], $0x40, s30, s20, $0xb8;
	[tilespmem:$0x11620] =	vst v63  }
0x4d: {  	_ =	swait.ge [sflag:s23], $0x1400  }
0x4e: {  	[sflag:s23] =	ssyncset.done $0x0  }
0x4f: {  	s31 =	simm.s32 $0x2760;
	[sflag:s23] =	ssyncadd.s32 $0xFFFFEC00  }
0x50: {  	[spmem:s2] =	stream.indirect.scatter.add.f32 [tilespmem:s21], [sflag:$0x3], $0x40, s31, s20, $0xb8;
	[tilespmem:$0x11620] =	vst v63  }
0x51: {  	_ =	swait.ge [sflag:s17], $0x1400  }
0x52: {  	s28 =	simm.s32 $0x500;
	s26 =	simm.s32 $0xA0;
	[sflag:s17] =	ssyncset.done $0x0  }
.LBB2_4:
0x53: {  	s29 =	sadd.s32 $0x50, s26  }
0x54: {  	[sflag:s17] =	ssyncadd.s32 $0xFFFFEC00;
	s30 =	smov.u32 s28;
	s31 =	sadd.s32 $0x280, s28  }
0x55: {  	[tilespmem:s21], [sflag:$0x2] =	stream.indirect.gather [hbm4b:s4+s20], $0x40, s29, s20, $0xb8;
	[tilespmem:$0x11620] =	vst v63  }
0x56: {  	p0 =	sne.s32 s28, $0x9880;
	_ =	swait.ge [sflag:s22], $0x1400  }
0x57: {  	[sflag:s22] =	ssyncset.done $0x0  }
0x58: {  	s28 =	sadd.s32 $0x2710, s26;
	[sflag:s22] =	ssyncadd.s32 $0xFFFFEC00  }
0x59: {  	[spmem:s2] =	stream.indirect.scatter.add.f32 [tilespmem:s19], [sflag:$0x3], $0x40, s28, s20, $0xb8;
	[tilespmem:$0x11620] =	vst v63  }
0x5a: {  	_ =	swait.ge [sflag:s17], $0x1400  }
0x5b: {  	[sflag:s17] =	ssyncset.done $0x0  }
0x5c: {  	s28 =	sadd.s32 $0xA0, s26;
	[sflag:s17] =	ssyncadd.s32 $0xFFFFEC00  }
0x5d: {  	[tilespmem:s19], [sflag:$0x1] =	stream.indirect.gather [hbm4b:s4+s20], $0x40, s28, s20, $0xb8;
	[tilespmem:$0x11620] =	vst v63  }
0x5e: {  	_ =	swait.ge [sflag:s23], $0x1400  }
.Ltmp1:
0x5f: {  	[sflag:s23] =	ssyncset.done $0x0;
	(pc) =	sbr.rel @p0 .LBB2_4-.Ltmp1, $4  }
0x60: {  	s26 =	sadd.s32 $0x2760, s26;
	[sflag:s23] =	ssyncadd.s32 $0xFFFFEC00  }
0x61: {  	[spmem:s2] =	stream.indirect.scatter.add.f32 [tilespmem:s21], [sflag:$0x3], $0x40, s26, s20, $0xb8;
	[tilespmem:$0x11620] =	vst v63  }
0x62: {  	_ =	swait.ge [sflag:s17], $0x1400  }
0x63: {  	s28 =	smov.u32 s31;
	s26 =	sshra.s32 s30, $0x2;
	[sflag:s17] =	ssyncset.done $0x0  }
0x64: {  	s28 =	sadd.s32 $0x50, s26;
	[sflag:s17] =	ssyncadd.s32 $0xFFFFEC00  }
0x65: {  	[tilespmem:s21], [sflag:$0x2] =	stream.indirect.gather [hbm4b:s4+s20], $0x40, s28, s20, $0xb8;
	[tilespmem:$0x11620] =	vst v63  }
0x66: {  	_ =	swait.ge [sflag:s22], $0x1400  }
0x67: {  	[sflag:s22] =	ssyncset.done $0x0  }
0x68: {  	s30 =	sadd.s32 $0x2710, s26;
	[sflag:s22] =	ssyncadd.s32 $0xFFFFEC00  }
0x69: {  	[spmem:s2] =	stream.indirect.scatter.add.f32 [tilespmem:s19], [sflag:$0x3], $0x40, s30, s20, $0xb8;
	[tilespmem:$0x11620] =	vst v63  }
0x6a: {  	_ =	swait.ge [sflag:s17], $0x1400  }
0x6b: {  	[sflag:s17] =	ssyncset.done $0x0  }
0x6c: {  	s31 =	sadd.s32 $0xA0, s26;
	[sflag:s17] =	ssyncadd.s32 $0xFFFFEC00  }
0x6d: {  	[tilespmem:s19], [sflag:$0x1] =	stream.indirect.gather [hbm4b:s4+s20], $0x40, s31, s20, $0xb8;
	[tilespmem:$0x11620] =	vst v63  }
0x6e: {  	_ =	swait.ge [sflag:s23], $0x1400  }
0x6f: {  	[sflag:s23] =	ssyncset.done $0x0  }
0x70: {  	s29 =	sadd.s32 $0x2760, s26;
	[sflag:s23] =	ssyncadd.s32 $0xFFFFEC00  }
0x71: {  	[spmem:s2] =	stream.indirect.scatter.add.f32 [tilespmem:s21], [sflag:$0x3], $0x40, s29, s20, $0xb8;
	[tilespmem:$0x11620] =	vst v63  }
0x72: {  	_ =	swait.ge [sflag:s17], $0x1400  }
0x73: {  	[sflag:s17] =	ssyncset.done $0x0  }
0x74: {  	[sflag:s17] =	ssyncadd.s32 $0xFFFFEC00  }
0x75: {  	_ =	swait.ge [sflag:s22], $0x1400  }
0x76: {  	[sflag:s22] =	ssyncset.done $0x0  }
0x77: {  	[sflag:s22] =	ssyncadd.s32 $0xFFFFEC00  }
0x78: {  	[spmem:s2] =	stream.indirect.scatter.add.f32 [tilespmem:s19], [sflag:$0x3], $0x40, s24, s20, $0xb8;
	[tilespmem:$0x11620] =	vst v63  }
0x79: {  	_ =	swait.ge [sflag:s17], $0x1400  }
0x7a: {  	s25 =	sadd.s32 $0x1, s25;
	s30 =	sshll.u32 s0, $0x6;
	[sflag:s17] =	ssyncset.done $0x0  }
0x7b: {  	p0 =	sne.s32 s25, s16;
	s26 =	sor.u32 $0x1C03, s30;
	[sflag:s17] =	ssyncadd.s32 $0xFFFFEC00  }
.Ltmp2:
0x7c: {  	s31 =	sshrl.u32 s7, $0x3;
	[bflag:$0x0] =	sbarrier.arrive $0xFFFF;
	(pc) =	sbr.rel @p0 .LBB2_1-.Ltmp2, $4  }
0x7d: {  	[hbm:s15], [sflag:s26] =	dma.local [spmem:s31], $0x1400  }
0x7e: {  	_ =	swait.ge [sflag:s17], $0x1400  }
0x7f: {  	[sflag:s17] =	ssyncset.done $0x0  }
0x80: {  	[sflag:s17] =	ssyncadd.s32 $0xFFFFEC00  }
0x81: {  	_ =	sfence.sel $0x180000  }
0x82: {  	[bflag:$0x0] =	sbarrier.arrive $0xFFFF  }
0x83: {  	p0 =	sne.s32 s0, $0x0;
	_ =	strace $0x9000004D  }
0x84: {  	s0 =	sadd.s32 @!p0 $0x100000, s1;
	[bflag:$0x2] =	sbarrier.arrive $0xFFFF  }
0x85: {  	[sflag:s0] =	ssyncadd.tile.s32 @!p0 $0x1;
	_ =	shalt  }
.Lfunc_end2:
_tile_overlayer_lowered:
.L_overlay_start_2:
0x86: {  	(tag) =	ssettag $0x2  }
0x87: {  	s0 =	rddreg [dreg:$0x0];
	s2 =	stileid.u32  }
0x88: {  	s1 =	rddreg [dreg:$0x1];
	p0 =	sne.s32 s2, $0x0  }
0x89: {  	s3 =	rddreg [dreg:$0x2];
	[bflag:$0x3] =	sbarrier.arrive $0xFFFF;
	s2 =	simm.s32 @!p0 $0x1C03  }
0x8a: {  	[timem:s3], [sflag:s2] =	dma.local @!p0 [hbm:s0], s1  }
0x8b: {  	s0 =	simm.s32 @!p0 $0x3  }
0x8c: {  	_ =	swait.ge @!p0 [sflag:s0], s1  }
0x8d: {  	s1 =	ssub.s32 @!p0 $0x0, s1;
	[sflag:s0] =	ssyncset.done @!p0 $0x0  }
0x8e: {  	[sflag:s0] =	ssyncadd.s32 @!p0 s1  }
0x8f: {  	[bflag:$0x3] =	sbarrier.arrive $0xFFFF  }
0x90: {  	_ =	shalt  }

// kernel: kernel.9.cloned.1.call-start
scs
__scs_entry_jumppad:
0x0: {  	(pc) =	sbr.rel $0x88, $3  }
0x1: {  	(tag) =	ssettag $0x0;
	lr =	simm.s32 $0x1  }
0x2: {  	[smem:$0x3F86] =	sst lr;
	_ =	strace $0xD0000000  }
0x3: {  	_ = 	snop  }
0x4: {  	_ = 	snop  }
0x5: {  	_ = 	snop  }
0x6: {  	_ = 	snop  }
0x7: {  	_ = 	snop  }
__scs_overlays_trampoline_lowered:
0x8: {  	[smem:$0x3F95] =	sst s0  }
0x9: {  	[smem:$0x3F96] =	sst s1  }
0xa: {  	[smem:$0x3F97] =	sst s2  }
0xb: {  	[smem:$0x3F98] =	sst s3  }
0xc: {  	[smem:$0x3F99] =	sst s4  }
0xd: {  	[smem:$0x3F9A] =	sst s5  }
0xe: {  	[smem:$0x3F9B] =	sst s6  }
0xf: {  	[smem:$0x3F9C] =	sst s7  }
0x10: {  	[smem:$0x3F9D] =	sst s8  }
0x11: {  	[smem:$0x3F9E] =	sst s9;
	s0 =	simm.s32 @!p0 $0x0  }
0x12: {  	s1 =	sld [smem:$0x3F84];
	s0 =	simm.s32 @p0 $0x1  }
0x13: {  	[smem:$0x3F9F] =	sst s0;
	s0 =	simm.s32 @!p1 $0x0  }
0x14: {  	s2 =	sld [smem:$0x3F83];
	s0 =	simm.s32 @p1 $0x1  }
0x15: {  	[smem:$0x3FA0] =	sst s0;
	s0 =	simm.s32 @!p2 $0x0  }
0x16: {  	s3 =	sld [smem:$0x3FDB];
	s0 =	simm.s32 @p2 $0x1  }
0x17: {  	s4 =	simm.s32 $0x1BF5;
	[smem:$0x3FA2] =	sst s0  }
0x18: {  	s0 =	sld [smem:$0x3F85];
	_ =	swait.ge [sflag:s4], $0x0  }
0x19: {  	s7 =	sld [smem:$0x3F86]  }
0x1a: {  	s8 =	sadd.s32 $0xFFFFE003, lr  }
0x1b: {  	s9 =	sadd.s32 $0xFFFFFEF7, lr;
	s5 =	simm.s32 $0xFFFFFFFF;
	p2 =	slt.u32 s8, $0xFFFFF086  }
0x1c: {  	p1 =	slt.u32 s9, $0xF7A;
	s5 =	simm.s32 @!p2 $0x0  }
0x1d: {  	s5 =	simm.s32 @p1 $0x1;
	p0 =	seq.s32 s7, s2  }
0x1e: {  	s7 =	smul.u32 @!p0 $0xF7A, s2;
	p2 =	seq.s32 @!p0 s5, $0x0  }
0x1f: {  	s9 =	smul.u32 $0xF7A, s1;
	s8 =	simm.s32 @!p0 $0x1BF5;
	p2 =	por !p2, p0  }
0x20: {  	[sflag:s8] =	ssyncset.s32 @!p0 $0xFFFFF086;
	s6 =	sadd.s32 @!p0 s3, s7;
	s7 =	simm.s32 @!p0 $0x108  }
0x21: {  	s3 =	sadd.s32 s3, s9;
	s6 =	sadd.s32 @!p0 $0x88, s6;
	s7 =	simm.s32 @p2 $0x1082  }
0x22: {  	[simem:s7], [sflag:s8] =	dma.local @!p0 [hbm:s6], $0xF7A  }
0x23: {  	s9 =	sor.u32 $0xD0000000, s2;
	s6 =	simm.s32 $0x108;
	_ =	swait.ge @!p0 [sflag:s8], $0x0  }
0x24: {  	s3 =	sadd.s32 $0x88, s3;
	s6 =	simm.s32 @!p1 $0x1082;
	[sflag:s4] =	ssyncset.s32 $0xFFFFF086  }
0x25: {  	[simem:s6], [sflag:s4] =	dma.local [hbm:s3], $0xF7A  }
0x26: {  	[smem:$0x3F86] =	sst s1;
	(tag) =	ssettag s2;
	_ =	strace s9  }
0x27: {  	s1 =	sld [smem:$0x3F96]  }
0x28: {  	s2 =	sld [smem:$0x3F97]  }
0x29: {  	s4 =	sld [smem:$0x3F99]  }
0x2a: {  	p0 =	seq.s32 s5, $0x0;
	s5 =	sld [smem:$0x3F9A]  }
0x2b: {  	s6 =	sld [smem:$0x3F9B]  }
0x2c: {  	s7 =	sld [smem:$0x3F9C]  }
0x2d: {  	s3 =	simm.s32 $0x108;
	s8 =	sld [smem:$0x3F9D]  }
0x2e: {  	s3 =	simm.s32 @!p0 $0x1082;
	s9 =	sld [smem:$0x3F9E]  }
0x2f: {  	lr =	sadd.s32 s0, s3;
	s0 =	sld [smem:$0x3F95]  }
0x30: {  	s3 =	sld [smem:$0x3F98]  }
0x31: {  	[smem:$0x3FA1] =	sst s10  }
0x32: {  	s10 =	sld [smem:$0x3F9F];
	_ =	sdelay $0x3  }
0x33: {  	p0 =	seq.s32 s10, $0x1;
	s10 =	sld [smem:$0x3FA1];
	_ =	sdelay $0x3  }
0x34: {  	[smem:$0x3FA1] =	sst s10  }
0x35: {  	s10 =	sld [smem:$0x3FA0];
	_ =	sdelay $0x3  }
0x36: {  	p1 =	seq.s32 s10, $0x1;
	s10 =	sld [smem:$0x3FA1];
	_ =	sdelay $0x3  }
0x37: {  	[smem:$0x3FA1] =	sst s10  }
0x38: {  	s10 =	sld [smem:$0x3FA2]  }
0x39: {  	_ = 	snop;
	(pc) =	sbr.ind lr, $3  }
0x3a: {  	_ = 	snop  }
0x3b: {  	_ = 	snop  }
0x3c: {  	p2 =	seq.s32 s10, $0x1;
	s10 =	sld [smem:$0x3FA1]  }
0x3d: {  	_ =	shalt  }
0x3e: {  	_ =	shalt  }
0x3f: {  	_ =	shalt  }
0x40: {  	_ =	shalt  }
0x41: {  	_ =	shalt  }
0x42: {  	_ =	shalt  }
0x43: {  	_ =	shalt  }
0x44: {  	_ =	shalt  }
0x45: {  	_ =	shalt  }
0x46: {  	_ =	shalt  }
0x47: {  	_ =	shalt  }
0x48: {  	_ =	shalt  }
0x49: {  	_ =	shalt  }
0x4a: {  	_ =	shalt  }
0x4b: {  	_ =	shalt  }
0x4c: {  	_ =	shalt  }
0x4d: {  	_ =	shalt  }
0x4e: {  	_ =	shalt  }
0x4f: {  	_ =	shalt  }
0x50: {  	_ =	shalt  }
0x51: {  	_ =	shalt  }
0x52: {  	_ =	shalt  }
0x53: {  	_ =	shalt  }
0x54: {  	_ =	shalt  }
0x55: {  	_ =	shalt  }
0x56: {  	_ =	shalt  }
0x57: {  	_ =	shalt  }
0x58: {  	_ =	shalt  }
0x59: {  	_ =	shalt  }
0x5a: {  	_ =	shalt  }
0x5b: {  	_ =	shalt  }
0x5c: {  	_ =	shalt  }
0x5d: {  	_ =	shalt  }
0x5e: {  	_ =	shalt  }
0x5f: {  	_ =	shalt  }
0x60: {  	_ =	shalt  }
0x61: {  	_ =	shalt  }
0x62: {  	_ =	shalt  }
0x63: {  	_ =	shalt  }
0x64: {  	_ =	shalt  }
0x65: {  	_ =	shalt  }
0x66: {  	_ =	shalt  }
0x67: {  	_ =	shalt  }
0x68: {  	_ =	shalt  }
0x69: {  	_ =	shalt  }
0x6a: {  	_ =	shalt  }
0x6b: {  	_ =	shalt  }
0x6c: {  	_ =	shalt  }
0x6d: {  	_ =	shalt  }
0x6e: {  	_ =	shalt  }
0x6f: {  	_ =	shalt  }
0x70: {  	_ =	shalt  }
0x71: {  	_ =	shalt  }
0x72: {  	_ =	shalt  }
0x73: {  	_ =	shalt  }
0x74: {  	_ =	shalt  }
0x75: {  	_ =	shalt  }
0x76: {  	_ =	shalt  }
0x77: {  	_ =	shalt  }
0x78: {  	_ =	shalt  }
0x79: {  	_ =	shalt  }
0x7a: {  	_ =	shalt  }
0x7b: {  	_ =	shalt  }
0x7c: {  	_ =	shalt  }
0x7d: {  	_ =	shalt  }
0x7e: {  	_ =	shalt  }
0x7f: {  	_ =	shalt  }
0x80: {  	_ =	shalt  }
0x81: {  	_ =	shalt  }
0x82: {  	_ =	shalt  }
0x83: {  	_ =	shalt  }
0x84: {  	_ =	shalt  }
0x85: {  	_ =	shalt  }
0x86: {  	_ =	shalt  }
0x87: {  	_ =	shalt  }
.Lfunc_end0:
.L_simem_size_0:
called_computation_lowered:
.L_overlay_start_0:
0x88: {  	s2 =	sld [smem:$0x3FD9]  }
0x89: {  	s3 =	sld [smem:$0x3FFE];
	_ =	sdelay $0x1  }
0x8a: {  	s1 =	srdreg.scid  }
0x8b: {  	s0 =	sand.u32 $0x1, s1  }
0x8c: {  	s16 =	sshll.u32 s0, $0xA;
	s2 =	sadd.s32 s3, s2  }
0x8d: {  	s2 =	sadd.s32 s2, s16  }
0x8e: {  	[smem:$0x3FAD] =	sst s2  }
0x8f: {  	_ = 	snop  }
0x90: {  	(tm) =	ssettm $0x1  }
0x91: {  	s17 =	sld [smem:$0x3FFB];
	_ =	sdelay $0x3  }
0x92: {  	_ =	strace s17  }
0x93: {  	s2 =	sld [smem:$0x3FFC];
	_ =	sdelay $0x3  }
0x94: {  	_ =	strace s2  }
0x95: {  	s2 =	sld [smem:$0x3FFD];
	_ =	sdelay $0x3  }
0x96: {  	_ =	strace s2  }
0x97: {  	_ =	strace $0x8FFFFFFF  }
0x98: {  	s18 =	sld [smem:$0x3FDB];
	_ =	sdelay $0x1  }
0x99: {  	s19 =	simm.s32 $_scs_section_size  }
0x9a: {  	s4 =	simm.s32 $_size__tile_overlayer_lowered;
	s5 =	simm.s32 $_tile_overlayer_lowered  }
0x9b: {  	s22 =	simm.s32 $0x1BFF;
	s21 =	sshll.u32 s5, $0x1;
	s2 =	sadd.s32 s19, s18  }
0x9c: {  	s6 =	simm.s32 $0x0;
	s20 =	sshll.u32 s4, $0x1;
	s4 =	sadd.s32 s21, s2  }
0x9d: {  	[timem:s6], [sflag:s22] =	dma.local [hbm:s4], s20  }
0x9e: {  	_ =	swait.ge [sflag:s22], s20  }
0x9f: {  	s3 =	ssub.s32 $0x0, s20;
	[sflag:s22] =	ssyncset.done $0x0  }
0xa0: {  	[sflag:s22] =	ssyncadd.s32 s3;
	_ =	sdelay $0x1  }
0xa1: {  	s23 =	simm.s32 $0x1B8B  }
0xa2: {  	_ =	swait.ge [sflag:s23], $0x1  }
0xa3: {  	[sflag:s23] =	ssyncset.done $0x0  }
0xa4: {  	s25 =	simm.s32 $0x1B8E;
	s24 =	sld [smem:$0x3FFE];
	[sflag:s23] =	ssyncadd.s32 $0xFFFFFFFF  }
0xa5: {  	s26 =	simm.s32 $execute0_lowered;
	[smem:$0x3FD2] =	sst s25  }
0xa6: {  	s4 =	sshll.u32 s26, $0x1;
	_ =	strace $0x80000046;
	[dreg:$0x1] =	wrdreg $0xFFFFFFFF  }
0xa7: {  	s28 =	simm.s32 $_size_execute0_lowered;
	s2 =	sadd.s32 s2, s4;
	[dreg:$0x0] =	wrdreg $0x0  }
0xa8: {  	s4 =	sshll.u32 s28, $0x1;
	[dreg:$0x2] =	wrdreg s2  }
0xa9: {  	[dreg:$0x3] =	wrdreg s4  }
0xaa: {  	[dreg:$0x4] =	wrdreg $0xC0  }
0xab: {  	_ =	task [dreg:s6], $0x5FFFF  }
0xac: {  	[dreg:$0x1] =	wrdreg $0xFFFFFFFF  }
0xad: {  	[dreg:$0x0] =	wrdreg $0x60  }
0xae: {  	[dreg:$0x2] =	wrdreg s24  }
0xaf: {  	[dreg:$0x3] =	wrdreg $0xA3200  }
0xb0: {  	[dreg:$0x4] =	wrdreg $0x9  }
0xb1: {  	_ =	task.clear_ibuf [dreg:s6], $0x5FFFF;
	_ =	strace $0x90000046  }
0xb2: {  	s29 =	simm.s32 $0x9;
	_ =	strace $0x80000048  }
0xb3: {  	_ =	swait.ge [sflag:s29], $0x1  }
0xb4: {  	[sflag:s29] =	ssyncadd.s32 $0xFFFFFFFF  }
0xb5: {  	_ =	strace $0x90000048  }
0xb6: {  	_ =	sfence  }
0xb7: {  	s30 =	sld [smem:$0x0];
	_ =	sdelay $0x2  }
0xb8: {  	s31 =	sshll.u32 s1, $0xD;
	s1 =	sshrl.u32 s1, $0x2  }
0xb9: {  	s3 =	sand.u32 $0x4000, s31;
	s1 =	sadd.s32 s1, s30  }
0xba: {  	s0 =	sor.u32 s3, s0;
	s1 =	sshll.u32 s1, $0x11  }
0xbb: {  	s0 =	sor.u32 s1, s0  }
0xbc: {  	s0 =	sadd.s32 $0x8F2B, s0  }
0xbd: {  	[sflag:s0] =	ssyncadd.remote.s32 $0x1  }
0xbe: {  	_ =	sfence.sel $0xFFFF  }
0xbf: {  	[dreg:$0x0] =	wrdreg $0xFFFFFFFF;
	(pc) =	sbr.abs _section_cstart, $3  }
0xc0: {  	[dreg:$0x1] =	wrdreg $0xFFFFFFFF  }
0xc1: {  	_ =	task.clear_ibuf [dreg:s6], $0x2FFFF;
	_ =	strace $0x9FFFFFFF  }
0xc2: {  	(tm) =	ssettm $0x7FFFFFFF  }
0xc3: {  	_ =	shalt  }
tec
execute0_lowered:
.L_overlay_start_1:
0x0: {  	(tag) =	ssettag $0x1  }
0x1: {  	s0 =	srdreg.scid;
	s6 =	rddreg [dreg:$0x0]  }
0x2: {  	s2 =	rddreg [dreg:$0x1];
	s3 =	simm.s32 $0x0;
	s17 =	simm.s32 $0x3  }
0x3: {  	s18 =	simm.s32 $0x2710;
	s19 =	simm.s32 $0x4E20;
	s20 =	simm.s32 $0x50  }
0x4: {  	s21 =	simm.s32 $0x78A0;
	s22 =	simm.s32 $0x1;
	s23 =	simm.s32 $0x2  }
0x5: {  	s24 =	simm.s32 $0x4DD0;
	s5 =	sand.u32 $0x1, s0;
	s0 =	stileid.u32  }
0x6: {  	s25 =	simm.s32 $0x0;
	[smem:$0x7FF] =	sst s3;
	s8 =	smul.u32 $0x2A80, s0  }
0x7: {  	s1 =	sshll.u32 s5, $0x4;
	s9 =	smul.u32 $0x2A800, s5;
	s5 =	ssub.s32 $0x2, s5  }
0x8: {  	s10 =	smul.u32 $0x55000, s0;
	s4 =	sor.u32 s0, s1;
	s1 =	rddreg [dreg:$0x2]  }
0x9: {  	_ =	strace $0x80000047;
	s30 =	sshrl.u32 s5, $0x1;
	s7 =	smul.u32 $0x4E2, s4  }
0xa: {  	s4 =	sadd.s32 $0x16600, s6;
	s8 =	sadd.s32 s8, s9;
	s16 =	ssub.s32 s5, s30  }
0xb: {  	s31 =	sshrl.u32 s10, $0x2;
	s15 =	sadd.s32 s8, s6;
	s7 =	sadd.s32 s7, s6  }
0xc: {  	s5 =	sadd.s32 $0xC800, s7;
	s6 =	sadd.s32 $0x2A00, s7;
	s7 =	sadd.s32 s31, s2  }
0xd: {  	s16 =	smax.u32 s16, $0x1;
	s15 =	sadd.s32 $0x40000, s15;
	s8 =	sadd.s32 $0x2A80, s7  }
0xe: {  	s9 =	sadd.s32 $0x5500, s7;
	s10 =	sadd.s32 $0x7F80, s7;
	s11 =	sadd.s32 $0xAA00, s7  }
0xf: {  	v0 =	vimm.f32 $0.0e+00;
	s12 =	sadd.s32 $0xD480, s7;
	s13 =	sadd.s32 $0xFF00, s7;
	s14 =	sadd.s32 $0x12980, s7  }
.LBB2_1:
0x10: {  	[tilespmem:s3], [sflag:$0x3] =	stream.linear.gather [hbm4b:s5+s3], $0x2710, $0x38;
	[tilespmem:$0x1F720] =	vst v63  }
0x11: {  	_ =	swait.ge [sflag:s17], $0x2710  }
0x12: {  	[sflag:s17] =	ssyncset.done $0x0  }
0x13: {  	[sflag:s17] =	ssyncadd.s32 $0xFFFFD8F0  }
0x14: {  	[tilespmem:s18], [sflag:$0x3] =	stream.linear.gather [hbm4b:s6+s3], $0x2710, $0x38;
	[tilespmem:$0x1F720] =	vst v63  }
0x15: {  	_ =	swait.ge [sflag:s17], $0x2710  }
0x16: {  	[sflag:s17] =	ssyncset.done $0x0  }
0x17: {  	s26 =	simm.s32 $0x0;
	[sflag:s17] =	ssyncadd.s32 $0xFFFFD8F0  }
0x18: {  	s28 =	simm.s32 $0x220;
	[tilespmem:s26+$0x4E90] =	vst v0  }
.LBB2_2:
0x19: {  	p0 =	sne.s32 s28, $0xA7E0;
	[tilespmem:s26+$0x4E98] =	vst v0  }
0x1a: {  	[tilespmem:s26+$0x4E20] =	vst v0  }
0x1b: {  	[tilespmem:s26+$0x4E30] =	vst v0  }
0x1c: {  	[tilespmem:s26+$0x4E40] =	vst v0  }
.Ltmp0:
0x1d: {  	[tilespmem:s26+$0x4E50] =	vst v0;
	(pc) =	sbr.rel @p0 .LBB2_2-.Ltmp0, $4  }
0x1e: {  	[tilespmem:s26+$0x4E60] =	vst v0  }
0x1f: {  	[tilespmem:s26+$0x4E70] =	vst v0  }
0x20: {  	[tilespmem:s26+$0x4E80] =	vst v0;
	s26 =	sshra.s32 s28, $0x2  }
0x21: {  	s28 =	sadd.s32 $0x220, s28;
	[tilespmem:s26+$0x4E90] =	vst v0  }
0x22: {  	[tilespmem:s26+$0x4E98] =	vst v0  }
0x23: {  	[tilespmem:s26+$0x4E20] =	vst v0  }
0x24: {  	[tilespmem:s26+$0x4E30] =	vst v0  }
0x25: {  	[tilespmem:s26+$0x4E40] =	vst v0  }
0x26: {  	[tilespmem:s26+$0x4E50] =	vst v0  }
0x27: {  	[tilespmem:s26+$0x4E60] =	vst v0  }
0x28: {  	[tilespmem:s26+$0x4E70] =	vst v0  }
0x29: {  	[tilespmem:s26+$0x4E80] =	vst v0  }
0x2a: {  	[spmem:s7] =	stream.linear.scatter [tilespmem:s19], [sflag:$0x3], $0x2A80, $0x38;
	[tilespmem:$0x1F720] =	vst v63  }
0x2b: {  	_ =	swait.ge [sflag:s17], $0x2A80  }
0x2c: {  	[sflag:s17] =	ssyncset.done $0x0  }
0x2d: {  	[sflag:s17] =	ssyncadd.s32 $0xFFFFD580  }
0x2e: {  	[spmem:s8] =	stream.linear.scatter [tilespmem:s19], [sflag:$0x3], $0x2A80, $0x38;
	[tilespmem:$0x1F720] =	vst v63  }
0x2f: {  	_ =	swait.ge [sflag:s17], $0x2A80  }
0x30: {  	[sflag:s17] =	ssyncset.done $0x0  }
0x31: {  	[sflag:s17] =	ssyncadd.s32 $0xFFFFD580  }
0x32: {  	[spmem:s9] =	stream.linear.scatter [tilespmem:s19], [sflag:$0x3], $0x2A80, $0x38;
	[tilespmem:$0x1F720] =	vst v63  }
0x33: {  	_ =	swait.ge [sflag:s17], $0x2A80  }
0x34: {  	[sflag:s17] =	ssyncset.done $0x0  }
0x35: {  	[sflag:s17] =	ssyncadd.s32 $0xFFFFD580  }
0x36: {  	[spmem:s10] =	stream.linear.scatter [tilespmem:s19], [sflag:$0x3], $0x2A80, $0x38;
	[tilespmem:$0x1F720] =	vst v63  }
0x37: {  	_ =	swait.ge [sflag:s17], $0x2A80  }
0x38: {  	[sflag:s17] =	ssyncset.done $0x0  }
0x39: {  	[sflag:s17] =	ssyncadd.s32 $0xFFFFD580  }
0x3a: {  	[spmem:s11] =	stream.linear.scatter [tilespmem:s19], [sflag:$0x3], $0x2A80, $0x38;
	[tilespmem:$0x1F720] =	vst v63  }
0x3b: {  	_ =	swait.ge [sflag:s17], $0x2A80  }
0x3c: {  	[sflag:s17] =	ssyncset.done $0x0  }
0x3d: {  	[sflag:s17] =	ssyncadd.s32 $0xFFFFD580  }
0x3e: {  	[spmem:s12] =	stream.linear.scatter [tilespmem:s19], [sflag:$0x3], $0x2A80, $0x38;
	[tilespmem:$0x1F720] =	vst v63  }
0x3f: {  	_ =	swait.ge [sflag:s17], $0x2A80  }
0x40: {  	[sflag:s17] =	ssyncset.done $0x0  }
0x41: {  	[sflag:s17] =	ssyncadd.s32 $0xFFFFD580  }
0x42: {  	[spmem:s13] =	stream.linear.scatter [tilespmem:s19], [sflag:$0x3], $0x2A80, $0x38;
	[tilespmem:$0x1F720] =	vst v63  }
0x43: {  	_ =	swait.ge [sflag:s17], $0x2A80  }
0x44: {  	[sflag:s17] =	ssyncset.done $0x0  }
0x45: {  	[sflag:s17] =	ssyncadd.s32 $0xFFFFD580  }
0x46: {  	[spmem:s14] =	stream.linear.scatter [tilespmem:s19], [sflag:$0x3], $0x2A80, $0x38;
	[tilespmem:$0x1F720] =	vst v63  }
0x47: {  	_ =	swait.ge [sflag:s17], $0x2A80  }
0x48: {  	[sflag:s17] =	ssyncset.done $0x0  }
0x49: {  	[sflag:s17] =	ssyncadd.s32 $0xFFFFD580  }
0x4a: {  	s30 =	simm.s32 $0x0;
	[bflag:$0x0] =	sbarrier.arrive $0xFFFF  }
0x4b: {  	[tilespmem:s19], [sflag:$0x1] =	stream.indirect.gather [hbm4b:s4+s20], $0x88, s30, s20, $0xb8;
	[tilespmem:$0x1F720] =	vst v63  }
0x4c: {  	s31 =	simm.s32 $0x50  }
0x4d: {  	[tilespmem:s21], [sflag:$0x2] =	stream.indirect.gather [hbm4b:s4+s20], $0x88, s31, s20, $0xb8;
	[tilespmem:$0x1F720] =	vst v63  }
0x4e: {  	_ =	swait.ge [sflag:s22], $0x2A80  }
0x4f: {  	[sflag:s22] =	ssyncset.done $0x0  }
0x50: {  	s29 =	simm.s32 $0x2710;
	[sflag:s22] =	ssyncadd.s32 $0xFFFFD580  }
0x51: {  	[spmem:s2] =	stream.indirect.scatter.add.f32 [tilespmem:s19], [sflag:$0x3], $0x88, s29, s20, $0xb8;
	[tilespmem:$0x1F720] =	vst v63  }
0x52: {  	_ =	swait.ge [sflag:s17], $0x2A80  }
0x53: {  	[sflag:s17] =	ssyncset.done $0x0  }
0x54: {  	s30 =	simm.s32 $0xA0;
	[sflag:s17] =	ssyncadd.s32 $0xFFFFD580  }
0x55: {  	[tilespmem:s19], [sflag:$0x1] =	stream.indirect.gather [hbm4b:s4+s20], $0x88, s30, s20, $0xb8;
	[tilespmem:$0x1F720] =	vst v63  }
0x56: {  	_ =	swait.ge [sflag:s23], $0x2A80  }
0x57: {  	[sflag:s23] =	ssyncset.done $0x0  }
0x58: {  	s31 =	simm.s32 $0x2760;
	[sflag:s23] =	ssyncadd.s32 $0xFFFFD580  }
0x59: {  	[spmem:s2] =	stream.indirect.scatter.add.f32 [tilespmem:s21], [sflag:$0x3], $0x88, s31, s20, $0xb8;
	[tilespmem:$0x1F720] =	vst v63  }
0x5a: {  	_ =	swait.ge [sflag:s17], $0x2A80  }
0x5b: {  	s28 =	simm.s32 $0x500;
	s26 =	simm.s32 $0xA0;
	[sflag:s17] =	ssyncset.done $0x0  }
.LBB2_4:
0x5c: {  	s29 =	sadd.s32 $0x50, s26  }
0x5d: {  	[sflag:s17] =	ssyncadd.s32 $0xFFFFD580;
	s30 =	smov.u32 s28;
	s31 =	sadd.s32 $0x280, s28  }
0x5e: {  	[tilespmem:s21], [sflag:$0x2] =	stream.indirect.gather [hbm4b:s4+s20], $0x88, s29, s20, $0xb8;
	[tilespmem:$0x1F720] =	vst v63  }
0x5f: {  	p0 =	sne.s32 s28, $0x9880;
	_ =	swait.ge [sflag:s22], $0x2A80  }
0x60: {  	[sflag:s22] =	ssyncset.done $0x0  }
0x61: {  	s28 =	sadd.s32 $0x2710, s26;
	[sflag:s22] =	ssyncadd.s32 $0xFFFFD580  }
0x62: {  	[spmem:s2] =	stream.indirect.scatter.add.f32 [tilespmem:s19], [sflag:$0x3], $0x88, s28, s20, $0xb8;
	[tilespmem:$0x1F720] =	vst v63  }
0x63: {  	_ =	swait.ge [sflag:s17], $0x2A80  }
0x64: {  	[sflag:s17] =	ssyncset.done $0x0  }
0x65: {  	s28 =	sadd.s32 $0xA0, s26;
	[sflag:s17] =	ssyncadd.s32 $0xFFFFD580  }
0x66: {  	[tilespmem:s19], [sflag:$0x1] =	stream.indirect.gather [hbm4b:s4+s20], $0x88, s28, s20, $0xb8;
	[tilespmem:$0x1F720] =	vst v63  }
0x67: {  	_ =	swait.ge [sflag:s23], $0x2A80  }
.Ltmp1:
0x68: {  	[sflag:s23] =	ssyncset.done $0x0;
	(pc) =	sbr.rel @p0 .LBB2_4-.Ltmp1, $4  }
0x69: {  	s26 =	sadd.s32 $0x2760, s26;
	[sflag:s23] =	ssyncadd.s32 $0xFFFFD580  }
0x6a: {  	[spmem:s2] =	stream.indirect.scatter.add.f32 [tilespmem:s21], [sflag:$0x3], $0x88, s26, s20, $0xb8;
	[tilespmem:$0x1F720] =	vst v63  }
0x6b: {  	_ =	swait.ge [sflag:s17], $0x2A80  }
0x6c: {  	s28 =	smov.u32 s31;
	s26 =	sshra.s32 s30, $0x2;
	[sflag:s17] =	ssyncset.done $0x0  }
0x6d: {  	s28 =	sadd.s32 $0x50, s26;
	[sflag:s17] =	ssyncadd.s32 $0xFFFFD580  }
0x6e: {  	[tilespmem:s21], [sflag:$0x2] =	stream.indirect.gather [hbm4b:s4+s20], $0x88, s28, s20, $0xb8;
	[tilespmem:$0x1F720] =	vst v63  }
0x6f: {  	_ =	swait.ge [sflag:s22], $0x2A80  }
0x70: {  	[sflag:s22] =	ssyncset.done $0x0  }
0x71: {  	s30 =	sadd.s32 $0x2710, s26;
	[sflag:s22] =	ssyncadd.s32 $0xFFFFD580  }
0x72: {  	[spmem:s2] =	stream.indirect.scatter.add.f32 [tilespmem:s19], [sflag:$0x3], $0x88, s30, s20, $0xb8;
	[tilespmem:$0x1F720] =	vst v63  }
0x73: {  	_ =	swait.ge [sflag:s17], $0x2A80  }
0x74: {  	[sflag:s17] =	ssyncset.done $0x0  }
0x75: {  	s31 =	sadd.s32 $0xA0, s26;
	[sflag:s17] =	ssyncadd.s32 $0xFFFFD580  }
0x76: {  	[tilespmem:s19], [sflag:$0x1] =	stream.indirect.gather [hbm4b:s4+s20], $0x88, s31, s20, $0xb8;
	[tilespmem:$0x1F720] =	vst v63  }
0x77: {  	_ =	swait.ge [sflag:s23], $0x2A80  }
0x78: {  	[sflag:s23] =	ssyncset.done $0x0  }
0x79: {  	s29 =	sadd.s32 $0x2760, s26;
	[sflag:s23] =	ssyncadd.s32 $0xFFFFD580  }
0x7a: {  	[spmem:s2] =	stream.indirect.scatter.add.f32 [tilespmem:s21], [sflag:$0x3], $0x88, s29, s20, $0xb8;
	[tilespmem:$0x1F720] =	vst v63  }
0x7b: {  	_ =	swait.ge [sflag:s17], $0x2A80  }
0x7c: {  	[sflag:s17] =	ssyncset.done $0x0  }
0x7d: {  	[sflag:s17] =	ssyncadd.s32 $0xFFFFD580  }
0x7e: {  	_ =	swait.ge [sflag:s22], $0x2A80  }
0x7f: {  	[sflag:s22] =	ssyncset.done $0x0  }
0x80: {  	[sflag:s22] =	ssyncadd.s32 $0xFFFFD580  }
0x81: {  	[spmem:s2] =	stream.indirect.scatter.add.f32 [tilespmem:s19], [sflag:$0x3], $0x88, s24, s20, $0xb8;
	[tilespmem:$0x1F720] =	vst v63  }
0x82: {  	_ =	swait.ge [sflag:s17], $0x2A80  }
0x83: {  	s25 =	sadd.s32 $0x1, s25;
	s30 =	sshll.u32 s0, $0x6;
	[sflag:s17] =	ssyncset.done $0x0  }
0x84: {  	p0 =	sne.s32 s25, s16;
	s26 =	sor.u32 $0x1C03, s30;
	[sflag:s17] =	ssyncadd.s32 $0xFFFFD580  }
.Ltmp2:
0x85: {  	s31 =	sshrl.u32 s7, $0x3;
	[bflag:$0x0] =	sbarrier.arrive $0xFFFF;
	(pc) =	sbr.rel @p0 .LBB2_1-.Ltmp2, $4  }
0x86: {  	[hbm:s15], [sflag:s26] =	dma.local [spmem:s31], $0x2A80  }
0x87: {  	_ =	swait.ge [sflag:s17], $0x2A80  }
0x88: {  	[sflag:s17] =	ssyncset.done $0x0  }
0x89: {  	[sflag:s17] =	ssyncadd.s32 $0xFFFFD580  }
0x8a: {  	_ =	sfence.sel $0x180000  }
0x8b: {  	[bflag:$0x0] =	sbarrier.arrive $0xFFFF  }
0x8c: {  	p0 =	sne.s32 s0, $0x0;
	_ =	strace $0x90000047  }
0x8d: {  	s0 =	sadd.s32 @!p0 $0x100000, s1;
	[bflag:$0x2] =	sbarrier.arrive $0xFFFF  }
0x8e: {  	[sflag:s0] =	ssyncadd.tile.s32 @!p0 $0x1;
	_ =	shalt  }
.Lfunc_end2:
_tile_overlayer_lowered:
.L_overlay_start_2:
0x8f: {  	(tag) =	ssettag $0x2  }
0x90: {  	s0 =	rddreg [dreg:$0x0];
	s2 =	stileid.u32  }
0x91: {  	s1 =	rddreg [dreg:$0x1];
	p0 =	sne.s32 s2, $0x0  }
0x92: {  	s3 =	rddreg [dreg:$0x2];
	[bflag:$0x3] =	sbarrier.arrive $0xFFFF;
	s2 =	simm.s32 @!p0 $0x1C03  }
0x93: {  	[timem:s3], [sflag:s2] =	dma.local @!p0 [hbm:s0], s1  }
0x94: {  	s0 =	simm.s32 @!p0 $0x3  }
0x95: {  	_ =	swait.ge @!p0 [sflag:s0], s1  }
0x96: {  	s1 =	ssub.s32 @!p0 $0x0, s1;
	[sflag:s0] =	ssyncset.done @!p0 $0x0  }
0x97: {  	[sflag:s0] =	ssyncadd.s32 @!p0 s1  }
0x98: {  	[bflag:$0x3] =	sbarrier.arrive $0xFFFF  }
0x99: {  	_ =	shalt  }

</sc_bundles>
